<compile_context>
chip_gen: v7x
topology: tpu7x:2x2x1
jax: 0.10.2.dev20260603
libtpu: 0.0.44.dev20260713+nightly
codegen_flags: <defaults>
</compile_context>

<pallas_src>
import functools

import jax
import jax.numpy as jnp
from jax import lax
from jax.experimental import pallas as pl
from jax.experimental.pallas import tpu as pltpu
from jax.experimental.pallas import tpu_sc as plsc

DIM_ = 64
NC_ = 2
NS_ = 16
NW_ = NC_ * NS_
V_ = 1000000
PADD_ = 128

CHUNK_ = 128
GRP_ = 20
NBUF_ = 10
DEPTH_ = 7


@functools.partial(jax.jit, static_argnames=("n_groups",))
def _gather_call(idx4, table, *, n_groups):
    n_chunks = n_groups * GRP_
    B = NW_ * n_chunks * CHUNK_
    mesh = plsc.VectorSubcoreMesh(core_axis_name="c", subcore_axis_name="s")

    sem_types = [pltpu.SemaphoreType.DMA] * (2 * NBUF_ + 1)

    @functools.partial(
        pl.kernel,
        mesh=mesh,
        out_type=jax.ShapeDtypeStruct((B, PADD_), jnp.float32),
        scratch_types=[
            pltpu.VMEM((2, GRP_, CHUNK_), jnp.int32),
            pltpu.VMEM((NBUF_, CHUNK_, DIM_), jnp.float32),
        ] + sem_types,
        compiler_params=pltpu.CompilerParams(use_tc_tiling_on_sc=False),
    )
    def k(idx_hbm, table_hbm, out_hbm, idx_v, rows_v, *sems):
        gsem = sems[:NBUF_]
        ssem = sems[NBUF_:2 * NBUF_]
        isem = sems[2 * NBUF_:]
        wid = lax.axis_index("s") * NC_ + lax.axis_index("c")
        base = wid * n_chunks * CHUNK_

        def idx_copy(g, gb):
            return pltpu.make_async_copy(idx_hbm.at[wid, g], idx_v.at[gb],
                                         isem[0])

        def start_gather(gb, j, b):
            pltpu.async_copy(table_hbm.at[idx_v.at[gb, j]], rows_v.at[b],
                             gsem[b])

        def wait_gather(b):
            pltpu.make_async_copy(table_hbm.at[idx_v.at[0, 0]], rows_v.at[b],
                                  gsem[b]).wait()

        def start_store(s, b):
            pltpu.async_copy(
                rows_v.at[b],
                out_hbm.at[pl.ds(base + s * CHUNK_, CHUNK_), pl.ds(0, DIM_)],
                ssem[b])

        def wait_store(b):
            pltpu.make_async_copy(
                rows_v.at[b],
                out_hbm.at[pl.ds(0, CHUNK_), pl.ds(0, DIM_)],
                ssem[b]).wait()

        pltpu.sync_copy(idx_hbm.at[wid, 0], idx_v.at[0])
        for j in range(DEPTH_):
            start_gather(0, j, j % NBUF_)

        def group_body(g, carry):
            gb_cur = g % 2
            gb_nxt = (g + 1) % 2
            for j in range(GRP_):
                s = g * GRP_ + j
                b = j % NBUF_

                if j == 0:
                    @pl.when(g + 1 < n_groups)
                    def _():
                        idx_copy(g + 1, gb_nxt).start()

                wait_gather(b)
                start_store(s, b)

                nxt_j = j + DEPTH_
                b2 = nxt_j % NBUF_

                @pl.when(s + DEPTH_ >= NBUF_)
                def _():
                    wait_store(b2)

                if j == GRP_ - DEPTH_:
                    @pl.when(g + 1 < n_groups)
                    def _():
                        idx_copy(g + 1, gb_nxt).wait()

                if nxt_j < GRP_:
                    @pl.when(s + DEPTH_ < n_chunks)
                    def _():
                        start_gather(gb_cur, nxt_j, b2)
                else:
                    @pl.when(s + DEPTH_ < n_chunks)
                    def _():
                        start_gather(gb_nxt, nxt_j - GRP_, b2)
            return carry

        lax.fori_loop(0, n_groups, group_body, 0)

        und = NBUF_ - DEPTH_
        for i in range(und):
            wait_store((n_chunks - und + i) % NBUF_)

    return k(idx4, table)


def kernel(x, emb_weight):
    B = x.shape[0] * x.shape[1]
    n_groups = B // (NW_ * GRP_ * CHUNK_)
    idx4 = x.reshape(NW_, n_groups, GRP_, CHUNK_).astype(jnp.int32)
    out = _gather_call(idx4, emb_weight, n_groups=n_groups)
    return out[:, :DIM_].reshape(x.shape[0], x.shape[1], DIM_)

# --- scband reference (transcript-rebuilt; emitter-appended) ---
"""Pipeline reference for scband-token-embedding-38379827757564 (READ-ONLY COPY).

The authoritative reference and input builder live on the scoring server;
editing this copy changes nothing except your own understanding.
"""

import jax, jax.numpy as jnp
import numpy as np

DIM = 64
NUM_TOKENS = 1000000

def setup_inputs(seed: int = 0) -> dict:
    key = jax.random.key(seed)
    k1, k2 = jax.random.split(key)
    x = jax.random.randint(k1, (4096, 200), 0, NUM_TOKENS, dtype=jnp.int64 if jax.config.jax_enable_x64 else jnp.int32)
    emb_weight = jax.random.normal(k2, (NUM_TOKENS, DIM), dtype=jnp.float32)
    return {"x": x, "emb_weight": emb_weight}

def reference(x, emb_weight):
    # TokenEmbedding.forward: token_emb = self.emb(x.long()); l2_norm=False
    token_emb = jnp.take(emb_weight, x, axis=0)
    return token_emb

if __name__ == "__main__":
    import jax
    _d = setup_inputs()
    print(jax.jit(kernel)(*tuple(_d.values())))

</pallas_src>

<mosaic_0001>
#map = affine_map<(d0, d1) -> (0, 0, 0, 0)>
#map1 = affine_map<(d0, d1) -> (0, 0)>
module attributes {stable_mosaic.version = 14 : i64} {
  func.func @k(%arg0: i32, %arg1: i32, %arg2: memref<32x10x20x128xi32, #tpu.memory_space<hbm>>, %arg3: memref<1000000x64xf32, #tpu.memory_space<hbm>>, %arg4: memref<819200x128xf32, #tpu.memory_space<hbm>>, %arg5: memref<2x20x128xi32, #tpu.memory_space<vmem>>, %arg6: memref<10x128x64xf32, #tpu.memory_space<vmem>>, %arg7: memref<!tpu.dma_semaphore, #tpu.memory_space<semaphore_mem>>, %arg8: memref<!tpu.dma_semaphore, #tpu.memory_space<semaphore_mem>>, %arg9: memref<!tpu.dma_semaphore, #tpu.memory_space<semaphore_mem>>, %arg10: memref<!tpu.dma_semaphore, #tpu.memory_space<semaphore_mem>>, %arg11: memref<!tpu.dma_semaphore, #tpu.memory_space<semaphore_mem>>, %arg12: memref<!tpu.dma_semaphore, #tpu.memory_space<semaphore_mem>>, %arg13: memref<!tpu.dma_semaphore, #tpu.memory_space<semaphore_mem>>, %arg14: memref<!tpu.dma_semaphore, #tpu.memory_space<semaphore_mem>>, %arg15: memref<!tpu.dma_semaphore, #tpu.memory_space<semaphore_mem>>, %arg16: memref<!tpu.dma_semaphore, #tpu.memory_space<semaphore_mem>>, %arg17: memref<!tpu.dma_semaphore, #tpu.memory_space<semaphore_mem>>, %arg18: memref<!tpu.dma_semaphore, #tpu.memory_space<semaphore_mem>>, %arg19: memref<!tpu.dma_semaphore, #tpu.memory_space<semaphore_mem>>, %arg20: memref<!tpu.dma_semaphore, #tpu.memory_space<semaphore_mem>>, %arg21: memref<!tpu.dma_semaphore, #tpu.memory_space<semaphore_mem>>, %arg22: memref<!tpu.dma_semaphore, #tpu.memory_space<semaphore_mem>>, %arg23: memref<!tpu.dma_semaphore, #tpu.memory_space<semaphore_mem>>, %arg24: memref<!tpu.dma_semaphore, #tpu.memory_space<semaphore_mem>>, %arg25: memref<!tpu.dma_semaphore, #tpu.memory_space<semaphore_mem>>, %arg26: memref<!tpu.dma_semaphore, #tpu.memory_space<semaphore_mem>>, %arg27: memref<!tpu.dma_semaphore, #tpu.memory_space<semaphore_mem>>) attributes {dimension_semantics = [#tpu.dimension_semantics<core_parallel>, #tpu.dimension_semantics<subcore_parallel>], iteration_bounds = array<i64: 2, 16>, scalar_prefetch = 0 : i64, scratch_operands = 23 : i64, tpu.core_type = #tpu.core_type<sc_vector_subcore>, window_params = [{transform_indices = #map}, {transform_indices = #map1}, {transform_indices = #map1}]} {
    %mul3A = arith.constant 2 : i32
    %mul3A_0 = arith.muli %arg1, %mul3A : i32
    %add3A = arith.addi %mul3A_0, %arg0 : i32
    %mul3A_1 = arith.constant 200 : i32
    %mul3A_2 = arith.muli %add3A, %mul3A_1 : i32
    %mul3A_3 = arith.constant 128 : i32
    %mul3A_4 = arith.muli %mul3A_2, %mul3A_3 : i32
    %run_scoped3A = arith.constant 0 : i32
    %run_scoped3A_5 = arith.constant 0 : i32
    "tpu.region"() ({
      %run_scoped3A_145 = tpu.sem_alloc : memref<!tpu.dma_semaphore, #tpu.memory_space<semaphore_mem>>
      %dma_start3A_146 = arith.constant 0 : i32
      %dma_start3A_147 = arith.constant 0 : i32
      %dma_start3A_148 = tpu.memref_slice %arg5[%run_scoped3A_5, %dma_start3A_146, %dma_start3A_147] : memref<2x20x128xi32, #tpu.memory_space<vmem>> -> memref<1x20x128xi32, #tpu.memory_space<vmem>>
      %dma_start3A_149 = tpu.memref_squeeze %dma_start3A_148 : memref<1x20x128xi32, #tpu.memory_space<vmem>> -> memref<20x128xi32, #tpu.memory_space<vmem>>
      %dma_start3A_150 = arith.constant 0 : i32
      %dma_start3A_151 = arith.constant 0 : i32
      %dma_start3A_152 = tpu.memref_slice %arg2[%add3A, %run_scoped3A, %dma_start3A_150, %dma_start3A_151] : memref<32x10x20x128xi32, #tpu.memory_space<hbm>> -> memref<1x1x20x128xi32, #tpu.memory_space<hbm>>
      %dma_start3A_153 = tpu.memref_squeeze %dma_start3A_152 : memref<1x1x20x128xi32, #tpu.memory_space<hbm>> -> memref<20x128xi32, #tpu.memory_space<hbm>>
      %dma_start3A_154 = arith.constant 0 : i32
      %dma_start3A_155 = arith.constant 0 : i32
      %dma_start3A_156 = tpu.memref_slice %arg5[%run_scoped3A_5, %dma_start3A_154, %dma_start3A_155] : memref<2x20x128xi32, #tpu.memory_space<vmem>> -> memref<1x20x128xi32, #tpu.memory_space<vmem>>
      %dma_start3A_157 = tpu.memref_squeeze %dma_start3A_156 : memref<1x20x128xi32, #tpu.memory_space<vmem>> -> memref<20x128xi32, #tpu.memory_space<vmem>>
      %dma_start3A_158 = arith.constant 0 : i32
      %dma_start3A_159 = arith.constant 0 : i32
      %dma_start3A_160 = tpu.memref_slice %arg2[%add3A, %run_scoped3A, %dma_start3A_158, %dma_start3A_159] : memref<32x10x20x128xi32, #tpu.memory_space<hbm>> -> memref<1x1x20x128xi32, #tpu.memory_space<hbm>>
      %dma_start3A_161 = tpu.memref_squeeze %dma_start3A_160 : memref<1x1x20x128xi32, #tpu.memory_space<hbm>> -> memref<20x128xi32, #tpu.memory_space<hbm>>
      tpu.enqueue_dma source(%dma_start3A_161 : memref<20x128xi32, #tpu.memory_space<hbm>>) target(%dma_start3A_157 : memref<20x128xi32, #tpu.memory_space<vmem>>) target_semaphore(%run_scoped3A_145 : memref<!tpu.dma_semaphore, #tpu.memory_space<semaphore_mem>>)
      %dma_wait3A_162 = arith.constant 0 : i32
      %dma_wait3A_163 = arith.constant 0 : i32
      %dma_wait3A_164 = tpu.memref_slice %arg5[%run_scoped3A_5, %dma_wait3A_162, %dma_wait3A_163] : memref<2x20x128xi32, #tpu.memory_space<vmem>> -> memref<1x20x128xi32, #tpu.memory_space<vmem>>
      %dma_wait3A_165 = tpu.memref_squeeze %dma_wait3A_164 : memref<1x20x128xi32, #tpu.memory_space<vmem>> -> memref<20x128xi32, #tpu.memory_space<vmem>>
      %dma_wait3A_166 = arith.constant 0 : i32
      %dma_wait3A_167 = arith.constant 0 : i32
      %dma_wait3A_168 = tpu.memref_slice %arg2[%add3A, %run_scoped3A, %dma_wait3A_166, %dma_wait3A_167] : memref<32x10x20x128xi32, #tpu.memory_space<hbm>> -> memref<1x1x20x128xi32, #tpu.memory_space<hbm>>
      %dma_wait3A_169 = tpu.memref_squeeze %dma_wait3A_168 : memref<1x1x20x128xi32, #tpu.memory_space<hbm>> -> memref<20x128xi32, #tpu.memory_space<hbm>>
      %dma_wait3A_170 = arith.constant 0 : i32
      %dma_wait3A_171 = arith.constant 0 : i32
      %dma_wait3A_172 = tpu.memref_slice %arg5[%run_scoped3A_5, %dma_wait3A_170, %dma_wait3A_171] : memref<2x20x128xi32, #tpu.memory_space<vmem>> -> memref<1x20x128xi32, #tpu.memory_space<vmem>>
      %dma_wait3A_173 = tpu.memref_squeeze %dma_wait3A_172 : memref<1x20x128xi32, #tpu.memory_space<vmem>> -> memref<20x128xi32, #tpu.memory_space<vmem>>
      %dma_wait3A_174 = arith.constant 0 : i32
      %dma_wait3A_175 = arith.constant 0 : i32
      %dma_wait3A_176 = tpu.memref_slice %arg2[%add3A, %run_scoped3A, %dma_wait3A_174, %dma_wait3A_175] : memref<32x10x20x128xi32, #tpu.memory_space<hbm>> -> memref<1x1x20x128xi32, #tpu.memory_space<hbm>>
      %dma_wait3A_177 = tpu.memref_squeeze %dma_wait3A_176 : memref<1x1x20x128xi32, #tpu.memory_space<hbm>> -> memref<20x128xi32, #tpu.memory_space<hbm>>
      tpu.wait_dma2 semaphore(%run_scoped3A_145 : memref<!tpu.dma_semaphore, #tpu.memory_space<semaphore_mem>>) src(%dma_wait3A_177 : memref<20x128xi32, #tpu.memory_space<hbm>>) dst(%dma_wait3A_173 : memref<20x128xi32, #tpu.memory_space<vmem>>)
      tpu.yield
    }) : () -> ()
    %dma_start3A = arith.constant 0 : i32
    %dma_start3A_6 = arith.constant 0 : i32
    %dma_start3A_7 = arith.constant 0 : i32
    %dma_start3A_8 = arith.constant 0 : i32
    %dma_start3A_9 = arith.constant 0 : i32
    %dma_start3A_10 = tpu.memref_slice %arg6[%dma_start3A_7, %dma_start3A_8, %dma_start3A_9] : memref<10x128x64xf32, #tpu.memory_space<vmem>> -> memref<1x128x64xf32, #tpu.memory_space<vmem>>
    %dma_start3A_11 = tpu.memref_squeeze %dma_start3A_10 : memref<1x128x64xf32, #tpu.memory_space<vmem>> -> memref<128x64xf32, #tpu.memory_space<vmem>>
    %dma_start3A_12 = arith.constant 0 : i32
    %dma_start3A_13 = tpu.memref_slice %arg5[%dma_start3A, %dma_start3A_6, %dma_start3A_12] : memref<2x20x128xi32, #tpu.memory_space<vmem>> -> memref<1x1x128xi32, #tpu.memory_space<vmem>>
    %dma_start3A_14 = tpu.memref_squeeze %dma_start3A_13 : memref<1x1x128xi32, #tpu.memory_space<vmem>> -> memref<128xi32, #tpu.memory_space<vmem>>
    %dma_start3A_15 = arith.constant 0 : i32
    %dma_start3A_16 = arith.constant 0 : i32
    %dma_start3A_17 = tpu.memref_slice %arg3[%dma_start3A_15, %dma_start3A_16] : memref<1000000x64xf32, #tpu.memory_space<hbm>> -> memref<1000000x64xf32, #tpu.memory_space<hbm>>
    tpu.enqueue_indirect_dma source(%dma_start3A_17 : memref<1000000x64xf32, #tpu.memory_space<hbm>>) target(%dma_start3A_11 : memref<128x64xf32, #tpu.memory_space<vmem>>) offsets(%dma_start3A_14 : memref<128xi32, #tpu.memory_space<vmem>>) semaphore(%arg7 : memref<!tpu.dma_semaphore, #tpu.memory_space<semaphore_mem>>)
    %dma_start3A_18 = arith.constant 0 : i32
    %dma_start3A_19 = arith.constant 1 : i32
    %dma_start3A_20 = arith.constant 1 : i32
    %dma_start3A_21 = arith.constant 0 : i32
    %dma_start3A_22 = arith.constant 0 : i32
    %dma_start3A_23 = tpu.memref_slice %arg6[%dma_start3A_20, %dma_start3A_21, %dma_start3A_22] : memref<10x128x64xf32, #tpu.memory_space<vmem>> -> memref<1x128x64xf32, #tpu.memory_space<vmem>>
    %dma_start3A_24 = tpu.memref_squeeze %dma_start3A_23 : memref<1x128x64xf32, #tpu.memory_space<vmem>> -> memref<128x64xf32, #tpu.memory_space<vmem>>
    %dma_start3A_25 = arith.constant 0 : i32
    %dma_start3A_26 = tpu.memref_slice %arg5[%dma_start3A_18, %dma_start3A_19, %dma_start3A_25] : memref<2x20x128xi32, #tpu.memory_space<vmem>> -> memref<1x1x128xi32, #tpu.memory_space<vmem>>
    %dma_start3A_27 = tpu.memref_squeeze %dma_start3A_26 : memref<1x1x128xi32, #tpu.memory_space<vmem>> -> memref<128xi32, #tpu.memory_space<vmem>>
    %dma_start3A_28 = arith.constant 0 : i32
    %dma_start3A_29 = arith.constant 0 : i32
    %dma_start3A_30 = tpu.memref_slice %arg3[%dma_start3A_28, %dma_start3A_29] : memref<1000000x64xf32, #tpu.memory_space<hbm>> -> memref<1000000x64xf32, #tpu.memory_space<hbm>>
    tpu.enqueue_indirect_dma source(%dma_start3A_30 : memref<1000000x64xf32, #tpu.memory_space<hbm>>) target(%dma_start3A_24 : memref<128x64xf32, #tpu.memory_space<vmem>>) offsets(%dma_start3A_27 : memref<128xi32, #tpu.memory_space<vmem>>) semaphore(%arg8 : memref<!tpu.dma_semaphore, #tpu.memory_space<semaphore_mem>>)
    %dma_start3A_31 = arith.constant 0 : i32
    %dma_start3A_32 = arith.constant 2 : i32
    %dma_start3A_33 = arith.constant 2 : i32
    %dma_start3A_34 = arith.constant 0 : i32
    %dma_start3A_35 = arith.constant 0 : i32
    %dma_start3A_36 = tpu.memref_slice %arg6[%dma_start3A_33, %dma_start3A_34, %dma_start3A_35] : memref<10x128x64xf32, #tpu.memory_space<vmem>> -> memref<1x128x64xf32, #tpu.memory_space<vmem>>
    %dma_start3A_37 = tpu.memref_squeeze %dma_start3A_36 : memref<1x128x64xf32, #tpu.memory_space<vmem>> -> memref<128x64xf32, #tpu.memory_space<vmem>>
    %dma_start3A_38 = arith.constant 0 : i32
    %dma_start3A_39 = tpu.memref_slice %arg5[%dma_start3A_31, %dma_start3A_32, %dma_start3A_38] : memref<2x20x128xi32, #tpu.memory_space<vmem>> -> memref<1x1x128xi32, #tpu.memory_space<vmem>>
    %dma_start3A_40 = tpu.memref_squeeze %dma_start3A_39 : memref<1x1x128xi32, #tpu.memory_space<vmem>> -> memref<128xi32, #tpu.memory_space<vmem>>
    %dma_start3A_41 = arith.constant 0 : i32
    %dma_start3A_42 = arith.constant 0 : i32
    %dma_start3A_43 = tpu.memref_slice %arg3[%dma_start3A_41, %dma_start3A_42] : memref<1000000x64xf32, #tpu.memory_space<hbm>> -> memref<1000000x64xf32, #tpu.memory_space<hbm>>
    tpu.enqueue_indirect_dma source(%dma_start3A_43 : memref<1000000x64xf32, #tpu.memory_space<hbm>>) target(%dma_start3A_37 : memref<128x64xf32, #tpu.memory_space<vmem>>) offsets(%dma_start3A_40 : memref<128xi32, #tpu.memory_space<vmem>>) semaphore(%arg9 : memref<!tpu.dma_semaphore, #tpu.memory_space<semaphore_mem>>)
    %dma_start3A_44 = arith.constant 0 : i32
    %dma_start3A_45 = arith.constant 3 : i32
    %dma_start3A_46 = arith.constant 3 : i32
    %dma_start3A_47 = arith.constant 0 : i32
    %dma_start3A_48 = arith.constant 0 : i32
    %dma_start3A_49 = tpu.memref_slice %arg6[%dma_start3A_46, %dma_start3A_47, %dma_start3A_48] : memref<10x128x64xf32, #tpu.memory_space<vmem>> -> memref<1x128x64xf32, #tpu.memory_space<vmem>>
    %dma_start3A_50 = tpu.memref_squeeze %dma_start3A_49 : memref<1x128x64xf32, #tpu.memory_space<vmem>> -> memref<128x64xf32, #tpu.memory_space<vmem>>
    %dma_start3A_51 = arith.constant 0 : i32
    %dma_start3A_52 = tpu.memref_slice %arg5[%dma_start3A_44, %dma_start3A_45, %dma_start3A_51] : memref<2x20x128xi32, #tpu.memory_space<vmem>> -> memref<1x1x128xi32, #tpu.memory_space<vmem>>
    %dma_start3A_53 = tpu.memref_squeeze %dma_start3A_52 : memref<1x1x128xi32, #tpu.memory_space<vmem>> -> memref<128xi32, #tpu.memory_space<vmem>>
    %dma_start3A_54 = arith.constant 0 : i32
    %dma_start3A_55 = arith.constant 0 : i32
    %dma_start3A_56 = tpu.memref_slice %arg3[%dma_start3A_54, %dma_start3A_55] : memref<1000000x64xf32, #tpu.memory_space<hbm>> -> memref<1000000x64xf32, #tpu.memory_space<hbm>>
    tpu.enqueue_indirect_dma source(%dma_start3A_56 : memref<1000000x64xf32, #tpu.memory_space<hbm>>) target(%dma_start3A_50 : memref<128x64xf32, #tpu.memory_space<vmem>>) offsets(%dma_start3A_53 : memref<128xi32, #tpu.memory_space<vmem>>) semaphore(%arg10 : memref<!tpu.dma_semaphore, #tpu.memory_space<semaphore_mem>>)
    %dma_start3A_57 = arith.constant 0 : i32
    %dma_start3A_58 = arith.constant 4 : i32
    %dma_start3A_59 = arith.constant 4 : i32
    %dma_start3A_60 = arith.constant 0 : i32
    %dma_start3A_61 = arith.constant 0 : i32
    %dma_start3A_62 = tpu.memref_slice %arg6[%dma_start3A_59, %dma_start3A_60, %dma_start3A_61] : memref<10x128x64xf32, #tpu.memory_space<vmem>> -> memref<1x128x64xf32, #tpu.memory_space<vmem>>
    %dma_start3A_63 = tpu.memref_squeeze %dma_start3A_62 : memref<1x128x64xf32, #tpu.memory_space<vmem>> -> memref<128x64xf32, #tpu.memory_space<vmem>>
    %dma_start3A_64 = arith.constant 0 : i32
    %dma_start3A_65 = tpu.memref_slice %arg5[%dma_start3A_57, %dma_start3A_58, %dma_start3A_64] : memref<2x20x128xi32, #tpu.memory_space<vmem>> -> memref<1x1x128xi32, #tpu.memory_space<vmem>>
    %dma_start3A_66 = tpu.memref_squeeze %dma_start3A_65 : memref<1x1x128xi32, #tpu.memory_space<vmem>> -> memref<128xi32, #tpu.memory_space<vmem>>
    %dma_start3A_67 = arith.constant 0 : i32
    %dma_start3A_68 = arith.constant 0 : i32
    %dma_start3A_69 = tpu.memref_slice %arg3[%dma_start3A_67, %dma_start3A_68] : memref<1000000x64xf32, #tpu.memory_space<hbm>> -> memref<1000000x64xf32, #tpu.memory_space<hbm>>
    tpu.enqueue_indirect_dma source(%dma_start3A_69 : memref<1000000x64xf32, #tpu.memory_space<hbm>>) target(%dma_start3A_63 : memref<128x64xf32, #tpu.memory_space<vmem>>) offsets(%dma_start3A_66 : memref<128xi32, #tpu.memory_space<vmem>>) semaphore(%arg11 : memref<!tpu.dma_semaphore, #tpu.memory_space<semaphore_mem>>)
    %dma_start3A_70 = arith.constant 0 : i32
    %dma_start3A_71 = arith.constant 5 : i32
    %dma_start3A_72 = arith.constant 5 : i32
    %dma_start3A_73 = arith.constant 0 : i32
    %dma_start3A_74 = arith.constant 0 : i32
    %dma_start3A_75 = tpu.memref_slice %arg6[%dma_start3A_72, %dma_start3A_73, %dma_start3A_74] : memref<10x128x64xf32, #tpu.memory_space<vmem>> -> memref<1x128x64xf32, #tpu.memory_space<vmem>>
    %dma_start3A_76 = tpu.memref_squeeze %dma_start3A_75 : memref<1x128x64xf32, #tpu.memory_space<vmem>> -> memref<128x64xf32, #tpu.memory_space<vmem>>
    %dma_start3A_77 = arith.constant 0 : i32
    %dma_start3A_78 = tpu.memref_slice %arg5[%dma_start3A_70, %dma_start3A_71, %dma_start3A_77] : memref<2x20x128xi32, #tpu.memory_space<vmem>> -> memref<1x1x128xi32, #tpu.memory_space<vmem>>
    %dma_start3A_79 = tpu.memref_squeeze %dma_start3A_78 : memref<1x1x128xi32, #tpu.memory_space<vmem>> -> memref<128xi32, #tpu.memory_space<vmem>>
    %dma_start3A_80 = arith.constant 0 : i32
    %dma_start3A_81 = arith.constant 0 : i32
    %dma_start3A_82 = tpu.memref_slice %arg3[%dma_start3A_80, %dma_start3A_81] : memref<1000000x64xf32, #tpu.memory_space<hbm>> -> memref<1000000x64xf32, #tpu.memory_space<hbm>>
    tpu.enqueue_indirect_dma source(%dma_start3A_82 : memref<1000000x64xf32, #tpu.memory_space<hbm>>) target(%dma_start3A_76 : memref<128x64xf32, #tpu.memory_space<vmem>>) offsets(%dma_start3A_79 : memref<128xi32, #tpu.memory_space<vmem>>) semaphore(%arg12 : memref<!tpu.dma_semaphore, #tpu.memory_space<semaphore_mem>>)
    %dma_start3A_83 = arith.constant 0 : i32
    %dma_start3A_84 = arith.constant 6 : i32
    %dma_start3A_85 = arith.constant 6 : i32
    %dma_start3A_86 = arith.constant 0 : i32
    %dma_start3A_87 = arith.constant 0 : i32
    %dma_start3A_88 = tpu.memref_slice %arg6[%dma_start3A_85, %dma_start3A_86, %dma_start3A_87] : memref<10x128x64xf32, #tpu.memory_space<vmem>> -> memref<1x128x64xf32, #tpu.memory_space<vmem>>
    %dma_start3A_89 = tpu.memref_squeeze %dma_start3A_88 : memref<1x128x64xf32, #tpu.memory_space<vmem>> -> memref<128x64xf32, #tpu.memory_space<vmem>>
    %dma_start3A_90 = arith.constant 0 : i32
    %dma_start3A_91 = tpu.memref_slice %arg5[%dma_start3A_83, %dma_start3A_84, %dma_start3A_90] : memref<2x20x128xi32, #tpu.memory_space<vmem>> -> memref<1x1x128xi32, #tpu.memory_space<vmem>>
    %dma_start3A_92 = tpu.memref_squeeze %dma_start3A_91 : memref<1x1x128xi32, #tpu.memory_space<vmem>> -> memref<128xi32, #tpu.memory_space<vmem>>
    %dma_start3A_93 = arith.constant 0 : i32
    %dma_start3A_94 = arith.constant 0 : i32
    %dma_start3A_95 = tpu.memref_slice %arg3[%dma_start3A_93, %dma_start3A_94] : memref<1000000x64xf32, #tpu.memory_space<hbm>> -> memref<1000000x64xf32, #tpu.memory_space<hbm>>
    tpu.enqueue_indirect_dma source(%dma_start3A_95 : memref<1000000x64xf32, #tpu.memory_space<hbm>>) target(%dma_start3A_89 : memref<128x64xf32, #tpu.memory_space<vmem>>) offsets(%dma_start3A_92 : memref<128xi32, #tpu.memory_space<vmem>>) semaphore(%arg13 : memref<!tpu.dma_semaphore, #tpu.memory_space<semaphore_mem>>)
    %scan3A = arith.constant 0 : i32
    %scan3A_96 = arith.constant 0 : i32
    %scan3A_97 = arith.constant 10 : i32
    %scan3A_98 = arith.addi %scan3A_96, %scan3A_97 : i32
    %scan3A_99 = arith.constant 1 : i32
    scf.for %scan3A_145 = %scan3A_96 to %scan3A_98 step %scan3A_99  : i32 {
      %jit3A = arith.constant 2 : i32
      %eq3A = arith.constant 0 : i32
      %eq3A_146 = arith.cmpi eq, %jit3A, %eq3A : i32
      %jit3A_147 = arith.constant 1 : i32
      %select_n3A = arith.select %eq3A_146, %jit3A_147, %jit3A : i32
      %rem3A = arith.remsi %scan3A_145, %select_n3A : i32
      %ne3A = arith.constant 0 : i32
      %ne3A_148 = arith.cmpi ne, %rem3A, %ne3A : i32
      %lt3A = arith.constant 0 : i32
      %lt3A_149 = arith.cmpi slt, %rem3A, %lt3A : i32
      %lt3A_150 = arith.constant 0 : i32
      %lt3A_151 = arith.cmpi slt, %select_n3A, %lt3A_150 : i32
      %ne3A_152 = arith.xori %lt3A_149, %lt3A_151 : i1
      %and3A = arith.andi %ne3A_152, %ne3A_148 : i1
      %add3A_153 = arith.addi %rem3A, %select_n3A : i32
      %select_n3A_154 = arith.select %and3A, %add3A_153, %rem3A : i32
      %add3A_155 = arith.constant 1 : i32
      %add3A_156 = arith.addi %scan3A_145, %add3A_155 : i32
      %jit3A_157 = arith.constant 2 : i32
      %eq3A_158 = arith.constant 0 : i32
      %eq3A_159 = arith.cmpi eq, %jit3A_157, %eq3A_158 : i32
      %jit3A_160 = arith.constant 1 : i32
      %select_n3A_161 = arith.select %eq3A_159, %jit3A_160, %jit3A_157 : i32
      %rem3A_162 = arith.remsi %add3A_156, %select_n3A_161 : i32
      %ne3A_163 = arith.constant 0 : i32
      %ne3A_164 = arith.cmpi ne, %rem3A_162, %ne3A_163 : i32
      %lt3A_165 = arith.constant 0 : i32
      %lt3A_166 = arith.cmpi slt, %rem3A_162, %lt3A_165 : i32
      %lt3A_167 = arith.constant 0 : i32
      %lt3A_168 = arith.cmpi slt, %select_n3A_161, %lt3A_167 : i32
      %ne3A_169 = arith.xori %lt3A_166, %lt3A_168 : i1
      %and3A_170 = arith.andi %ne3A_169, %ne3A_164 : i1
      %add3A_171 = arith.addi %rem3A_162, %select_n3A_161 : i32
      %select_n3A_172 = arith.select %and3A_170, %add3A_171, %rem3A_162 : i32
      %mul3A_173 = arith.constant 20 : i32
      %mul3A_174 = arith.muli %scan3A_145, %mul3A_173 : i32
      %add3A_175 = arith.constant 0 : i32
      %add3A_176 = arith.addi %mul3A_174, %add3A_175 : i32
      %add3A_177 = arith.constant 1 : i32
      %add3A_178 = arith.addi %scan3A_145, %add3A_177 : i32
      %lt3A_179 = arith.constant 10 : i32
      %lt3A_180 = arith.cmpi slt, %add3A_178, %lt3A_179 : i32
      %convert_element_type3A = arith.extui %lt3A_180 : i1 to i32
      %cond3A = arith.constant 0 : i32
      %cond3A_181 = arith.cmpi ne, %convert_element_type3A, %cond3A : i32
      scf.if %cond3A_181 {
        %add3A_1124 = arith.constant 1 : i32
        %add3A_1125 = arith.addi %scan3A_145, %add3A_1124 : i32
        %dma_start3A_1126 = arith.constant 0 : i32
        %dma_start3A_1127 = arith.constant 0 : i32
        %dma_start3A_1128 = tpu.memref_slice %arg5[%select_n3A_172, %dma_start3A_1126, %dma_start3A_1127] : memref<2x20x128xi32, #tpu.memory_space<vmem>> -> memref<1x20x128xi32, #tpu.memory_space<vmem>>
        %dma_start3A_1129 = tpu.memref_squeeze %dma_start3A_1128 : memref<1x20x128xi32, #tpu.memory_space<vmem>> -> memref<20x128xi32, #tpu.memory_space<vmem>>
        %dma_start3A_1130 = arith.constant 0 : i32
        %dma_start3A_1131 = arith.constant 0 : i32
        %dma_start3A_1132 = tpu.memref_slice %arg2[%add3A, %add3A_1125, %dma_start3A_1130, %dma_start3A_1131] : memref<32x10x20x128xi32, #tpu.memory_space<hbm>> -> memref<1x1x20x128xi32, #tpu.memory_space<hbm>>
        %dma_start3A_1133 = tpu.memref_squeeze %dma_start3A_1132 : memref<1x1x20x128xi32, #tpu.memory_space<hbm>> -> memref<20x128xi32, #tpu.memory_space<hbm>>
        %dma_start3A_1134 = arith.constant 0 : i32
        %dma_start3A_1135 = arith.constant 0 : i32
        %dma_start3A_1136 = tpu.memref_slice %arg5[%select_n3A_172, %dma_start3A_1134, %dma_start3A_1135] : memref<2x20x128xi32, #tpu.memory_space<vmem>> -> memref<1x20x128xi32, #tpu.memory_space<vmem>>
        %dma_start3A_1137 = tpu.memref_squeeze %dma_start3A_1136 : memref<1x20x128xi32, #tpu.memory_space<vmem>> -> memref<20x128xi32, #tpu.memory_space<vmem>>
        %dma_start3A_1138 = arith.constant 0 : i32
        %dma_start3A_1139 = arith.constant 0 : i32
        %dma_start3A_1140 = tpu.memref_slice %arg2[%add3A, %add3A_1125, %dma_start3A_1138, %dma_start3A_1139] : memref<32x10x20x128xi32, #tpu.memory_space<hbm>> -> memref<1x1x20x128xi32, #tpu.memory_space<hbm>>
        %dma_start3A_1141 = tpu.memref_squeeze %dma_start3A_1140 : memref<1x1x20x128xi32, #tpu.memory_space<hbm>> -> memref<20x128xi32, #tpu.memory_space<hbm>>
        tpu.enqueue_dma source(%dma_start3A_1141 : memref<20x128xi32, #tpu.memory_space<hbm>>) target(%dma_start3A_1137 : memref<20x128xi32, #tpu.memory_space<vmem>>) target_semaphore(%arg27 : memref<!tpu.dma_semaphore, #tpu.memory_space<semaphore_mem>>)
      } else {
      }
      %dma_wait3A_182 = arith.constant 0 : i32
      %dma_wait3A_183 = arith.constant 0 : i32
      %dma_wait3A_184 = arith.constant 0 : i32
      %dma_wait3A_185 = arith.constant 0 : i32
      %dma_wait3A_186 = arith.constant 0 : i32
      %dma_wait3A_187 = tpu.memref_slice %arg6[%dma_wait3A_184, %dma_wait3A_185, %dma_wait3A_186] : memref<10x128x64xf32, #tpu.memory_space<vmem>> -> memref<1x128x64xf32, #tpu.memory_space<vmem>>
      %dma_wait3A_188 = tpu.memref_squeeze %dma_wait3A_187 : memref<1x128x64xf32, #tpu.memory_space<vmem>> -> memref<128x64xf32, #tpu.memory_space<vmem>>
      %dma_wait3A_189 = arith.constant 0 : i32
      %dma_wait3A_190 = tpu.memref_slice %arg5[%dma_wait3A_182, %dma_wait3A_183, %dma_wait3A_189] : memref<2x20x128xi32, #tpu.memory_space<vmem>> -> memref<1x1x128xi32, #tpu.memory_space<vmem>>
      %dma_wait3A_191 = tpu.memref_squeeze %dma_wait3A_190 : memref<1x1x128xi32, #tpu.memory_space<vmem>> -> memref<128xi32, #tpu.memory_space<vmem>>
      %dma_wait3A_192 = arith.constant 0 : i32
      %dma_wait3A_193 = arith.constant 0 : i32
      %dma_wait3A_194 = tpu.memref_slice %arg3[%dma_wait3A_192, %dma_wait3A_193] : memref<1000000x64xf32, #tpu.memory_space<hbm>> -> memref<1000000x64xf32, #tpu.memory_space<hbm>>
      tpu.wait_indirect_dma semaphore(%arg7 : memref<!tpu.dma_semaphore, #tpu.memory_space<semaphore_mem>>) src(%dma_wait3A_194 : memref<1000000x64xf32, #tpu.memory_space<hbm>>) dst(%dma_wait3A_188 : memref<128x64xf32, #tpu.memory_space<vmem>>)
      %mul3A_195 = arith.constant 128 : i32
      %mul3A_196 = arith.muli %add3A_176, %mul3A_195 : i32
      %add3A_197 = arith.addi %mul3A_4, %mul3A_196 : i32
      %dma_start3A_198 = arith.constant 0 : i32
      %dma_start3A_199 = arith.constant 0 : i32
      %dma_start3A_200 = arith.constant 0 : i32
      %dma_start3A_201 = tpu.memref_slice %arg6[%dma_start3A_198, %dma_start3A_199, %dma_start3A_200] : memref<10x128x64xf32, #tpu.memory_space<vmem>> -> memref<1x128x64xf32, #tpu.memory_space<vmem>>
      %dma_start3A_202 = tpu.memref_squeeze %dma_start3A_201 : memref<1x128x64xf32, #tpu.memory_space<vmem>> -> memref<128x64xf32, #tpu.memory_space<vmem>>
      %dma_start3A_203 = arith.constant 0 : i32
      %dma_start3A_204 = tpu.memref_slice %arg4[%add3A_197, %dma_start3A_203] : memref<819200x128xf32, #tpu.memory_space<hbm>> -> memref<128x64xf32, #tpu.memory_space<hbm>>
      %dma_start3A_205 = arith.constant 0 : i32
      %dma_start3A_206 = tpu.memref_slice %arg4[%add3A_197, %dma_start3A_205] : memref<819200x128xf32, #tpu.memory_space<hbm>> -> memref<128x64xf32, #tpu.memory_space<hbm>>
      %dma_start3A_207 = arith.constant 0 : i32
      %dma_start3A_208 = arith.constant 0 : i32
      %dma_start3A_209 = tpu.memref_slice %arg6[%dma_start3A_198, %dma_start3A_207, %dma_start3A_208] : memref<10x128x64xf32, #tpu.memory_space<vmem>> -> memref<1x128x64xf32, #tpu.memory_space<vmem>>
      %dma_start3A_210 = tpu.memref_squeeze %dma_start3A_209 : memref<1x128x64xf32, #tpu.memory_space<vmem>> -> memref<128x64xf32, #tpu.memory_space<vmem>>
      tpu.enqueue_dma source(%dma_start3A_210 : memref<128x64xf32, #tpu.memory_space<vmem>>) target(%dma_start3A_206 : memref<128x64xf32, #tpu.memory_space<hbm>>) target_semaphore(%arg17 : memref<!tpu.dma_semaphore, #tpu.memory_space<semaphore_mem>>)
      %add3A_211 = arith.constant 7 : i32
      %add3A_212 = arith.addi %add3A_176, %add3A_211 : i32
      %ge3A = arith.constant 10 : i32
      %ge3A_213 = arith.cmpi sge, %add3A_212, %ge3A : i32
      %convert_element_type3A_214 = arith.extui %ge3A_213 : i1 to i32
      %cond3A_215 = arith.constant 0 : i32
      %cond3A_216 = arith.cmpi ne, %convert_element_type3A_214, %cond3A_215 : i32
      scf.if %cond3A_216 {
        %dma_wait3A_1124 = arith.constant 7 : i32
        %dma_wait3A_1125 = arith.constant 0 : i32
        %dma_wait3A_1126 = arith.constant 0 : i32
        %dma_wait3A_1127 = tpu.memref_slice %arg6[%dma_wait3A_1124, %dma_wait3A_1125, %dma_wait3A_1126] : memref<10x128x64xf32, #tpu.memory_space<vmem>> -> memref<1x128x64xf32, #tpu.memory_space<vmem>>
        %dma_wait3A_1128 = tpu.memref_squeeze %dma_wait3A_1127 : memref<1x128x64xf32, #tpu.memory_space<vmem>> -> memref<128x64xf32, #tpu.memory_space<vmem>>
        %dma_wait3A_1129 = arith.constant 0 : i32
        %dma_wait3A_1130 = arith.constant 0 : i32
        %dma_wait3A_1131 = tpu.memref_slice %arg4[%dma_wait3A_1129, %dma_wait3A_1130] : memref<819200x128xf32, #tpu.memory_space<hbm>> -> memref<128x64xf32, #tpu.memory_space<hbm>>
        %dma_wait3A_1132 = arith.constant 0 : i32
        %dma_wait3A_1133 = arith.constant 0 : i32
        %dma_wait3A_1134 = tpu.memref_slice %arg4[%dma_wait3A_1132, %dma_wait3A_1133] : memref<819200x128xf32, #tpu.memory_space<hbm>> -> memref<128x64xf32, #tpu.memory_space<hbm>>
        %dma_wait3A_1135 = arith.constant 0 : i32
        %dma_wait3A_1136 = arith.constant 0 : i32
        %dma_wait3A_1137 = tpu.memref_slice %arg6[%dma_wait3A_1124, %dma_wait3A_1135, %dma_wait3A_1136] : memref<10x128x64xf32, #tpu.memory_space<vmem>> -> memref<1x128x64xf32, #tpu.memory_space<vmem>>
        %dma_wait3A_1138 = tpu.memref_squeeze %dma_wait3A_1137 : memref<1x128x64xf32, #tpu.memory_space<vmem>> -> memref<128x64xf32, #tpu.memory_space<vmem>>
        tpu.wait_dma2 semaphore(%arg24 : memref<!tpu.dma_semaphore, #tpu.memory_space<semaphore_mem>>) src(%dma_wait3A_1138 : memref<128x64xf32, #tpu.memory_space<vmem>>) dst(%dma_wait3A_1134 : memref<128x64xf32, #tpu.memory_space<hbm>>)
      } else {
      }
      %add3A_217 = arith.constant 7 : i32
      %add3A_218 = arith.addi %add3A_176, %add3A_217 : i32
      %lt3A_219 = arith.constant 200 : i32
      %lt3A_220 = arith.cmpi slt, %add3A_218, %lt3A_219 : i32
      %convert_element_type3A_221 = arith.extui %lt3A_220 : i1 to i32
      %cond3A_222 = arith.constant 0 : i32
      %cond3A_223 = arith.cmpi ne, %convert_element_type3A_221, %cond3A_222 : i32
      scf.if %cond3A_223 {
        %dma_start3A_1124 = arith.constant 7 : i32
        %dma_start3A_1125 = arith.constant 7 : i32
        %dma_start3A_1126 = arith.constant 0 : i32
        %dma_start3A_1127 = arith.constant 0 : i32
        %dma_start3A_1128 = tpu.memref_slice %arg6[%dma_start3A_1125, %dma_start3A_1126, %dma_start3A_1127] : memref<10x128x64xf32, #tpu.memory_space<vmem>> -> memref<1x128x64xf32, #tpu.memory_space<vmem>>
        %dma_start3A_1129 = tpu.memref_squeeze %dma_start3A_1128 : memref<1x128x64xf32, #tpu.memory_space<vmem>> -> memref<128x64xf32, #tpu.memory_space<vmem>>
        %dma_start3A_1130 = arith.constant 0 : i32
        %dma_start3A_1131 = tpu.memref_slice %arg5[%select_n3A_154, %dma_start3A_1124, %dma_start3A_1130] : memref<2x20x128xi32, #tpu.memory_space<vmem>> -> memref<1x1x128xi32, #tpu.memory_space<vmem>>
        %dma_start3A_1132 = tpu.memref_squeeze %dma_start3A_1131 : memref<1x1x128xi32, #tpu.memory_space<vmem>> -> memref<128xi32, #tpu.memory_space<vmem>>
        %dma_start3A_1133 = arith.constant 0 : i32
        %dma_start3A_1134 = arith.constant 0 : i32
        %dma_start3A_1135 = tpu.memref_slice %arg3[%dma_start3A_1133, %dma_start3A_1134] : memref<1000000x64xf32, #tpu.memory_space<hbm>> -> memref<1000000x64xf32, #tpu.memory_space<hbm>>
        tpu.enqueue_indirect_dma source(%dma_start3A_1135 : memref<1000000x64xf32, #tpu.memory_space<hbm>>) target(%dma_start3A_1129 : memref<128x64xf32, #tpu.memory_space<vmem>>) offsets(%dma_start3A_1132 : memref<128xi32, #tpu.memory_space<vmem>>) semaphore(%arg14 : memref<!tpu.dma_semaphore, #tpu.memory_space<semaphore_mem>>)
      } else {
      }
      %mul3A_224 = arith.constant 20 : i32
      %mul3A_225 = arith.muli %scan3A_145, %mul3A_224 : i32
      %add3A_226 = arith.constant 1 : i32
      %add3A_227 = arith.addi %mul3A_225, %add3A_226 : i32
      %dma_wait3A_228 = arith.constant 0 : i32
      %dma_wait3A_229 = arith.constant 0 : i32
      %dma_wait3A_230 = arith.constant 1 : i32
      %dma_wait3A_231 = arith.constant 0 : i32
      %dma_wait3A_232 = arith.constant 0 : i32
      %dma_wait3A_233 = tpu.memref_slice %arg6[%dma_wait3A_230, %dma_wait3A_231, %dma_wait3A_232] : memref<10x128x64xf32, #tpu.memory_space<vmem>> -> memref<1x128x64xf32, #tpu.memory_space<vmem>>
      %dma_wait3A_234 = tpu.memref_squeeze %dma_wait3A_233 : memref<1x128x64xf32, #tpu.memory_space<vmem>> -> memref<128x64xf32, #tpu.memory_space<vmem>>
      %dma_wait3A_235 = arith.constant 0 : i32
      %dma_wait3A_236 = tpu.memref_slice %arg5[%dma_wait3A_228, %dma_wait3A_229, %dma_wait3A_235] : memref<2x20x128xi32, #tpu.memory_space<vmem>> -> memref<1x1x128xi32, #tpu.memory_space<vmem>>
      %dma_wait3A_237 = tpu.memref_squeeze %dma_wait3A_236 : memref<1x1x128xi32, #tpu.memory_space<vmem>> -> memref<128xi32, #tpu.memory_space<vmem>>
      %dma_wait3A_238 = arith.constant 0 : i32
      %dma_wait3A_239 = arith.constant 0 : i32
      %dma_wait3A_240 = tpu.memref_slice %arg3[%dma_wait3A_238, %dma_wait3A_239] : memref<1000000x64xf32, #tpu.memory_space<hbm>> -> memref<1000000x64xf32, #tpu.memory_space<hbm>>
      tpu.wait_indirect_dma semaphore(%arg8 : memref<!tpu.dma_semaphore, #tpu.memory_space<semaphore_mem>>) src(%dma_wait3A_240 : memref<1000000x64xf32, #tpu.memory_space<hbm>>) dst(%dma_wait3A_234 : memref<128x64xf32, #tpu.memory_space<vmem>>)
      %mul3A_241 = arith.constant 128 : i32
      %mul3A_242 = arith.muli %add3A_227, %mul3A_241 : i32
      %add3A_243 = arith.addi %mul3A_4, %mul3A_242 : i32
      %dma_start3A_244 = arith.constant 1 : i32
      %dma_start3A_245 = arith.constant 0 : i32
      %dma_start3A_246 = arith.constant 0 : i32
      %dma_start3A_247 = tpu.memref_slice %arg6[%dma_start3A_244, %dma_start3A_245, %dma_start3A_246] : memref<10x128x64xf32, #tpu.memory_space<vmem>> -> memref<1x128x64xf32, #tpu.memory_space<vmem>>
      %dma_start3A_248 = tpu.memref_squeeze %dma_start3A_247 : memref<1x128x64xf32, #tpu.memory_space<vmem>> -> memref<128x64xf32, #tpu.memory_space<vmem>>
      %dma_start3A_249 = arith.constant 0 : i32
      %dma_start3A_250 = tpu.memref_slice %arg4[%add3A_243, %dma_start3A_249] : memref<819200x128xf32, #tpu.memory_space<hbm>> -> memref<128x64xf32, #tpu.memory_space<hbm>>
      %dma_start3A_251 = arith.constant 0 : i32
      %dma_start3A_252 = tpu.memref_slice %arg4[%add3A_243, %dma_start3A_251] : memref<819200x128xf32, #tpu.memory_space<hbm>> -> memref<128x64xf32, #tpu.memory_space<hbm>>
      %dma_start3A_253 = arith.constant 0 : i32
      %dma_start3A_254 = arith.constant 0 : i32
      %dma_start3A_255 = tpu.memref_slice %arg6[%dma_start3A_244, %dma_start3A_253, %dma_start3A_254] : memref<10x128x64xf32, #tpu.memory_space<vmem>> -> memref<1x128x64xf32, #tpu.memory_space<vmem>>
      %dma_start3A_256 = tpu.memref_squeeze %dma_start3A_255 : memref<1x128x64xf32, #tpu.memory_space<vmem>> -> memref<128x64xf32, #tpu.memory_space<vmem>>
      tpu.enqueue_dma source(%dma_start3A_256 : memref<128x64xf32, #tpu.memory_space<vmem>>) target(%dma_start3A_252 : memref<128x64xf32, #tpu.memory_space<hbm>>) target_semaphore(%arg18 : memref<!tpu.dma_semaphore, #tpu.memory_space<semaphore_mem>>)
      %add3A_257 = arith.constant 7 : i32
      %add3A_258 = arith.addi %add3A_227, %add3A_257 : i32
      %ge3A_259 = arith.constant 10 : i32
      %ge3A_260 = arith.cmpi sge, %add3A_258, %ge3A_259 : i32
      %convert_element_type3A_261 = arith.extui %ge3A_260 : i1 to i32
      %cond3A_262 = arith.constant 0 : i32
      %cond3A_263 = arith.cmpi ne, %convert_element_type3A_261, %cond3A_262 : i32
      scf.if %cond3A_263 {
        %dma_wait3A_1124 = arith.constant 8 : i32
        %dma_wait3A_1125 = arith.constant 0 : i32
        %dma_wait3A_1126 = arith.constant 0 : i32
        %dma_wait3A_1127 = tpu.memref_slice %arg6[%dma_wait3A_1124, %dma_wait3A_1125, %dma_wait3A_1126] : memref<10x128x64xf32, #tpu.memory_space<vmem>> -> memref<1x128x64xf32, #tpu.memory_space<vmem>>
        %dma_wait3A_1128 = tpu.memref_squeeze %dma_wait3A_1127 : memref<1x128x64xf32, #tpu.memory_space<vmem>> -> memref<128x64xf32, #tpu.memory_space<vmem>>
        %dma_wait3A_1129 = arith.constant 0 : i32
        %dma_wait3A_1130 = arith.constant 0 : i32
        %dma_wait3A_1131 = tpu.memref_slice %arg4[%dma_wait3A_1129, %dma_wait3A_1130] : memref<819200x128xf32, #tpu.memory_space<hbm>> -> memref<128x64xf32, #tpu.memory_space<hbm>>
        %dma_wait3A_1132 = arith.constant 0 : i32
        %dma_wait3A_1133 = arith.constant 0 : i32
        %dma_wait3A_1134 = tpu.memref_slice %arg4[%dma_wait3A_1132, %dma_wait3A_1133] : memref<819200x128xf32, #tpu.memory_space<hbm>> -> memref<128x64xf32, #tpu.memory_space<hbm>>
        %dma_wait3A_1135 = arith.constant 0 : i32
        %dma_wait3A_1136 = arith.constant 0 : i32
        %dma_wait3A_1137 = tpu.memref_slice %arg6[%dma_wait3A_1124, %dma_wait3A_1135, %dma_wait3A_1136] : memref<10x128x64xf32, #tpu.memory_space<vmem>> -> memref<1x128x64xf32, #tpu.memory_space<vmem>>
        %dma_wait3A_1138 = tpu.memref_squeeze %dma_wait3A_1137 : memref<1x128x64xf32, #tpu.memory_space<vmem>> -> memref<128x64xf32, #tpu.memory_space<vmem>>
        tpu.wait_dma2 semaphore(%arg25 : memref<!tpu.dma_semaphore, #tpu.memory_space<semaphore_mem>>) src(%dma_wait3A_1138 : memref<128x64xf32, #tpu.memory_space<vmem>>) dst(%dma_wait3A_1134 : memref<128x64xf32, #tpu.memory_space<hbm>>)
      } else {
      }
      %add3A_264 = arith.constant 7 : i32
      %add3A_265 = arith.addi %add3A_227, %add3A_264 : i32
      %lt3A_266 = arith.constant 200 : i32
      %lt3A_267 = arith.cmpi slt, %add3A_265, %lt3A_266 : i32
      %convert_element_type3A_268 = arith.extui %lt3A_267 : i1 to i32
      %cond3A_269 = arith.constant 0 : i32
      %cond3A_270 = arith.cmpi ne, %convert_element_type3A_268, %cond3A_269 : i32
      scf.if %cond3A_270 {
        %dma_start3A_1124 = arith.constant 8 : i32
        %dma_start3A_1125 = arith.constant 8 : i32
        %dma_start3A_1126 = arith.constant 0 : i32
        %dma_start3A_1127 = arith.constant 0 : i32
        %dma_start3A_1128 = tpu.memref_slice %arg6[%dma_start3A_1125, %dma_start3A_1126, %dma_start3A_1127] : memref<10x128x64xf32, #tpu.memory_space<vmem>> -> memref<1x128x64xf32, #tpu.memory_space<vmem>>
        %dma_start3A_1129 = tpu.memref_squeeze %dma_start3A_1128 : memref<1x128x64xf32, #tpu.memory_space<vmem>> -> memref<128x64xf32, #tpu.memory_space<vmem>>
        %dma_start3A_1130 = arith.constant 0 : i32
        %dma_start3A_1131 = tpu.memref_slice %arg5[%select_n3A_154, %dma_start3A_1124, %dma_start3A_1130] : memref<2x20x128xi32, #tpu.memory_space<vmem>> -> memref<1x1x128xi32, #tpu.memory_space<vmem>>
        %dma_start3A_1132 = tpu.memref_squeeze %dma_start3A_1131 : memref<1x1x128xi32, #tpu.memory_space<vmem>> -> memref<128xi32, #tpu.memory_space<vmem>>
        %dma_start3A_1133 = arith.constant 0 : i32
        %dma_start3A_1134 = arith.constant 0 : i32
        %dma_start3A_1135 = tpu.memref_slice %arg3[%dma_start3A_1133, %dma_start3A_1134] : memref<1000000x64xf32, #tpu.memory_space<hbm>> -> memref<1000000x64xf32, #tpu.memory_space<hbm>>
        tpu.enqueue_indirect_dma source(%dma_start3A_1135 : memref<1000000x64xf32, #tpu.memory_space<hbm>>) target(%dma_start3A_1129 : memref<128x64xf32, #tpu.memory_space<vmem>>) offsets(%dma_start3A_1132 : memref<128xi32, #tpu.memory_space<vmem>>) semaphore(%arg15 : memref<!tpu.dma_semaphore, #tpu.memory_space<semaphore_mem>>)
      } else {
      }
      %mul3A_271 = arith.constant 20 : i32
      %mul3A_272 = arith.muli %scan3A_145, %mul3A_271 : i32
      %add3A_273 = arith.constant 2 : i32
      %add3A_274 = arith.addi %mul3A_272, %add3A_273 : i32
      %dma_wait3A_275 = arith.constant 0 : i32
      %dma_wait3A_276 = arith.constant 0 : i32
      %dma_wait3A_277 = arith.constant 2 : i32
      %dma_wait3A_278 = arith.constant 0 : i32
      %dma_wait3A_279 = arith.constant 0 : i32
      %dma_wait3A_280 = tpu.memref_slice %arg6[%dma_wait3A_277, %dma_wait3A_278, %dma_wait3A_279] : memref<10x128x64xf32, #tpu.memory_space<vmem>> -> memref<1x128x64xf32, #tpu.memory_space<vmem>>
      %dma_wait3A_281 = tpu.memref_squeeze %dma_wait3A_280 : memref<1x128x64xf32, #tpu.memory_space<vmem>> -> memref<128x64xf32, #tpu.memory_space<vmem>>
      %dma_wait3A_282 = arith.constant 0 : i32
      %dma_wait3A_283 = tpu.memref_slice %arg5[%dma_wait3A_275, %dma_wait3A_276, %dma_wait3A_282] : memref<2x20x128xi32, #tpu.memory_space<vmem>> -> memref<1x1x128xi32, #tpu.memory_space<vmem>>
      %dma_wait3A_284 = tpu.memref_squeeze %dma_wait3A_283 : memref<1x1x128xi32, #tpu.memory_space<vmem>> -> memref<128xi32, #tpu.memory_space<vmem>>
      %dma_wait3A_285 = arith.constant 0 : i32
      %dma_wait3A_286 = arith.constant 0 : i32
      %dma_wait3A_287 = tpu.memref_slice %arg3[%dma_wait3A_285, %dma_wait3A_286] : memref<1000000x64xf32, #tpu.memory_space<hbm>> -> memref<1000000x64xf32, #tpu.memory_space<hbm>>
      tpu.wait_indirect_dma semaphore(%arg9 : memref<!tpu.dma_semaphore, #tpu.memory_space<semaphore_mem>>) src(%dma_wait3A_287 : memref<1000000x64xf32, #tpu.memory_space<hbm>>) dst(%dma_wait3A_281 : memref<128x64xf32, #tpu.memory_space<vmem>>)
      %mul3A_288 = arith.constant 128 : i32
      %mul3A_289 = arith.muli %add3A_274, %mul3A_288 : i32
      %add3A_290 = arith.addi %mul3A_4, %mul3A_289 : i32
      %dma_start3A_291 = arith.constant 2 : i32
      %dma_start3A_292 = arith.constant 0 : i32
      %dma_start3A_293 = arith.constant 0 : i32
      %dma_start3A_294 = tpu.memref_slice %arg6[%dma_start3A_291, %dma_start3A_292, %dma_start3A_293] : memref<10x128x64xf32, #tpu.memory_space<vmem>> -> memref<1x128x64xf32, #tpu.memory_space<vmem>>
      %dma_start3A_295 = tpu.memref_squeeze %dma_start3A_294 : memref<1x128x64xf32, #tpu.memory_space<vmem>> -> memref<128x64xf32, #tpu.memory_space<vmem>>
      %dma_start3A_296 = arith.constant 0 : i32
      %dma_start3A_297 = tpu.memref_slice %arg4[%add3A_290, %dma_start3A_296] : memref<819200x128xf32, #tpu.memory_space<hbm>> -> memref<128x64xf32, #tpu.memory_space<hbm>>
      %dma_start3A_298 = arith.constant 0 : i32
      %dma_start3A_299 = tpu.memref_slice %arg4[%add3A_290, %dma_start3A_298] : memref<819200x128xf32, #tpu.memory_space<hbm>> -> memref<128x64xf32, #tpu.memory_space<hbm>>
      %dma_start3A_300 = arith.constant 0 : i32
      %dma_start3A_301 = arith.constant 0 : i32
      %dma_start3A_302 = tpu.memref_slice %arg6[%dma_start3A_291, %dma_start3A_300, %dma_start3A_301] : memref<10x128x64xf32, #tpu.memory_space<vmem>> -> memref<1x128x64xf32, #tpu.memory_space<vmem>>
      %dma_start3A_303 = tpu.memref_squeeze %dma_start3A_302 : memref<1x128x64xf32, #tpu.memory_space<vmem>> -> memref<128x64xf32, #tpu.memory_space<vmem>>
      tpu.enqueue_dma source(%dma_start3A_303 : memref<128x64xf32, #tpu.memory_space<vmem>>) target(%dma_start3A_299 : memref<128x64xf32, #tpu.memory_space<hbm>>) target_semaphore(%arg19 : memref<!tpu.dma_semaphore, #tpu.memory_space<semaphore_mem>>)
      %add3A_304 = arith.constant 7 : i32
      %add3A_305 = arith.addi %add3A_274, %add3A_304 : i32
      %ge3A_306 = arith.constant 10 : i32
      %ge3A_307 = arith.cmpi sge, %add3A_305, %ge3A_306 : i32
      %convert_element_type3A_308 = arith.extui %ge3A_307 : i1 to i32
      %cond3A_309 = arith.constant 0 : i32
      %cond3A_310 = arith.cmpi ne, %convert_element_type3A_308, %cond3A_309 : i32
      scf.if %cond3A_310 {
        %dma_wait3A_1124 = arith.constant 9 : i32
        %dma_wait3A_1125 = arith.constant 0 : i32
        %dma_wait3A_1126 = arith.constant 0 : i32
        %dma_wait3A_1127 = tpu.memref_slice %arg6[%dma_wait3A_1124, %dma_wait3A_1125, %dma_wait3A_1126] : memref<10x128x64xf32, #tpu.memory_space<vmem>> -> memref<1x128x64xf32, #tpu.memory_space<vmem>>
        %dma_wait3A_1128 = tpu.memref_squeeze %dma_wait3A_1127 : memref<1x128x64xf32, #tpu.memory_space<vmem>> -> memref<128x64xf32, #tpu.memory_space<vmem>>
        %dma_wait3A_1129 = arith.constant 0 : i32
        %dma_wait3A_1130 = arith.constant 0 : i32
        %dma_wait3A_1131 = tpu.memref_slice %arg4[%dma_wait3A_1129, %dma_wait3A_1130] : memref<819200x128xf32, #tpu.memory_space<hbm>> -> memref<128x64xf32, #tpu.memory_space<hbm>>
        %dma_wait3A_1132 = arith.constant 0 : i32
        %dma_wait3A_1133 = arith.constant 0 : i32
        %dma_wait3A_1134 = tpu.memref_slice %arg4[%dma_wait3A_1132, %dma_wait3A_1133] : memref<819200x128xf32, #tpu.memory_space<hbm>> -> memref<128x64xf32, #tpu.memory_space<hbm>>
        %dma_wait3A_1135 = arith.constant 0 : i32
        %dma_wait3A_1136 = arith.constant 0 : i32
        %dma_wait3A_1137 = tpu.memref_slice %arg6[%dma_wait3A_1124, %dma_wait3A_1135, %dma_wait3A_1136] : memref<10x128x64xf32, #tpu.memory_space<vmem>> -> memref<1x128x64xf32, #tpu.memory_space<vmem>>
        %dma_wait3A_1138 = tpu.memref_squeeze %dma_wait3A_1137 : memref<1x128x64xf32, #tpu.memory_space<vmem>> -> memref<128x64xf32, #tpu.memory_space<vmem>>
        tpu.wait_dma2 semaphore(%arg26 : memref<!tpu.dma_semaphore, #tpu.memory_space<semaphore_mem>>) src(%dma_wait3A_1138 : memref<128x64xf32, #tpu.memory_space<vmem>>) dst(%dma_wait3A_1134 : memref<128x64xf32, #tpu.memory_space<hbm>>)
      } else {
      }
      %add3A_311 = arith.constant 7 : i32
      %add3A_312 = arith.addi %add3A_274, %add3A_311 : i32
      %lt3A_313 = arith.constant 200 : i32
      %lt3A_314 = arith.cmpi slt, %add3A_312, %lt3A_313 : i32
      %convert_element_type3A_315 = arith.extui %lt3A_314 : i1 to i32
      %cond3A_316 = arith.constant 0 : i32
      %cond3A_317 = arith.cmpi ne, %convert_element_type3A_315, %cond3A_316 : i32
      scf.if %cond3A_317 {
        %dma_start3A_1124 = arith.constant 9 : i32
        %dma_start3A_1125 = arith.constant 9 : i32
        %dma_start3A_1126 = arith.constant 0 : i32
        %dma_start3A_1127 = arith.constant 0 : i32
        %dma_start3A_1128 = tpu.memref_slice %arg6[%dma_start3A_1125, %dma_start3A_1126, %dma_start3A_1127] : memref<10x128x64xf32, #tpu.memory_space<vmem>> -> memref<1x128x64xf32, #tpu.memory_space<vmem>>
        %dma_start3A_1129 = tpu.memref_squeeze %dma_start3A_1128 : memref<1x128x64xf32, #tpu.memory_space<vmem>> -> memref<128x64xf32, #tpu.memory_space<vmem>>
        %dma_start3A_1130 = arith.constant 0 : i32
        %dma_start3A_1131 = tpu.memref_slice %arg5[%select_n3A_154, %dma_start3A_1124, %dma_start3A_1130] : memref<2x20x128xi32, #tpu.memory_space<vmem>> -> memref<1x1x128xi32, #tpu.memory_space<vmem>>
        %dma_start3A_1132 = tpu.memref_squeeze %dma_start3A_1131 : memref<1x1x128xi32, #tpu.memory_space<vmem>> -> memref<128xi32, #tpu.memory_space<vmem>>
        %dma_start3A_1133 = arith.constant 0 : i32
        %dma_start3A_1134 = arith.constant 0 : i32
        %dma_start3A_1135 = tpu.memref_slice %arg3[%dma_start3A_1133, %dma_start3A_1134] : memref<1000000x64xf32, #tpu.memory_space<hbm>> -> memref<1000000x64xf32, #tpu.memory_space<hbm>>
        tpu.enqueue_indirect_dma source(%dma_start3A_1135 : memref<1000000x64xf32, #tpu.memory_space<hbm>>) target(%dma_start3A_1129 : memref<128x64xf32, #tpu.memory_space<vmem>>) offsets(%dma_start3A_1132 : memref<128xi32, #tpu.memory_space<vmem>>) semaphore(%arg16 : memref<!tpu.dma_semaphore, #tpu.memory_space<semaphore_mem>>)
      } else {
      }
      %mul3A_318 = arith.constant 20 : i32
      %mul3A_319 = arith.muli %scan3A_145, %mul3A_318 : i32
      %add3A_320 = arith.constant 3 : i32
      %add3A_321 = arith.addi %mul3A_319, %add3A_320 : i32
      %dma_wait3A_322 = arith.constant 0 : i32
      %dma_wait3A_323 = arith.constant 0 : i32
      %dma_wait3A_324 = arith.constant 3 : i32
      %dma_wait3A_325 = arith.constant 0 : i32
      %dma_wait3A_326 = arith.constant 0 : i32
      %dma_wait3A_327 = tpu.memref_slice %arg6[%dma_wait3A_324, %dma_wait3A_325, %dma_wait3A_326] : memref<10x128x64xf32, #tpu.memory_space<vmem>> -> memref<1x128x64xf32, #tpu.memory_space<vmem>>
      %dma_wait3A_328 = tpu.memref_squeeze %dma_wait3A_327 : memref<1x128x64xf32, #tpu.memory_space<vmem>> -> memref<128x64xf32, #tpu.memory_space<vmem>>
      %dma_wait3A_329 = arith.constant 0 : i32
      %dma_wait3A_330 = tpu.memref_slice %arg5[%dma_wait3A_322, %dma_wait3A_323, %dma_wait3A_329] : memref<2x20x128xi32, #tpu.memory_space<vmem>> -> memref<1x1x128xi32, #tpu.memory_space<vmem>>
      %dma_wait3A_331 = tpu.memref_squeeze %dma_wait3A_330 : memref<1x1x128xi32, #tpu.memory_space<vmem>> -> memref<128xi32, #tpu.memory_space<vmem>>
      %dma_wait3A_332 = arith.constant 0 : i32
      %dma_wait3A_333 = arith.constant 0 : i32
      %dma_wait3A_334 = tpu.memref_slice %arg3[%dma_wait3A_332, %dma_wait3A_333] : memref<1000000x64xf32, #tpu.memory_space<hbm>> -> memref<1000000x64xf32, #tpu.memory_space<hbm>>
      tpu.wait_indirect_dma semaphore(%arg10 : memref<!tpu.dma_semaphore, #tpu.memory_space<semaphore_mem>>) src(%dma_wait3A_334 : memref<1000000x64xf32, #tpu.memory_space<hbm>>) dst(%dma_wait3A_328 : memref<128x64xf32, #tpu.memory_space<vmem>>)
      %mul3A_335 = arith.constant 128 : i32
      %mul3A_336 = arith.muli %add3A_321, %mul3A_335 : i32
      %add3A_337 = arith.addi %mul3A_4, %mul3A_336 : i32
      %dma_start3A_338 = arith.constant 3 : i32
      %dma_start3A_339 = arith.constant 0 : i32
      %dma_start3A_340 = arith.constant 0 : i32
      %dma_start3A_341 = tpu.memref_slice %arg6[%dma_start3A_338, %dma_start3A_339, %dma_start3A_340] : memref<10x128x64xf32, #tpu.memory_space<vmem>> -> memref<1x128x64xf32, #tpu.memory_space<vmem>>
      %dma_start3A_342 = tpu.memref_squeeze %dma_start3A_341 : memref<1x128x64xf32, #tpu.memory_space<vmem>> -> memref<128x64xf32, #tpu.memory_space<vmem>>
      %dma_start3A_343 = arith.constant 0 : i32
      %dma_start3A_344 = tpu.memref_slice %arg4[%add3A_337, %dma_start3A_343] : memref<819200x128xf32, #tpu.memory_space<hbm>> -> memref<128x64xf32, #tpu.memory_space<hbm>>
      %dma_start3A_345 = arith.constant 0 : i32
      %dma_start3A_346 = tpu.memref_slice %arg4[%add3A_337, %dma_start3A_345] : memref<819200x128xf32, #tpu.memory_space<hbm>> -> memref<128x64xf32, #tpu.memory_space<hbm>>
      %dma_start3A_347 = arith.constant 0 : i32
      %dma_start3A_348 = arith.constant 0 : i32
      %dma_start3A_349 = tpu.memref_slice %arg6[%dma_start3A_338, %dma_start3A_347, %dma_start3A_348] : memref<10x128x64xf32, #tpu.memory_space<vmem>> -> memref<1x128x64xf32, #tpu.memory_space<vmem>>
      %dma_start3A_350 = tpu.memref_squeeze %dma_start3A_349 : memref<1x128x64xf32, #tpu.memory_space<vmem>> -> memref<128x64xf32, #tpu.memory_space<vmem>>
      tpu.enqueue_dma source(%dma_start3A_350 : memref<128x64xf32, #tpu.memory_space<vmem>>) target(%dma_start3A_346 : memref<128x64xf32, #tpu.memory_space<hbm>>) target_semaphore(%arg20 : memref<!tpu.dma_semaphore, #tpu.memory_space<semaphore_mem>>)
      %add3A_351 = arith.constant 7 : i32
      %add3A_352 = arith.addi %add3A_321, %add3A_351 : i32
      %ge3A_353 = arith.constant 10 : i32
      %ge3A_354 = arith.cmpi sge, %add3A_352, %ge3A_353 : i32
      %convert_element_type3A_355 = arith.extui %ge3A_354 : i1 to i32
      %cond3A_356 = arith.constant 0 : i32
      %cond3A_357 = arith.cmpi ne, %convert_element_type3A_355, %cond3A_356 : i32
      scf.if %cond3A_357 {
        %dma_wait3A_1124 = arith.constant 0 : i32
        %dma_wait3A_1125 = arith.constant 0 : i32
        %dma_wait3A_1126 = arith.constant 0 : i32
        %dma_wait3A_1127 = tpu.memref_slice %arg6[%dma_wait3A_1124, %dma_wait3A_1125, %dma_wait3A_1126] : memref<10x128x64xf32, #tpu.memory_space<vmem>> -> memref<1x128x64xf32, #tpu.memory_space<vmem>>
        %dma_wait3A_1128 = tpu.memref_squeeze %dma_wait3A_1127 : memref<1x128x64xf32, #tpu.memory_space<vmem>> -> memref<128x64xf32, #tpu.memory_space<vmem>>
        %dma_wait3A_1129 = arith.constant 0 : i32
        %dma_wait3A_1130 = arith.constant 0 : i32
        %dma_wait3A_1131 = tpu.memref_slice %arg4[%dma_wait3A_1129, %dma_wait3A_1130] : memref<819200x128xf32, #tpu.memory_space<hbm>> -> memref<128x64xf32, #tpu.memory_space<hbm>>
        %dma_wait3A_1132 = arith.constant 0 : i32
        %dma_wait3A_1133 = arith.constant 0 : i32
        %dma_wait3A_1134 = tpu.memref_slice %arg4[%dma_wait3A_1132, %dma_wait3A_1133] : memref<819200x128xf32, #tpu.memory_space<hbm>> -> memref<128x64xf32, #tpu.memory_space<hbm>>
        %dma_wait3A_1135 = arith.constant 0 : i32
        %dma_wait3A_1136 = arith.constant 0 : i32
        %dma_wait3A_1137 = tpu.memref_slice %arg6[%dma_wait3A_1124, %dma_wait3A_1135, %dma_wait3A_1136] : memref<10x128x64xf32, #tpu.memory_space<vmem>> -> memref<1x128x64xf32, #tpu.memory_space<vmem>>
        %dma_wait3A_1138 = tpu.memref_squeeze %dma_wait3A_1137 : memref<1x128x64xf32, #tpu.memory_space<vmem>> -> memref<128x64xf32, #tpu.memory_space<vmem>>
        tpu.wait_dma2 semaphore(%arg17 : memref<!tpu.dma_semaphore, #tpu.memory_space<semaphore_mem>>) src(%dma_wait3A_1138 : memref<128x64xf32, #tpu.memory_space<vmem>>) dst(%dma_wait3A_1134 : memref<128x64xf32, #tpu.memory_space<hbm>>)
      } else {
      }
      %add3A_358 = arith.constant 7 : i32
      %add3A_359 = arith.addi %add3A_321, %add3A_358 : i32
      %lt3A_360 = arith.constant 200 : i32
      %lt3A_361 = arith.cmpi slt, %add3A_359, %lt3A_360 : i32
      %convert_element_type3A_362 = arith.extui %lt3A_361 : i1 to i32
      %cond3A_363 = arith.constant 0 : i32
      %cond3A_364 = arith.cmpi ne, %convert_element_type3A_362, %cond3A_363 : i32
      scf.if %cond3A_364 {
        %dma_start3A_1124 = arith.constant 10 : i32
        %dma_start3A_1125 = arith.constant 0 : i32
        %dma_start3A_1126 = arith.constant 0 : i32
        %dma_start3A_1127 = arith.constant 0 : i32
        %dma_start3A_1128 = tpu.memref_slice %arg6[%dma_start3A_1125, %dma_start3A_1126, %dma_start3A_1127] : memref<10x128x64xf32, #tpu.memory_space<vmem>> -> memref<1x128x64xf32, #tpu.memory_space<vmem>>
        %dma_start3A_1129 = tpu.memref_squeeze %dma_start3A_1128 : memref<1x128x64xf32, #tpu.memory_space<vmem>> -> memref<128x64xf32, #tpu.memory_space<vmem>>
        %dma_start3A_1130 = arith.constant 0 : i32
        %dma_start3A_1131 = tpu.memref_slice %arg5[%select_n3A_154, %dma_start3A_1124, %dma_start3A_1130] : memref<2x20x128xi32, #tpu.memory_space<vmem>> -> memref<1x1x128xi32, #tpu.memory_space<vmem>>
        %dma_start3A_1132 = tpu.memref_squeeze %dma_start3A_1131 : memref<1x1x128xi32, #tpu.memory_space<vmem>> -> memref<128xi32, #tpu.memory_space<vmem>>
        %dma_start3A_1133 = arith.constant 0 : i32
        %dma_start3A_1134 = arith.constant 0 : i32
        %dma_start3A_1135 = tpu.memref_slice %arg3[%dma_start3A_1133, %dma_start3A_1134] : memref<1000000x64xf32, #tpu.memory_space<hbm>> -> memref<1000000x64xf32, #tpu.memory_space<hbm>>
        tpu.enqueue_indirect_dma source(%dma_start3A_1135 : memref<1000000x64xf32, #tpu.memory_space<hbm>>) target(%dma_start3A_1129 : memref<128x64xf32, #tpu.memory_space<vmem>>) offsets(%dma_start3A_1132 : memref<128xi32, #tpu.memory_space<vmem>>) semaphore(%arg7 : memref<!tpu.dma_semaphore, #tpu.memory_space<semaphore_mem>>)
      } else {
      }
      %mul3A_365 = arith.constant 20 : i32
      %mul3A_366 = arith.muli %scan3A_145, %mul3A_365 : i32
      %add3A_367 = arith.constant 4 : i32
      %add3A_368 = arith.addi %mul3A_366, %add3A_367 : i32
      %dma_wait3A_369 = arith.constant 0 : i32
      %dma_wait3A_370 = arith.constant 0 : i32
      %dma_wait3A_371 = arith.constant 4 : i32
      %dma_wait3A_372 = arith.constant 0 : i32
      %dma_wait3A_373 = arith.constant 0 : i32
      %dma_wait3A_374 = tpu.memref_slice %arg6[%dma_wait3A_371, %dma_wait3A_372, %dma_wait3A_373] : memref<10x128x64xf32, #tpu.memory_space<vmem>> -> memref<1x128x64xf32, #tpu.memory_space<vmem>>
      %dma_wait3A_375 = tpu.memref_squeeze %dma_wait3A_374 : memref<1x128x64xf32, #tpu.memory_space<vmem>> -> memref<128x64xf32, #tpu.memory_space<vmem>>
      %dma_wait3A_376 = arith.constant 0 : i32
      %dma_wait3A_377 = tpu.memref_slice %arg5[%dma_wait3A_369, %dma_wait3A_370, %dma_wait3A_376] : memref<2x20x128xi32, #tpu.memory_space<vmem>> -> memref<1x1x128xi32, #tpu.memory_space<vmem>>
      %dma_wait3A_378 = tpu.memref_squeeze %dma_wait3A_377 : memref<1x1x128xi32, #tpu.memory_space<vmem>> -> memref<128xi32, #tpu.memory_space<vmem>>
      %dma_wait3A_379 = arith.constant 0 : i32
      %dma_wait3A_380 = arith.constant 0 : i32
      %dma_wait3A_381 = tpu.memref_slice %arg3[%dma_wait3A_379, %dma_wait3A_380] : memref<1000000x64xf32, #tpu.memory_space<hbm>> -> memref<1000000x64xf32, #tpu.memory_space<hbm>>
      tpu.wait_indirect_dma semaphore(%arg11 : memref<!tpu.dma_semaphore, #tpu.memory_space<semaphore_mem>>) src(%dma_wait3A_381 : memref<1000000x64xf32, #tpu.memory_space<hbm>>) dst(%dma_wait3A_375 : memref<128x64xf32, #tpu.memory_space<vmem>>)
      %mul3A_382 = arith.constant 128 : i32
      %mul3A_383 = arith.muli %add3A_368, %mul3A_382 : i32
      %add3A_384 = arith.addi %mul3A_4, %mul3A_383 : i32
      %dma_start3A_385 = arith.constant 4 : i32
      %dma_start3A_386 = arith.constant 0 : i32
      %dma_start3A_387 = arith.constant 0 : i32
      %dma_start3A_388 = tpu.memref_slice %arg6[%dma_start3A_385, %dma_start3A_386, %dma_start3A_387] : memref<10x128x64xf32, #tpu.memory_space<vmem>> -> memref<1x128x64xf32, #tpu.memory_space<vmem>>
      %dma_start3A_389 = tpu.memref_squeeze %dma_start3A_388 : memref<1x128x64xf32, #tpu.memory_space<vmem>> -> memref<128x64xf32, #tpu.memory_space<vmem>>
      %dma_start3A_390 = arith.constant 0 : i32
      %dma_start3A_391 = tpu.memref_slice %arg4[%add3A_384, %dma_start3A_390] : memref<819200x128xf32, #tpu.memory_space<hbm>> -> memref<128x64xf32, #tpu.memory_space<hbm>>
      %dma_start3A_392 = arith.constant 0 : i32
      %dma_start3A_393 = tpu.memref_slice %arg4[%add3A_384, %dma_start3A_392] : memref<819200x128xf32, #tpu.memory_space<hbm>> -> memref<128x64xf32, #tpu.memory_space<hbm>>
      %dma_start3A_394 = arith.constant 0 : i32
      %dma_start3A_395 = arith.constant 0 : i32
      %dma_start3A_396 = tpu.memref_slice %arg6[%dma_start3A_385, %dma_start3A_394, %dma_start3A_395] : memref<10x128x64xf32, #tpu.memory_space<vmem>> -> memref<1x128x64xf32, #tpu.memory_space<vmem>>
      %dma_start3A_397 = tpu.memref_squeeze %dma_start3A_396 : memref<1x128x64xf32, #tpu.memory_space<vmem>> -> memref<128x64xf32, #tpu.memory_space<vmem>>
      tpu.enqueue_dma source(%dma_start3A_397 : memref<128x64xf32, #tpu.memory_space<vmem>>) target(%dma_start3A_393 : memref<128x64xf32, #tpu.memory_space<hbm>>) target_semaphore(%arg21 : memref<!tpu.dma_semaphore, #tpu.memory_space<semaphore_mem>>)
      %add3A_398 = arith.constant 7 : i32
      %add3A_399 = arith.addi %add3A_368, %add3A_398 : i32
      %ge3A_400 = arith.constant 10 : i32
      %ge3A_401 = arith.cmpi sge, %add3A_399, %ge3A_400 : i32
      %convert_element_type3A_402 = arith.extui %ge3A_401 : i1 to i32
      %cond3A_403 = arith.constant 0 : i32
      %cond3A_404 = arith.cmpi ne, %convert_element_type3A_402, %cond3A_403 : i32
      scf.if %cond3A_404 {
        %dma_wait3A_1124 = arith.constant 1 : i32
        %dma_wait3A_1125 = arith.constant 0 : i32
        %dma_wait3A_1126 = arith.constant 0 : i32
        %dma_wait3A_1127 = tpu.memref_slice %arg6[%dma_wait3A_1124, %dma_wait3A_1125, %dma_wait3A_1126] : memref<10x128x64xf32, #tpu.memory_space<vmem>> -> memref<1x128x64xf32, #tpu.memory_space<vmem>>
        %dma_wait3A_1128 = tpu.memref_squeeze %dma_wait3A_1127 : memref<1x128x64xf32, #tpu.memory_space<vmem>> -> memref<128x64xf32, #tpu.memory_space<vmem>>
        %dma_wait3A_1129 = arith.constant 0 : i32
        %dma_wait3A_1130 = arith.constant 0 : i32
        %dma_wait3A_1131 = tpu.memref_slice %arg4[%dma_wait3A_1129, %dma_wait3A_1130] : memref<819200x128xf32, #tpu.memory_space<hbm>> -> memref<128x64xf32, #tpu.memory_space<hbm>>
        %dma_wait3A_1132 = arith.constant 0 : i32
        %dma_wait3A_1133 = arith.constant 0 : i32
        %dma_wait3A_1134 = tpu.memref_slice %arg4[%dma_wait3A_1132, %dma_wait3A_1133] : memref<819200x128xf32, #tpu.memory_space<hbm>> -> memref<128x64xf32, #tpu.memory_space<hbm>>
        %dma_wait3A_1135 = arith.constant 0 : i32
        %dma_wait3A_1136 = arith.constant 0 : i32
        %dma_wait3A_1137 = tpu.memref_slice %arg6[%dma_wait3A_1124, %dma_wait3A_1135, %dma_wait3A_1136] : memref<10x128x64xf32, #tpu.memory_space<vmem>> -> memref<1x128x64xf32, #tpu.memory_space<vmem>>
        %dma_wait3A_1138 = tpu.memref_squeeze %dma_wait3A_1137 : memref<1x128x64xf32, #tpu.memory_space<vmem>> -> memref<128x64xf32, #tpu.memory_space<vmem>>
        tpu.wait_dma2 semaphore(%arg18 : memref<!tpu.dma_semaphore, #tpu.memory_space<semaphore_mem>>) src(%dma_wait3A_1138 : memref<128x64xf32, #tpu.memory_space<vmem>>) dst(%dma_wait3A_1134 : memref<128x64xf32, #tpu.memory_space<hbm>>)
      } else {
      }
      %add3A_405 = arith.constant 7 : i32
      %add3A_406 = arith.addi %add3A_368, %add3A_405 : i32
      %lt3A_407 = arith.constant 200 : i32
      %lt3A_408 = arith.cmpi slt, %add3A_406, %lt3A_407 : i32
      %convert_element_type3A_409 = arith.extui %lt3A_408 : i1 to i32
      %cond3A_410 = arith.constant 0 : i32
      %cond3A_411 = arith.cmpi ne, %convert_element_type3A_409, %cond3A_410 : i32
      scf.if %cond3A_411 {
        %dma_start3A_1124 = arith.constant 11 : i32
        %dma_start3A_1125 = arith.constant 1 : i32
        %dma_start3A_1126 = arith.constant 0 : i32
        %dma_start3A_1127 = arith.constant 0 : i32
        %dma_start3A_1128 = tpu.memref_slice %arg6[%dma_start3A_1125, %dma_start3A_1126, %dma_start3A_1127] : memref<10x128x64xf32, #tpu.memory_space<vmem>> -> memref<1x128x64xf32, #tpu.memory_space<vmem>>
        %dma_start3A_1129 = tpu.memref_squeeze %dma_start3A_1128 : memref<1x128x64xf32, #tpu.memory_space<vmem>> -> memref<128x64xf32, #tpu.memory_space<vmem>>
        %dma_start3A_1130 = arith.constant 0 : i32
        %dma_start3A_1131 = tpu.memref_slice %arg5[%select_n3A_154, %dma_start3A_1124, %dma_start3A_1130] : memref<2x20x128xi32, #tpu.memory_space<vmem>> -> memref<1x1x128xi32, #tpu.memory_space<vmem>>
        %dma_start3A_1132 = tpu.memref_squeeze %dma_start3A_1131 : memref<1x1x128xi32, #tpu.memory_space<vmem>> -> memref<128xi32, #tpu.memory_space<vmem>>
        %dma_start3A_1133 = arith.constant 0 : i32
        %dma_start3A_1134 = arith.constant 0 : i32
        %dma_start3A_1135 = tpu.memref_slice %arg3[%dma_start3A_1133, %dma_start3A_1134] : memref<1000000x64xf32, #tpu.memory_space<hbm>> -> memref<1000000x64xf32, #tpu.memory_space<hbm>>
        tpu.enqueue_indirect_dma source(%dma_start3A_1135 : memref<1000000x64xf32, #tpu.memory_space<hbm>>) target(%dma_start3A_1129 : memref<128x64xf32, #tpu.memory_space<vmem>>) offsets(%dma_start3A_1132 : memref<128xi32, #tpu.memory_space<vmem>>) semaphore(%arg8 : memref<!tpu.dma_semaphore, #tpu.memory_space<semaphore_mem>>)
      } else {
      }
      %mul3A_412 = arith.constant 20 : i32
      %mul3A_413 = arith.muli %scan3A_145, %mul3A_412 : i32
      %add3A_414 = arith.constant 5 : i32
      %add3A_415 = arith.addi %mul3A_413, %add3A_414 : i32
      %dma_wait3A_416 = arith.constant 0 : i32
      %dma_wait3A_417 = arith.constant 0 : i32
      %dma_wait3A_418 = arith.constant 5 : i32
      %dma_wait3A_419 = arith.constant 0 : i32
      %dma_wait3A_420 = arith.constant 0 : i32
      %dma_wait3A_421 = tpu.memref_slice %arg6[%dma_wait3A_418, %dma_wait3A_419, %dma_wait3A_420] : memref<10x128x64xf32, #tpu.memory_space<vmem>> -> memref<1x128x64xf32, #tpu.memory_space<vmem>>
      %dma_wait3A_422 = tpu.memref_squeeze %dma_wait3A_421 : memref<1x128x64xf32, #tpu.memory_space<vmem>> -> memref<128x64xf32, #tpu.memory_space<vmem>>
      %dma_wait3A_423 = arith.constant 0 : i32
      %dma_wait3A_424 = tpu.memref_slice %arg5[%dma_wait3A_416, %dma_wait3A_417, %dma_wait3A_423] : memref<2x20x128xi32, #tpu.memory_space<vmem>> -> memref<1x1x128xi32, #tpu.memory_space<vmem>>
      %dma_wait3A_425 = tpu.memref_squeeze %dma_wait3A_424 : memref<1x1x128xi32, #tpu.memory_space<vmem>> -> memref<128xi32, #tpu.memory_space<vmem>>
      %dma_wait3A_426 = arith.constant 0 : i32
      %dma_wait3A_427 = arith.constant 0 : i32
      %dma_wait3A_428 = tpu.memref_slice %arg3[%dma_wait3A_426, %dma_wait3A_427] : memref<1000000x64xf32, #tpu.memory_space<hbm>> -> memref<1000000x64xf32, #tpu.memory_space<hbm>>
      tpu.wait_indirect_dma semaphore(%arg12 : memref<!tpu.dma_semaphore, #tpu.memory_space<semaphore_mem>>) src(%dma_wait3A_428 : memref<1000000x64xf32, #tpu.memory_space<hbm>>) dst(%dma_wait3A_422 : memref<128x64xf32, #tpu.memory_space<vmem>>)
      %mul3A_429 = arith.constant 128 : i32
      %mul3A_430 = arith.muli %add3A_415, %mul3A_429 : i32
      %add3A_431 = arith.addi %mul3A_4, %mul3A_430 : i32
      %dma_start3A_432 = arith.constant 5 : i32
      %dma_start3A_433 = arith.constant 0 : i32
      %dma_start3A_434 = arith.constant 0 : i32
      %dma_start3A_435 = tpu.memref_slice %arg6[%dma_start3A_432, %dma_start3A_433, %dma_start3A_434] : memref<10x128x64xf32, #tpu.memory_space<vmem>> -> memref<1x128x64xf32, #tpu.memory_space<vmem>>
      %dma_start3A_436 = tpu.memref_squeeze %dma_start3A_435 : memref<1x128x64xf32, #tpu.memory_space<vmem>> -> memref<128x64xf32, #tpu.memory_space<vmem>>
      %dma_start3A_437 = arith.constant 0 : i32
      %dma_start3A_438 = tpu.memref_slice %arg4[%add3A_431, %dma_start3A_437] : memref<819200x128xf32, #tpu.memory_space<hbm>> -> memref<128x64xf32, #tpu.memory_space<hbm>>
      %dma_start3A_439 = arith.constant 0 : i32
      %dma_start3A_440 = tpu.memref_slice %arg4[%add3A_431, %dma_start3A_439] : memref<819200x128xf32, #tpu.memory_space<hbm>> -> memref<128x64xf32, #tpu.memory_space<hbm>>
      %dma_start3A_441 = arith.constant 0 : i32
      %dma_start3A_442 = arith.constant 0 : i32
      %dma_start3A_443 = tpu.memref_slice %arg6[%dma_start3A_432, %dma_start3A_441, %dma_start3A_442] : memref<10x128x64xf32, #tpu.memory_space<vmem>> -> memref<1x128x64xf32, #tpu.memory_space<vmem>>
      %dma_start3A_444 = tpu.memref_squeeze %dma_start3A_443 : memref<1x128x64xf32, #tpu.memory_space<vmem>> -> memref<128x64xf32, #tpu.memory_space<vmem>>
      tpu.enqueue_dma source(%dma_start3A_444 : memref<128x64xf32, #tpu.memory_space<vmem>>) target(%dma_start3A_440 : memref<128x64xf32, #tpu.memory_space<hbm>>) target_semaphore(%arg22 : memref<!tpu.dma_semaphore, #tpu.memory_space<semaphore_mem>>)
      %add3A_445 = arith.constant 7 : i32
      %add3A_446 = arith.addi %add3A_415, %add3A_445 : i32
      %ge3A_447 = arith.constant 10 : i32
      %ge3A_448 = arith.cmpi sge, %add3A_446, %ge3A_447 : i32
      %convert_element_type3A_449 = arith.extui %ge3A_448 : i1 to i32
      %cond3A_450 = arith.constant 0 : i32
      %cond3A_451 = arith.cmpi ne, %convert_element_type3A_449, %cond3A_450 : i32
      scf.if %cond3A_451 {
        %dma_wait3A_1124 = arith.constant 2 : i32
        %dma_wait3A_1125 = arith.constant 0 : i32
        %dma_wait3A_1126 = arith.constant 0 : i32
        %dma_wait3A_1127 = tpu.memref_slice %arg6[%dma_wait3A_1124, %dma_wait3A_1125, %dma_wait3A_1126] : memref<10x128x64xf32, #tpu.memory_space<vmem>> -> memref<1x128x64xf32, #tpu.memory_space<vmem>>
        %dma_wait3A_1128 = tpu.memref_squeeze %dma_wait3A_1127 : memref<1x128x64xf32, #tpu.memory_space<vmem>> -> memref<128x64xf32, #tpu.memory_space<vmem>>
        %dma_wait3A_1129 = arith.constant 0 : i32
        %dma_wait3A_1130 = arith.constant 0 : i32
        %dma_wait3A_1131 = tpu.memref_slice %arg4[%dma_wait3A_1129, %dma_wait3A_1130] : memref<819200x128xf32, #tpu.memory_space<hbm>> -> memref<128x64xf32, #tpu.memory_space<hbm>>
        %dma_wait3A_1132 = arith.constant 0 : i32
        %dma_wait3A_1133 = arith.constant 0 : i32
        %dma_wait3A_1134 = tpu.memref_slice %arg4[%dma_wait3A_1132, %dma_wait3A_1133] : memref<819200x128xf32, #tpu.memory_space<hbm>> -> memref<128x64xf32, #tpu.memory_space<hbm>>
        %dma_wait3A_1135 = arith.constant 0 : i32
        %dma_wait3A_1136 = arith.constant 0 : i32
        %dma_wait3A_1137 = tpu.memref_slice %arg6[%dma_wait3A_1124, %dma_wait3A_1135, %dma_wait3A_1136] : memref<10x128x64xf32, #tpu.memory_space<vmem>> -> memref<1x128x64xf32, #tpu.memory_space<vmem>>
        %dma_wait3A_1138 = tpu.memref_squeeze %dma_wait3A_1137 : memref<1x128x64xf32, #tpu.memory_space<vmem>> -> memref<128x64xf32, #tpu.memory_space<vmem>>
        tpu.wait_dma2 semaphore(%arg19 : memref<!tpu.dma_semaphore, #tpu.memory_space<semaphore_mem>>) src(%dma_wait3A_1138 : memref<128x64xf32, #tpu.memory_space<vmem>>) dst(%dma_wait3A_1134 : memref<128x64xf32, #tpu.memory_space<hbm>>)
      } else {
      }
      %add3A_452 = arith.constant 7 : i32
      %add3A_453 = arith.addi %add3A_415, %add3A_452 : i32
      %lt3A_454 = arith.constant 200 : i32
      %lt3A_455 = arith.cmpi slt, %add3A_453, %lt3A_454 : i32
      %convert_element_type3A_456 = arith.extui %lt3A_455 : i1 to i32
      %cond3A_457 = arith.constant 0 : i32
      %cond3A_458 = arith.cmpi ne, %convert_element_type3A_456, %cond3A_457 : i32
      scf.if %cond3A_458 {
        %dma_start3A_1124 = arith.constant 12 : i32
        %dma_start3A_1125 = arith.constant 2 : i32
        %dma_start3A_1126 = arith.constant 0 : i32
        %dma_start3A_1127 = arith.constant 0 : i32
        %dma_start3A_1128 = tpu.memref_slice %arg6[%dma_start3A_1125, %dma_start3A_1126, %dma_start3A_1127] : memref<10x128x64xf32, #tpu.memory_space<vmem>> -> memref<1x128x64xf32, #tpu.memory_space<vmem>>
        %dma_start3A_1129 = tpu.memref_squeeze %dma_start3A_1128 : memref<1x128x64xf32, #tpu.memory_space<vmem>> -> memref<128x64xf32, #tpu.memory_space<vmem>>
        %dma_start3A_1130 = arith.constant 0 : i32
        %dma_start3A_1131 = tpu.memref_slice %arg5[%select_n3A_154, %dma_start3A_1124, %dma_start3A_1130] : memref<2x20x128xi32, #tpu.memory_space<vmem>> -> memref<1x1x128xi32, #tpu.memory_space<vmem>>
        %dma_start3A_1132 = tpu.memref_squeeze %dma_start3A_1131 : memref<1x1x128xi32, #tpu.memory_space<vmem>> -> memref<128xi32, #tpu.memory_space<vmem>>
        %dma_start3A_1133 = arith.constant 0 : i32
        %dma_start3A_1134 = arith.constant 0 : i32
        %dma_start3A_1135 = tpu.memref_slice %arg3[%dma_start3A_1133, %dma_start3A_1134] : memref<1000000x64xf32, #tpu.memory_space<hbm>> -> memref<1000000x64xf32, #tpu.memory_space<hbm>>
        tpu.enqueue_indirect_dma source(%dma_start3A_1135 : memref<1000000x64xf32, #tpu.memory_space<hbm>>) target(%dma_start3A_1129 : memref<128x64xf32, #tpu.memory_space<vmem>>) offsets(%dma_start3A_1132 : memref<128xi32, #tpu.memory_space<vmem>>) semaphore(%arg9 : memref<!tpu.dma_semaphore, #tpu.memory_space<semaphore_mem>>)
      } else {
      }
      %mul3A_459 = arith.constant 20 : i32
      %mul3A_460 = arith.muli %scan3A_145, %mul3A_459 : i32
      %add3A_461 = arith.constant 6 : i32
      %add3A_462 = arith.addi %mul3A_460, %add3A_461 : i32
      %dma_wait3A_463 = arith.constant 0 : i32
      %dma_wait3A_464 = arith.constant 0 : i32
      %dma_wait3A_465 = arith.constant 6 : i32
      %dma_wait3A_466 = arith.constant 0 : i32
      %dma_wait3A_467 = arith.constant 0 : i32
      %dma_wait3A_468 = tpu.memref_slice %arg6[%dma_wait3A_465, %dma_wait3A_466, %dma_wait3A_467] : memref<10x128x64xf32, #tpu.memory_space<vmem>> -> memref<1x128x64xf32, #tpu.memory_space<vmem>>
      %dma_wait3A_469 = tpu.memref_squeeze %dma_wait3A_468 : memref<1x128x64xf32, #tpu.memory_space<vmem>> -> memref<128x64xf32, #tpu.memory_space<vmem>>
      %dma_wait3A_470 = arith.constant 0 : i32
      %dma_wait3A_471 = tpu.memref_slice %arg5[%dma_wait3A_463, %dma_wait3A_464, %dma_wait3A_470] : memref<2x20x128xi32, #tpu.memory_space<vmem>> -> memref<1x1x128xi32, #tpu.memory_space<vmem>>
      %dma_wait3A_472 = tpu.memref_squeeze %dma_wait3A_471 : memref<1x1x128xi32, #tpu.memory_space<vmem>> -> memref<128xi32, #tpu.memory_space<vmem>>
      %dma_wait3A_473 = arith.constant 0 : i32
      %dma_wait3A_474 = arith.constant 0 : i32
      %dma_wait3A_475 = tpu.memref_slice %arg3[%dma_wait3A_473, %dma_wait3A_474] : memref<1000000x64xf32, #tpu.memory_space<hbm>> -> memref<1000000x64xf32, #tpu.memory_space<hbm>>
      tpu.wait_indirect_dma semaphore(%arg13 : memref<!tpu.dma_semaphore, #tpu.memory_space<semaphore_mem>>) src(%dma_wait3A_475 : memref<1000000x64xf32, #tpu.memory_space<hbm>>) dst(%dma_wait3A_469 : memref<128x64xf32, #tpu.memory_space<vmem>>)
      %mul3A_476 = arith.constant 128 : i32
      %mul3A_477 = arith.muli %add3A_462, %mul3A_476 : i32
      %add3A_478 = arith.addi %mul3A_4, %mul3A_477 : i32
      %dma_start3A_479 = arith.constant 6 : i32
      %dma_start3A_480 = arith.constant 0 : i32
      %dma_start3A_481 = arith.constant 0 : i32
      %dma_start3A_482 = tpu.memref_slice %arg6[%dma_start3A_479, %dma_start3A_480, %dma_start3A_481] : memref<10x128x64xf32, #tpu.memory_space<vmem>> -> memref<1x128x64xf32, #tpu.memory_space<vmem>>
      %dma_start3A_483 = tpu.memref_squeeze %dma_start3A_482 : memref<1x128x64xf32, #tpu.memory_space<vmem>> -> memref<128x64xf32, #tpu.memory_space<vmem>>
      %dma_start3A_484 = arith.constant 0 : i32
      %dma_start3A_485 = tpu.memref_slice %arg4[%add3A_478, %dma_start3A_484] : memref<819200x128xf32, #tpu.memory_space<hbm>> -> memref<128x64xf32, #tpu.memory_space<hbm>>
      %dma_start3A_486 = arith.constant 0 : i32
      %dma_start3A_487 = tpu.memref_slice %arg4[%add3A_478, %dma_start3A_486] : memref<819200x128xf32, #tpu.memory_space<hbm>> -> memref<128x64xf32, #tpu.memory_space<hbm>>
      %dma_start3A_488 = arith.constant 0 : i32
      %dma_start3A_489 = arith.constant 0 : i32
      %dma_start3A_490 = tpu.memref_slice %arg6[%dma_start3A_479, %dma_start3A_488, %dma_start3A_489] : memref<10x128x64xf32, #tpu.memory_space<vmem>> -> memref<1x128x64xf32, #tpu.memory_space<vmem>>
      %dma_start3A_491 = tpu.memref_squeeze %dma_start3A_490 : memref<1x128x64xf32, #tpu.memory_space<vmem>> -> memref<128x64xf32, #tpu.memory_space<vmem>>
      tpu.enqueue_dma source(%dma_start3A_491 : memref<128x64xf32, #tpu.memory_space<vmem>>) target(%dma_start3A_487 : memref<128x64xf32, #tpu.memory_space<hbm>>) target_semaphore(%arg23 : memref<!tpu.dma_semaphore, #tpu.memory_space<semaphore_mem>>)
      %add3A_492 = arith.constant 7 : i32
      %add3A_493 = arith.addi %add3A_462, %add3A_492 : i32
      %ge3A_494 = arith.constant 10 : i32
      %ge3A_495 = arith.cmpi sge, %add3A_493, %ge3A_494 : i32
      %convert_element_type3A_496 = arith.extui %ge3A_495 : i1 to i32
      %cond3A_497 = arith.constant 0 : i32
      %cond3A_498 = arith.cmpi ne, %convert_element_type3A_496, %cond3A_497 : i32
      scf.if %cond3A_498 {
        %dma_wait3A_1124 = arith.constant 3 : i32
        %dma_wait3A_1125 = arith.constant 0 : i32
        %dma_wait3A_1126 = arith.constant 0 : i32
        %dma_wait3A_1127 = tpu.memref_slice %arg6[%dma_wait3A_1124, %dma_wait3A_1125, %dma_wait3A_1126] : memref<10x128x64xf32, #tpu.memory_space<vmem>> -> memref<1x128x64xf32, #tpu.memory_space<vmem>>
        %dma_wait3A_1128 = tpu.memref_squeeze %dma_wait3A_1127 : memref<1x128x64xf32, #tpu.memory_space<vmem>> -> memref<128x64xf32, #tpu.memory_space<vmem>>
        %dma_wait3A_1129 = arith.constant 0 : i32
        %dma_wait3A_1130 = arith.constant 0 : i32
        %dma_wait3A_1131 = tpu.memref_slice %arg4[%dma_wait3A_1129, %dma_wait3A_1130] : memref<819200x128xf32, #tpu.memory_space<hbm>> -> memref<128x64xf32, #tpu.memory_space<hbm>>
        %dma_wait3A_1132 = arith.constant 0 : i32
        %dma_wait3A_1133 = arith.constant 0 : i32
        %dma_wait3A_1134 = tpu.memref_slice %arg4[%dma_wait3A_1132, %dma_wait3A_1133] : memref<819200x128xf32, #tpu.memory_space<hbm>> -> memref<128x64xf32, #tpu.memory_space<hbm>>
        %dma_wait3A_1135 = arith.constant 0 : i32
        %dma_wait3A_1136 = arith.constant 0 : i32
        %dma_wait3A_1137 = tpu.memref_slice %arg6[%dma_wait3A_1124, %dma_wait3A_1135, %dma_wait3A_1136] : memref<10x128x64xf32, #tpu.memory_space<vmem>> -> memref<1x128x64xf32, #tpu.memory_space<vmem>>
        %dma_wait3A_1138 = tpu.memref_squeeze %dma_wait3A_1137 : memref<1x128x64xf32, #tpu.memory_space<vmem>> -> memref<128x64xf32, #tpu.memory_space<vmem>>
        tpu.wait_dma2 semaphore(%arg20 : memref<!tpu.dma_semaphore, #tpu.memory_space<semaphore_mem>>) src(%dma_wait3A_1138 : memref<128x64xf32, #tpu.memory_space<vmem>>) dst(%dma_wait3A_1134 : memref<128x64xf32, #tpu.memory_space<hbm>>)
      } else {
      }
      %add3A_499 = arith.constant 7 : i32
      %add3A_500 = arith.addi %add3A_462, %add3A_499 : i32
      %lt3A_501 = arith.constant 200 : i32
      %lt3A_502 = arith.cmpi slt, %add3A_500, %lt3A_501 : i32
      %convert_element_type3A_503 = arith.extui %lt3A_502 : i1 to i32
      %cond3A_504 = arith.constant 0 : i32
      %cond3A_505 = arith.cmpi ne, %convert_element_type3A_503, %cond3A_504 : i32
      scf.if %cond3A_505 {
        %dma_start3A_1124 = arith.constant 13 : i32
        %dma_start3A_1125 = arith.constant 3 : i32
        %dma_start3A_1126 = arith.constant 0 : i32
        %dma_start3A_1127 = arith.constant 0 : i32
        %dma_start3A_1128 = tpu.memref_slice %arg6[%dma_start3A_1125, %dma_start3A_1126, %dma_start3A_1127] : memref<10x128x64xf32, #tpu.memory_space<vmem>> -> memref<1x128x64xf32, #tpu.memory_space<vmem>>
        %dma_start3A_1129 = tpu.memref_squeeze %dma_start3A_1128 : memref<1x128x64xf32, #tpu.memory_space<vmem>> -> memref<128x64xf32, #tpu.memory_space<vmem>>
        %dma_start3A_1130 = arith.constant 0 : i32
        %dma_start3A_1131 = tpu.memref_slice %arg5[%select_n3A_154, %dma_start3A_1124, %dma_start3A_1130] : memref<2x20x128xi32, #tpu.memory_space<vmem>> -> memref<1x1x128xi32, #tpu.memory_space<vmem>>
        %dma_start3A_1132 = tpu.memref_squeeze %dma_start3A_1131 : memref<1x1x128xi32, #tpu.memory_space<vmem>> -> memref<128xi32, #tpu.memory_space<vmem>>
        %dma_start3A_1133 = arith.constant 0 : i32
        %dma_start3A_1134 = arith.constant 0 : i32
        %dma_start3A_1135 = tpu.memref_slice %arg3[%dma_start3A_1133, %dma_start3A_1134] : memref<1000000x64xf32, #tpu.memory_space<hbm>> -> memref<1000000x64xf32, #tpu.memory_space<hbm>>
        tpu.enqueue_indirect_dma source(%dma_start3A_1135 : memref<1000000x64xf32, #tpu.memory_space<hbm>>) target(%dma_start3A_1129 : memref<128x64xf32, #tpu.memory_space<vmem>>) offsets(%dma_start3A_1132 : memref<128xi32, #tpu.memory_space<vmem>>) semaphore(%arg10 : memref<!tpu.dma_semaphore, #tpu.memory_space<semaphore_mem>>)
      } else {
      }
      %mul3A_506 = arith.constant 20 : i32
      %mul3A_507 = arith.muli %scan3A_145, %mul3A_506 : i32
      %add3A_508 = arith.constant 7 : i32
      %add3A_509 = arith.addi %mul3A_507, %add3A_508 : i32
      %dma_wait3A_510 = arith.constant 0 : i32
      %dma_wait3A_511 = arith.constant 0 : i32
      %dma_wait3A_512 = arith.constant 7 : i32
      %dma_wait3A_513 = arith.constant 0 : i32
      %dma_wait3A_514 = arith.constant 0 : i32
      %dma_wait3A_515 = tpu.memref_slice %arg6[%dma_wait3A_512, %dma_wait3A_513, %dma_wait3A_514] : memref<10x128x64xf32, #tpu.memory_space<vmem>> -> memref<1x128x64xf32, #tpu.memory_space<vmem>>
      %dma_wait3A_516 = tpu.memref_squeeze %dma_wait3A_515 : memref<1x128x64xf32, #tpu.memory_space<vmem>> -> memref<128x64xf32, #tpu.memory_space<vmem>>
      %dma_wait3A_517 = arith.constant 0 : i32
      %dma_wait3A_518 = tpu.memref_slice %arg5[%dma_wait3A_510, %dma_wait3A_511, %dma_wait3A_517] : memref<2x20x128xi32, #tpu.memory_space<vmem>> -> memref<1x1x128xi32, #tpu.memory_space<vmem>>
      %dma_wait3A_519 = tpu.memref_squeeze %dma_wait3A_518 : memref<1x1x128xi32, #tpu.memory_space<vmem>> -> memref<128xi32, #tpu.memory_space<vmem>>
      %dma_wait3A_520 = arith.constant 0 : i32
      %dma_wait3A_521 = arith.constant 0 : i32
      %dma_wait3A_522 = tpu.memref_slice %arg3[%dma_wait3A_520, %dma_wait3A_521] : memref<1000000x64xf32, #tpu.memory_space<hbm>> -> memref<1000000x64xf32, #tpu.memory_space<hbm>>
      tpu.wait_indirect_dma semaphore(%arg14 : memref<!tpu.dma_semaphore, #tpu.memory_space<semaphore_mem>>) src(%dma_wait3A_522 : memref<1000000x64xf32, #tpu.memory_space<hbm>>) dst(%dma_wait3A_516 : memref<128x64xf32, #tpu.memory_space<vmem>>)
      %mul3A_523 = arith.constant 128 : i32
      %mul3A_524 = arith.muli %add3A_509, %mul3A_523 : i32
      %add3A_525 = arith.addi %mul3A_4, %mul3A_524 : i32
      %dma_start3A_526 = arith.constant 7 : i32
      %dma_start3A_527 = arith.constant 0 : i32
      %dma_start3A_528 = arith.constant 0 : i32
      %dma_start3A_529 = tpu.memref_slice %arg6[%dma_start3A_526, %dma_start3A_527, %dma_start3A_528] : memref<10x128x64xf32, #tpu.memory_space<vmem>> -> memref<1x128x64xf32, #tpu.memory_space<vmem>>
      %dma_start3A_530 = tpu.memref_squeeze %dma_start3A_529 : memref<1x128x64xf32, #tpu.memory_space<vmem>> -> memref<128x64xf32, #tpu.memory_space<vmem>>
      %dma_start3A_531 = arith.constant 0 : i32
      %dma_start3A_532 = tpu.memref_slice %arg4[%add3A_525, %dma_start3A_531] : memref<819200x128xf32, #tpu.memory_space<hbm>> -> memref<128x64xf32, #tpu.memory_space<hbm>>
      %dma_start3A_533 = arith.constant 0 : i32
      %dma_start3A_534 = tpu.memref_slice %arg4[%add3A_525, %dma_start3A_533] : memref<819200x128xf32, #tpu.memory_space<hbm>> -> memref<128x64xf32, #tpu.memory_space<hbm>>
      %dma_start3A_535 = arith.constant 0 : i32
      %dma_start3A_536 = arith.constant 0 : i32
      %dma_start3A_537 = tpu.memref_slice %arg6[%dma_start3A_526, %dma_start3A_535, %dma_start3A_536] : memref<10x128x64xf32, #tpu.memory_space<vmem>> -> memref<1x128x64xf32, #tpu.memory_space<vmem>>
      %dma_start3A_538 = tpu.memref_squeeze %dma_start3A_537 : memref<1x128x64xf32, #tpu.memory_space<vmem>> -> memref<128x64xf32, #tpu.memory_space<vmem>>
      tpu.enqueue_dma source(%dma_start3A_538 : memref<128x64xf32, #tpu.memory_space<vmem>>) target(%dma_start3A_534 : memref<128x64xf32, #tpu.memory_space<hbm>>) target_semaphore(%arg24 : memref<!tpu.dma_semaphore, #tpu.memory_space<semaphore_mem>>)
      %add3A_539 = arith.constant 7 : i32
      %add3A_540 = arith.addi %add3A_509, %add3A_539 : i32
      %ge3A_541 = arith.constant 10 : i32
      %ge3A_542 = arith.cmpi sge, %add3A_540, %ge3A_541 : i32
      %convert_element_type3A_543 = arith.extui %ge3A_542 : i1 to i32
      %cond3A_544 = arith.constant 0 : i32
      %cond3A_545 = arith.cmpi ne, %convert_element_type3A_543, %cond3A_544 : i32
      scf.if %cond3A_545 {
        %dma_wait3A_1124 = arith.constant 4 : i32
        %dma_wait3A_1125 = arith.constant 0 : i32
        %dma_wait3A_1126 = arith.constant 0 : i32
        %dma_wait3A_1127 = tpu.memref_slice %arg6[%dma_wait3A_1124, %dma_wait3A_1125, %dma_wait3A_1126] : memref<10x128x64xf32, #tpu.memory_space<vmem>> -> memref<1x128x64xf32, #tpu.memory_space<vmem>>
        %dma_wait3A_1128 = tpu.memref_squeeze %dma_wait3A_1127 : memref<1x128x64xf32, #tpu.memory_space<vmem>> -> memref<128x64xf32, #tpu.memory_space<vmem>>
        %dma_wait3A_1129 = arith.constant 0 : i32
        %dma_wait3A_1130 = arith.constant 0 : i32
        %dma_wait3A_1131 = tpu.memref_slice %arg4[%dma_wait3A_1129, %dma_wait3A_1130] : memref<819200x128xf32, #tpu.memory_space<hbm>> -> memref<128x64xf32, #tpu.memory_space<hbm>>
        %dma_wait3A_1132 = arith.constant 0 : i32
        %dma_wait3A_1133 = arith.constant 0 : i32
        %dma_wait3A_1134 = tpu.memref_slice %arg4[%dma_wait3A_1132, %dma_wait3A_1133] : memref<819200x128xf32, #tpu.memory_space<hbm>> -> memref<128x64xf32, #tpu.memory_space<hbm>>
        %dma_wait3A_1135 = arith.constant 0 : i32
        %dma_wait3A_1136 = arith.constant 0 : i32
        %dma_wait3A_1137 = tpu.memref_slice %arg6[%dma_wait3A_1124, %dma_wait3A_1135, %dma_wait3A_1136] : memref<10x128x64xf32, #tpu.memory_space<vmem>> -> memref<1x128x64xf32, #tpu.memory_space<vmem>>
        %dma_wait3A_1138 = tpu.memref_squeeze %dma_wait3A_1137 : memref<1x128x64xf32, #tpu.memory_space<vmem>> -> memref<128x64xf32, #tpu.memory_space<vmem>>
        tpu.wait_dma2 semaphore(%arg21 : memref<!tpu.dma_semaphore, #tpu.memory_space<semaphore_mem>>) src(%dma_wait3A_1138 : memref<128x64xf32, #tpu.memory_space<vmem>>) dst(%dma_wait3A_1134 : memref<128x64xf32, #tpu.memory_space<hbm>>)
      } else {
      }
      %add3A_546 = arith.constant 7 : i32
      %add3A_547 = arith.addi %add3A_509, %add3A_546 : i32
      %lt3A_548 = arith.constant 200 : i32
      %lt3A_549 = arith.cmpi slt, %add3A_547, %lt3A_548 : i32
      %convert_element_type3A_550 = arith.extui %lt3A_549 : i1 to i32
      %cond3A_551 = arith.constant 0 : i32
      %cond3A_552 = arith.cmpi ne, %convert_element_type3A_550, %cond3A_551 : i32
      scf.if %cond3A_552 {
        %dma_start3A_1124 = arith.constant 14 : i32
        %dma_start3A_1125 = arith.constant 4 : i32
        %dma_start3A_1126 = arith.constant 0 : i32
        %dma_start3A_1127 = arith.constant 0 : i32
        %dma_start3A_1128 = tpu.memref_slice %arg6[%dma_start3A_1125, %dma_start3A_1126, %dma_start3A_1127] : memref<10x128x64xf32, #tpu.memory_space<vmem>> -> memref<1x128x64xf32, #tpu.memory_space<vmem>>
        %dma_start3A_1129 = tpu.memref_squeeze %dma_start3A_1128 : memref<1x128x64xf32, #tpu.memory_space<vmem>> -> memref<128x64xf32, #tpu.memory_space<vmem>>
        %dma_start3A_1130 = arith.constant 0 : i32
        %dma_start3A_1131 = tpu.memref_slice %arg5[%select_n3A_154, %dma_start3A_1124, %dma_start3A_1130] : memref<2x20x128xi32, #tpu.memory_space<vmem>> -> memref<1x1x128xi32, #tpu.memory_space<vmem>>
        %dma_start3A_1132 = tpu.memref_squeeze %dma_start3A_1131 : memref<1x1x128xi32, #tpu.memory_space<vmem>> -> memref<128xi32, #tpu.memory_space<vmem>>
        %dma_start3A_1133 = arith.constant 0 : i32
        %dma_start3A_1134 = arith.constant 0 : i32
        %dma_start3A_1135 = tpu.memref_slice %arg3[%dma_start3A_1133, %dma_start3A_1134] : memref<1000000x64xf32, #tpu.memory_space<hbm>> -> memref<1000000x64xf32, #tpu.memory_space<hbm>>
        tpu.enqueue_indirect_dma source(%dma_start3A_1135 : memref<1000000x64xf32, #tpu.memory_space<hbm>>) target(%dma_start3A_1129 : memref<128x64xf32, #tpu.memory_space<vmem>>) offsets(%dma_start3A_1132 : memref<128xi32, #tpu.memory_space<vmem>>) semaphore(%arg11 : memref<!tpu.dma_semaphore, #tpu.memory_space<semaphore_mem>>)
      } else {
      }
      %mul3A_553 = arith.constant 20 : i32
      %mul3A_554 = arith.muli %scan3A_145, %mul3A_553 : i32
      %add3A_555 = arith.constant 8 : i32
      %add3A_556 = arith.addi %mul3A_554, %add3A_555 : i32
      %dma_wait3A_557 = arith.constant 0 : i32
      %dma_wait3A_558 = arith.constant 0 : i32
      %dma_wait3A_559 = arith.constant 8 : i32
      %dma_wait3A_560 = arith.constant 0 : i32
      %dma_wait3A_561 = arith.constant 0 : i32
      %dma_wait3A_562 = tpu.memref_slice %arg6[%dma_wait3A_559, %dma_wait3A_560, %dma_wait3A_561] : memref<10x128x64xf32, #tpu.memory_space<vmem>> -> memref<1x128x64xf32, #tpu.memory_space<vmem>>
      %dma_wait3A_563 = tpu.memref_squeeze %dma_wait3A_562 : memref<1x128x64xf32, #tpu.memory_space<vmem>> -> memref<128x64xf32, #tpu.memory_space<vmem>>
      %dma_wait3A_564 = arith.constant 0 : i32
      %dma_wait3A_565 = tpu.memref_slice %arg5[%dma_wait3A_557, %dma_wait3A_558, %dma_wait3A_564] : memref<2x20x128xi32, #tpu.memory_space<vmem>> -> memref<1x1x128xi32, #tpu.memory_space<vmem>>
      %dma_wait3A_566 = tpu.memref_squeeze %dma_wait3A_565 : memref<1x1x128xi32, #tpu.memory_space<vmem>> -> memref<128xi32, #tpu.memory_space<vmem>>
      %dma_wait3A_567 = arith.constant 0 : i32
      %dma_wait3A_568 = arith.constant 0 : i32
      %dma_wait3A_569 = tpu.memref_slice %arg3[%dma_wait3A_567, %dma_wait3A_568] : memref<1000000x64xf32, #tpu.memory_space<hbm>> -> memref<1000000x64xf32, #tpu.memory_space<hbm>>
      tpu.wait_indirect_dma semaphore(%arg15 : memref<!tpu.dma_semaphore, #tpu.memory_space<semaphore_mem>>) src(%dma_wait3A_569 : memref<1000000x64xf32, #tpu.memory_space<hbm>>) dst(%dma_wait3A_563 : memref<128x64xf32, #tpu.memory_space<vmem>>)
      %mul3A_570 = arith.constant 128 : i32
      %mul3A_571 = arith.muli %add3A_556, %mul3A_570 : i32
      %add3A_572 = arith.addi %mul3A_4, %mul3A_571 : i32
      %dma_start3A_573 = arith.constant 8 : i32
      %dma_start3A_574 = arith.constant 0 : i32
      %dma_start3A_575 = arith.constant 0 : i32
      %dma_start3A_576 = tpu.memref_slice %arg6[%dma_start3A_573, %dma_start3A_574, %dma_start3A_575] : memref<10x128x64xf32, #tpu.memory_space<vmem>> -> memref<1x128x64xf32, #tpu.memory_space<vmem>>
      %dma_start3A_577 = tpu.memref_squeeze %dma_start3A_576 : memref<1x128x64xf32, #tpu.memory_space<vmem>> -> memref<128x64xf32, #tpu.memory_space<vmem>>
      %dma_start3A_578 = arith.constant 0 : i32
      %dma_start3A_579 = tpu.memref_slice %arg4[%add3A_572, %dma_start3A_578] : memref<819200x128xf32, #tpu.memory_space<hbm>> -> memref<128x64xf32, #tpu.memory_space<hbm>>
      %dma_start3A_580 = arith.constant 0 : i32
      %dma_start3A_581 = tpu.memref_slice %arg4[%add3A_572, %dma_start3A_580] : memref<819200x128xf32, #tpu.memory_space<hbm>> -> memref<128x64xf32, #tpu.memory_space<hbm>>
      %dma_start3A_582 = arith.constant 0 : i32
      %dma_start3A_583 = arith.constant 0 : i32
      %dma_start3A_584 = tpu.memref_slice %arg6[%dma_start3A_573, %dma_start3A_582, %dma_start3A_583] : memref<10x128x64xf32, #tpu.memory_space<vmem>> -> memref<1x128x64xf32, #tpu.memory_space<vmem>>
      %dma_start3A_585 = tpu.memref_squeeze %dma_start3A_584 : memref<1x128x64xf32, #tpu.memory_space<vmem>> -> memref<128x64xf32, #tpu.memory_space<vmem>>
      tpu.enqueue_dma source(%dma_start3A_585 : memref<128x64xf32, #tpu.memory_space<vmem>>) target(%dma_start3A_581 : memref<128x64xf32, #tpu.memory_space<hbm>>) target_semaphore(%arg25 : memref<!tpu.dma_semaphore, #tpu.memory_space<semaphore_mem>>)
      %add3A_586 = arith.constant 7 : i32
      %add3A_587 = arith.addi %add3A_556, %add3A_586 : i32
      %ge3A_588 = arith.constant 10 : i32
      %ge3A_589 = arith.cmpi sge, %add3A_587, %ge3A_588 : i32
      %convert_element_type3A_590 = arith.extui %ge3A_589 : i1 to i32
      %cond3A_591 = arith.constant 0 : i32
      %cond3A_592 = arith.cmpi ne, %convert_element_type3A_590, %cond3A_591 : i32
      scf.if %cond3A_592 {
        %dma_wait3A_1124 = arith.constant 5 : i32
        %dma_wait3A_1125 = arith.constant 0 : i32
        %dma_wait3A_1126 = arith.constant 0 : i32
        %dma_wait3A_1127 = tpu.memref_slice %arg6[%dma_wait3A_1124, %dma_wait3A_1125, %dma_wait3A_1126] : memref<10x128x64xf32, #tpu.memory_space<vmem>> -> memref<1x128x64xf32, #tpu.memory_space<vmem>>
        %dma_wait3A_1128 = tpu.memref_squeeze %dma_wait3A_1127 : memref<1x128x64xf32, #tpu.memory_space<vmem>> -> memref<128x64xf32, #tpu.memory_space<vmem>>
        %dma_wait3A_1129 = arith.constant 0 : i32
        %dma_wait3A_1130 = arith.constant 0 : i32
        %dma_wait3A_1131 = tpu.memref_slice %arg4[%dma_wait3A_1129, %dma_wait3A_1130] : memref<819200x128xf32, #tpu.memory_space<hbm>> -> memref<128x64xf32, #tpu.memory_space<hbm>>
        %dma_wait3A_1132 = arith.constant 0 : i32
        %dma_wait3A_1133 = arith.constant 0 : i32
        %dma_wait3A_1134 = tpu.memref_slice %arg4[%dma_wait3A_1132, %dma_wait3A_1133] : memref<819200x128xf32, #tpu.memory_space<hbm>> -> memref<128x64xf32, #tpu.memory_space<hbm>>
        %dma_wait3A_1135 = arith.constant 0 : i32
        %dma_wait3A_1136 = arith.constant 0 : i32
        %dma_wait3A_1137 = tpu.memref_slice %arg6[%dma_wait3A_1124, %dma_wait3A_1135, %dma_wait3A_1136] : memref<10x128x64xf32, #tpu.memory_space<vmem>> -> memref<1x128x64xf32, #tpu.memory_space<vmem>>
        %dma_wait3A_1138 = tpu.memref_squeeze %dma_wait3A_1137 : memref<1x128x64xf32, #tpu.memory_space<vmem>> -> memref<128x64xf32, #tpu.memory_space<vmem>>
        tpu.wait_dma2 semaphore(%arg22 : memref<!tpu.dma_semaphore, #tpu.memory_space<semaphore_mem>>) src(%dma_wait3A_1138 : memref<128x64xf32, #tpu.memory_space<vmem>>) dst(%dma_wait3A_1134 : memref<128x64xf32, #tpu.memory_space<hbm>>)
      } else {
      }
      %add3A_593 = arith.constant 7 : i32
      %add3A_594 = arith.addi %add3A_556, %add3A_593 : i32
      %lt3A_595 = arith.constant 200 : i32
      %lt3A_596 = arith.cmpi slt, %add3A_594, %lt3A_595 : i32
      %convert_element_type3A_597 = arith.extui %lt3A_596 : i1 to i32
      %cond3A_598 = arith.constant 0 : i32
      %cond3A_599 = arith.cmpi ne, %convert_element_type3A_597, %cond3A_598 : i32
      scf.if %cond3A_599 {
        %dma_start3A_1124 = arith.constant 15 : i32
        %dma_start3A_1125 = arith.constant 5 : i32
        %dma_start3A_1126 = arith.constant 0 : i32
        %dma_start3A_1127 = arith.constant 0 : i32
        %dma_start3A_1128 = tpu.memref_slice %arg6[%dma_start3A_1125, %dma_start3A_1126, %dma_start3A_1127] : memref<10x128x64xf32, #tpu.memory_space<vmem>> -> memref<1x128x64xf32, #tpu.memory_space<vmem>>
        %dma_start3A_1129 = tpu.memref_squeeze %dma_start3A_1128 : memref<1x128x64xf32, #tpu.memory_space<vmem>> -> memref<128x64xf32, #tpu.memory_space<vmem>>
        %dma_start3A_1130 = arith.constant 0 : i32
        %dma_start3A_1131 = tpu.memref_slice %arg5[%select_n3A_154, %dma_start3A_1124, %dma_start3A_1130] : memref<2x20x128xi32, #tpu.memory_space<vmem>> -> memref<1x1x128xi32, #tpu.memory_space<vmem>>
        %dma_start3A_1132 = tpu.memref_squeeze %dma_start3A_1131 : memref<1x1x128xi32, #tpu.memory_space<vmem>> -> memref<128xi32, #tpu.memory_space<vmem>>
        %dma_start3A_1133 = arith.constant 0 : i32
        %dma_start3A_1134 = arith.constant 0 : i32
        %dma_start3A_1135 = tpu.memref_slice %arg3[%dma_start3A_1133, %dma_start3A_1134] : memref<1000000x64xf32, #tpu.memory_space<hbm>> -> memref<1000000x64xf32, #tpu.memory_space<hbm>>
        tpu.enqueue_indirect_dma source(%dma_start3A_1135 : memref<1000000x64xf32, #tpu.memory_space<hbm>>) target(%dma_start3A_1129 : memref<128x64xf32, #tpu.memory_space<vmem>>) offsets(%dma_start3A_1132 : memref<128xi32, #tpu.memory_space<vmem>>) semaphore(%arg12 : memref<!tpu.dma_semaphore, #tpu.memory_space<semaphore_mem>>)
      } else {
      }
      %mul3A_600 = arith.constant 20 : i32
      %mul3A_601 = arith.muli %scan3A_145, %mul3A_600 : i32
      %add3A_602 = arith.constant 9 : i32
      %add3A_603 = arith.addi %mul3A_601, %add3A_602 : i32
      %dma_wait3A_604 = arith.constant 0 : i32
      %dma_wait3A_605 = arith.constant 0 : i32
      %dma_wait3A_606 = arith.constant 9 : i32
      %dma_wait3A_607 = arith.constant 0 : i32
      %dma_wait3A_608 = arith.constant 0 : i32
      %dma_wait3A_609 = tpu.memref_slice %arg6[%dma_wait3A_606, %dma_wait3A_607, %dma_wait3A_608] : memref<10x128x64xf32, #tpu.memory_space<vmem>> -> memref<1x128x64xf32, #tpu.memory_space<vmem>>
      %dma_wait3A_610 = tpu.memref_squeeze %dma_wait3A_609 : memref<1x128x64xf32, #tpu.memory_space<vmem>> -> memref<128x64xf32, #tpu.memory_space<vmem>>
      %dma_wait3A_611 = arith.constant 0 : i32
      %dma_wait3A_612 = tpu.memref_slice %arg5[%dma_wait3A_604, %dma_wait3A_605, %dma_wait3A_611] : memref<2x20x128xi32, #tpu.memory_space<vmem>> -> memref<1x1x128xi32, #tpu.memory_space<vmem>>
      %dma_wait3A_613 = tpu.memref_squeeze %dma_wait3A_612 : memref<1x1x128xi32, #tpu.memory_space<vmem>> -> memref<128xi32, #tpu.memory_space<vmem>>
      %dma_wait3A_614 = arith.constant 0 : i32
      %dma_wait3A_615 = arith.constant 0 : i32
      %dma_wait3A_616 = tpu.memref_slice %arg3[%dma_wait3A_614, %dma_wait3A_615] : memref<1000000x64xf32, #tpu.memory_space<hbm>> -> memref<1000000x64xf32, #tpu.memory_space<hbm>>
      tpu.wait_indirect_dma semaphore(%arg16 : memref<!tpu.dma_semaphore, #tpu.memory_space<semaphore_mem>>) src(%dma_wait3A_616 : memref<1000000x64xf32, #tpu.memory_space<hbm>>) dst(%dma_wait3A_610 : memref<128x64xf32, #tpu.memory_space<vmem>>)
      %mul3A_617 = arith.constant 128 : i32
      %mul3A_618 = arith.muli %add3A_603, %mul3A_617 : i32
      %add3A_619 = arith.addi %mul3A_4, %mul3A_618 : i32
      %dma_start3A_620 = arith.constant 9 : i32
      %dma_start3A_621 = arith.constant 0 : i32
      %dma_start3A_622 = arith.constant 0 : i32
      %dma_start3A_623 = tpu.memref_slice %arg6[%dma_start3A_620, %dma_start3A_621, %dma_start3A_622] : memref<10x128x64xf32, #tpu.memory_space<vmem>> -> memref<1x128x64xf32, #tpu.memory_space<vmem>>
      %dma_start3A_624 = tpu.memref_squeeze %dma_start3A_623 : memref<1x128x64xf32, #tpu.memory_space<vmem>> -> memref<128x64xf32, #tpu.memory_space<vmem>>
      %dma_start3A_625 = arith.constant 0 : i32
      %dma_start3A_626 = tpu.memref_slice %arg4[%add3A_619, %dma_start3A_625] : memref<819200x128xf32, #tpu.memory_space<hbm>> -> memref<128x64xf32, #tpu.memory_space<hbm>>
      %dma_start3A_627 = arith.constant 0 : i32
      %dma_start3A_628 = tpu.memref_slice %arg4[%add3A_619, %dma_start3A_627] : memref<819200x128xf32, #tpu.memory_space<hbm>> -> memref<128x64xf32, #tpu.memory_space<hbm>>
      %dma_start3A_629 = arith.constant 0 : i32
      %dma_start3A_630 = arith.constant 0 : i32
      %dma_start3A_631 = tpu.memref_slice %arg6[%dma_start3A_620, %dma_start3A_629, %dma_start3A_630] : memref<10x128x64xf32, #tpu.memory_space<vmem>> -> memref<1x128x64xf32, #tpu.memory_space<vmem>>
      %dma_start3A_632 = tpu.memref_squeeze %dma_start3A_631 : memref<1x128x64xf32, #tpu.memory_space<vmem>> -> memref<128x64xf32, #tpu.memory_space<vmem>>
      tpu.enqueue_dma source(%dma_start3A_632 : memref<128x64xf32, #tpu.memory_space<vmem>>) target(%dma_start3A_628 : memref<128x64xf32, #tpu.memory_space<hbm>>) target_semaphore(%arg26 : memref<!tpu.dma_semaphore, #tpu.memory_space<semaphore_mem>>)
      %add3A_633 = arith.constant 7 : i32
      %add3A_634 = arith.addi %add3A_603, %add3A_633 : i32
      %ge3A_635 = arith.constant 10 : i32
      %ge3A_636 = arith.cmpi sge, %add3A_634, %ge3A_635 : i32
      %convert_element_type3A_637 = arith.extui %ge3A_636 : i1 to i32
      %cond3A_638 = arith.constant 0 : i32
      %cond3A_639 = arith.cmpi ne, %convert_element_type3A_637, %cond3A_638 : i32
      scf.if %cond3A_639 {
        %dma_wait3A_1124 = arith.constant 6 : i32
        %dma_wait3A_1125 = arith.constant 0 : i32
        %dma_wait3A_1126 = arith.constant 0 : i32
        %dma_wait3A_1127 = tpu.memref_slice %arg6[%dma_wait3A_1124, %dma_wait3A_1125, %dma_wait3A_1126] : memref<10x128x64xf32, #tpu.memory_space<vmem>> -> memref<1x128x64xf32, #tpu.memory_space<vmem>>
        %dma_wait3A_1128 = tpu.memref_squeeze %dma_wait3A_1127 : memref<1x128x64xf32, #tpu.memory_space<vmem>> -> memref<128x64xf32, #tpu.memory_space<vmem>>
        %dma_wait3A_1129 = arith.constant 0 : i32
        %dma_wait3A_1130 = arith.constant 0 : i32
        %dma_wait3A_1131 = tpu.memref_slice %arg4[%dma_wait3A_1129, %dma_wait3A_1130] : memref<819200x128xf32, #tpu.memory_space<hbm>> -> memref<128x64xf32, #tpu.memory_space<hbm>>
        %dma_wait3A_1132 = arith.constant 0 : i32
        %dma_wait3A_1133 = arith.constant 0 : i32
        %dma_wait3A_1134 = tpu.memref_slice %arg4[%dma_wait3A_1132, %dma_wait3A_1133] : memref<819200x128xf32, #tpu.memory_space<hbm>> -> memref<128x64xf32, #tpu.memory_space<hbm>>
        %dma_wait3A_1135 = arith.constant 0 : i32
        %dma_wait3A_1136 = arith.constant 0 : i32
        %dma_wait3A_1137 = tpu.memref_slice %arg6[%dma_wait3A_1124, %dma_wait3A_1135, %dma_wait3A_1136] : memref<10x128x64xf32, #tpu.memory_space<vmem>> -> memref<1x128x64xf32, #tpu.memory_space<vmem>>
        %dma_wait3A_1138 = tpu.memref_squeeze %dma_wait3A_1137 : memref<1x128x64xf32, #tpu.memory_space<vmem>> -> memref<128x64xf32, #tpu.memory_space<vmem>>
        tpu.wait_dma2 semaphore(%arg23 : memref<!tpu.dma_semaphore, #tpu.memory_space<semaphore_mem>>) src(%dma_wait3A_1138 : memref<128x64xf32, #tpu.memory_space<vmem>>) dst(%dma_wait3A_1134 : memref<128x64xf32, #tpu.memory_space<hbm>>)
      } else {
      }
      %add3A_640 = arith.constant 7 : i32
      %add3A_641 = arith.addi %add3A_603, %add3A_640 : i32
      %lt3A_642 = arith.constant 200 : i32
      %lt3A_643 = arith.cmpi slt, %add3A_641, %lt3A_642 : i32
      %convert_element_type3A_644 = arith.extui %lt3A_643 : i1 to i32
      %cond3A_645 = arith.constant 0 : i32
      %cond3A_646 = arith.cmpi ne, %convert_element_type3A_644, %cond3A_645 : i32
      scf.if %cond3A_646 {
        %dma_start3A_1124 = arith.constant 16 : i32
        %dma_start3A_1125 = arith.constant 6 : i32
        %dma_start3A_1126 = arith.constant 0 : i32
        %dma_start3A_1127 = arith.constant 0 : i32
        %dma_start3A_1128 = tpu.memref_slice %arg6[%dma_start3A_1125, %dma_start3A_1126, %dma_start3A_1127] : memref<10x128x64xf32, #tpu.memory_space<vmem>> -> memref<1x128x64xf32, #tpu.memory_space<vmem>>
        %dma_start3A_1129 = tpu.memref_squeeze %dma_start3A_1128 : memref<1x128x64xf32, #tpu.memory_space<vmem>> -> memref<128x64xf32, #tpu.memory_space<vmem>>
        %dma_start3A_1130 = arith.constant 0 : i32
        %dma_start3A_1131 = tpu.memref_slice %arg5[%select_n3A_154, %dma_start3A_1124, %dma_start3A_1130] : memref<2x20x128xi32, #tpu.memory_space<vmem>> -> memref<1x1x128xi32, #tpu.memory_space<vmem>>
        %dma_start3A_1132 = tpu.memref_squeeze %dma_start3A_1131 : memref<1x1x128xi32, #tpu.memory_space<vmem>> -> memref<128xi32, #tpu.memory_space<vmem>>
        %dma_start3A_1133 = arith.constant 0 : i32
        %dma_start3A_1134 = arith.constant 0 : i32
        %dma_start3A_1135 = tpu.memref_slice %arg3[%dma_start3A_1133, %dma_start3A_1134] : memref<1000000x64xf32, #tpu.memory_space<hbm>> -> memref<1000000x64xf32, #tpu.memory_space<hbm>>
        tpu.enqueue_indirect_dma source(%dma_start3A_1135 : memref<1000000x64xf32, #tpu.memory_space<hbm>>) target(%dma_start3A_1129 : memref<128x64xf32, #tpu.memory_space<vmem>>) offsets(%dma_start3A_1132 : memref<128xi32, #tpu.memory_space<vmem>>) semaphore(%arg13 : memref<!tpu.dma_semaphore, #tpu.memory_space<semaphore_mem>>)
      } else {
      }
      %mul3A_647 = arith.constant 20 : i32
      %mul3A_648 = arith.muli %scan3A_145, %mul3A_647 : i32
      %add3A_649 = arith.constant 10 : i32
      %add3A_650 = arith.addi %mul3A_648, %add3A_649 : i32
      %dma_wait3A_651 = arith.constant 0 : i32
      %dma_wait3A_652 = arith.constant 0 : i32
      %dma_wait3A_653 = arith.constant 0 : i32
      %dma_wait3A_654 = arith.constant 0 : i32
      %dma_wait3A_655 = arith.constant 0 : i32
      %dma_wait3A_656 = tpu.memref_slice %arg6[%dma_wait3A_653, %dma_wait3A_654, %dma_wait3A_655] : memref<10x128x64xf32, #tpu.memory_space<vmem>> -> memref<1x128x64xf32, #tpu.memory_space<vmem>>
      %dma_wait3A_657 = tpu.memref_squeeze %dma_wait3A_656 : memref<1x128x64xf32, #tpu.memory_space<vmem>> -> memref<128x64xf32, #tpu.memory_space<vmem>>
      %dma_wait3A_658 = arith.constant 0 : i32
      %dma_wait3A_659 = tpu.memref_slice %arg5[%dma_wait3A_651, %dma_wait3A_652, %dma_wait3A_658] : memref<2x20x128xi32, #tpu.memory_space<vmem>> -> memref<1x1x128xi32, #tpu.memory_space<vmem>>
      %dma_wait3A_660 = tpu.memref_squeeze %dma_wait3A_659 : memref<1x1x128xi32, #tpu.memory_space<vmem>> -> memref<128xi32, #tpu.memory_space<vmem>>
      %dma_wait3A_661 = arith.constant 0 : i32
      %dma_wait3A_662 = arith.constant 0 : i32
      %dma_wait3A_663 = tpu.memref_slice %arg3[%dma_wait3A_661, %dma_wait3A_662] : memref<1000000x64xf32, #tpu.memory_space<hbm>> -> memref<1000000x64xf32, #tpu.memory_space<hbm>>
      tpu.wait_indirect_dma semaphore(%arg7 : memref<!tpu.dma_semaphore, #tpu.memory_space<semaphore_mem>>) src(%dma_wait3A_663 : memref<1000000x64xf32, #tpu.memory_space<hbm>>) dst(%dma_wait3A_657 : memref<128x64xf32, #tpu.memory_space<vmem>>)
      %mul3A_664 = arith.constant 128 : i32
      %mul3A_665 = arith.muli %add3A_650, %mul3A_664 : i32
      %add3A_666 = arith.addi %mul3A_4, %mul3A_665 : i32
      %dma_start3A_667 = arith.constant 0 : i32
      %dma_start3A_668 = arith.constant 0 : i32
      %dma_start3A_669 = arith.constant 0 : i32
      %dma_start3A_670 = tpu.memref_slice %arg6[%dma_start3A_667, %dma_start3A_668, %dma_start3A_669] : memref<10x128x64xf32, #tpu.memory_space<vmem>> -> memref<1x128x64xf32, #tpu.memory_space<vmem>>
      %dma_start3A_671 = tpu.memref_squeeze %dma_start3A_670 : memref<1x128x64xf32, #tpu.memory_space<vmem>> -> memref<128x64xf32, #tpu.memory_space<vmem>>
      %dma_start3A_672 = arith.constant 0 : i32
      %dma_start3A_673 = tpu.memref_slice %arg4[%add3A_666, %dma_start3A_672] : memref<819200x128xf32, #tpu.memory_space<hbm>> -> memref<128x64xf32, #tpu.memory_space<hbm>>
      %dma_start3A_674 = arith.constant 0 : i32
      %dma_start3A_675 = tpu.memref_slice %arg4[%add3A_666, %dma_start3A_674] : memref<819200x128xf32, #tpu.memory_space<hbm>> -> memref<128x64xf32, #tpu.memory_space<hbm>>
      %dma_start3A_676 = arith.constant 0 : i32
      %dma_start3A_677 = arith.constant 0 : i32
      %dma_start3A_678 = tpu.memref_slice %arg6[%dma_start3A_667, %dma_start3A_676, %dma_start3A_677] : memref<10x128x64xf32, #tpu.memory_space<vmem>> -> memref<1x128x64xf32, #tpu.memory_space<vmem>>
      %dma_start3A_679 = tpu.memref_squeeze %dma_start3A_678 : memref<1x128x64xf32, #tpu.memory_space<vmem>> -> memref<128x64xf32, #tpu.memory_space<vmem>>
      tpu.enqueue_dma source(%dma_start3A_679 : memref<128x64xf32, #tpu.memory_space<vmem>>) target(%dma_start3A_675 : memref<128x64xf32, #tpu.memory_space<hbm>>) target_semaphore(%arg17 : memref<!tpu.dma_semaphore, #tpu.memory_space<semaphore_mem>>)
      %add3A_680 = arith.constant 7 : i32
      %add3A_681 = arith.addi %add3A_650, %add3A_680 : i32
      %ge3A_682 = arith.constant 10 : i32
      %ge3A_683 = arith.cmpi sge, %add3A_681, %ge3A_682 : i32
      %convert_element_type3A_684 = arith.extui %ge3A_683 : i1 to i32
      %cond3A_685 = arith.constant 0 : i32
      %cond3A_686 = arith.cmpi ne, %convert_element_type3A_684, %cond3A_685 : i32
      scf.if %cond3A_686 {
        %dma_wait3A_1124 = arith.constant 7 : i32
        %dma_wait3A_1125 = arith.constant 0 : i32
        %dma_wait3A_1126 = arith.constant 0 : i32
        %dma_wait3A_1127 = tpu.memref_slice %arg6[%dma_wait3A_1124, %dma_wait3A_1125, %dma_wait3A_1126] : memref<10x128x64xf32, #tpu.memory_space<vmem>> -> memref<1x128x64xf32, #tpu.memory_space<vmem>>
        %dma_wait3A_1128 = tpu.memref_squeeze %dma_wait3A_1127 : memref<1x128x64xf32, #tpu.memory_space<vmem>> -> memref<128x64xf32, #tpu.memory_space<vmem>>
        %dma_wait3A_1129 = arith.constant 0 : i32
        %dma_wait3A_1130 = arith.constant 0 : i32
        %dma_wait3A_1131 = tpu.memref_slice %arg4[%dma_wait3A_1129, %dma_wait3A_1130] : memref<819200x128xf32, #tpu.memory_space<hbm>> -> memref<128x64xf32, #tpu.memory_space<hbm>>
        %dma_wait3A_1132 = arith.constant 0 : i32
        %dma_wait3A_1133 = arith.constant 0 : i32
        %dma_wait3A_1134 = tpu.memref_slice %arg4[%dma_wait3A_1132, %dma_wait3A_1133] : memref<819200x128xf32, #tpu.memory_space<hbm>> -> memref<128x64xf32, #tpu.memory_space<hbm>>
        %dma_wait3A_1135 = arith.constant 0 : i32
        %dma_wait3A_1136 = arith.constant 0 : i32
        %dma_wait3A_1137 = tpu.memref_slice %arg6[%dma_wait3A_1124, %dma_wait3A_1135, %dma_wait3A_1136] : memref<10x128x64xf32, #tpu.memory_space<vmem>> -> memref<1x128x64xf32, #tpu.memory_space<vmem>>
        %dma_wait3A_1138 = tpu.memref_squeeze %dma_wait3A_1137 : memref<1x128x64xf32, #tpu.memory_space<vmem>> -> memref<128x64xf32, #tpu.memory_space<vmem>>
        tpu.wait_dma2 semaphore(%arg24 : memref<!tpu.dma_semaphore, #tpu.memory_space<semaphore_mem>>) src(%dma_wait3A_1138 : memref<128x64xf32, #tpu.memory_space<vmem>>) dst(%dma_wait3A_1134 : memref<128x64xf32, #tpu.memory_space<hbm>>)
      } else {
      }
      %add3A_687 = arith.constant 7 : i32
      %add3A_688 = arith.addi %add3A_650, %add3A_687 : i32
      %lt3A_689 = arith.constant 200 : i32
      %lt3A_690 = arith.cmpi slt, %add3A_688, %lt3A_689 : i32
      %convert_element_type3A_691 = arith.extui %lt3A_690 : i1 to i32
      %cond3A_692 = arith.constant 0 : i32
      %cond3A_693 = arith.cmpi ne, %convert_element_type3A_691, %cond3A_692 : i32
      scf.if %cond3A_693 {
        %dma_start3A_1124 = arith.constant 17 : i32
        %dma_start3A_1125 = arith.constant 7 : i32
        %dma_start3A_1126 = arith.constant 0 : i32
        %dma_start3A_1127 = arith.constant 0 : i32
        %dma_start3A_1128 = tpu.memref_slice %arg6[%dma_start3A_1125, %dma_start3A_1126, %dma_start3A_1127] : memref<10x128x64xf32, #tpu.memory_space<vmem>> -> memref<1x128x64xf32, #tpu.memory_space<vmem>>
        %dma_start3A_1129 = tpu.memref_squeeze %dma_start3A_1128 : memref<1x128x64xf32, #tpu.memory_space<vmem>> -> memref<128x64xf32, #tpu.memory_space<vmem>>
        %dma_start3A_1130 = arith.constant 0 : i32
        %dma_start3A_1131 = tpu.memref_slice %arg5[%select_n3A_154, %dma_start3A_1124, %dma_start3A_1130] : memref<2x20x128xi32, #tpu.memory_space<vmem>> -> memref<1x1x128xi32, #tpu.memory_space<vmem>>
        %dma_start3A_1132 = tpu.memref_squeeze %dma_start3A_1131 : memref<1x1x128xi32, #tpu.memory_space<vmem>> -> memref<128xi32, #tpu.memory_space<vmem>>
        %dma_start3A_1133 = arith.constant 0 : i32
        %dma_start3A_1134 = arith.constant 0 : i32
        %dma_start3A_1135 = tpu.memref_slice %arg3[%dma_start3A_1133, %dma_start3A_1134] : memref<1000000x64xf32, #tpu.memory_space<hbm>> -> memref<1000000x64xf32, #tpu.memory_space<hbm>>
        tpu.enqueue_indirect_dma source(%dma_start3A_1135 : memref<1000000x64xf32, #tpu.memory_space<hbm>>) target(%dma_start3A_1129 : memref<128x64xf32, #tpu.memory_space<vmem>>) offsets(%dma_start3A_1132 : memref<128xi32, #tpu.memory_space<vmem>>) semaphore(%arg14 : memref<!tpu.dma_semaphore, #tpu.memory_space<semaphore_mem>>)
      } else {
      }
      %mul3A_694 = arith.constant 20 : i32
      %mul3A_695 = arith.muli %scan3A_145, %mul3A_694 : i32
      %add3A_696 = arith.constant 11 : i32
      %add3A_697 = arith.addi %mul3A_695, %add3A_696 : i32
      %dma_wait3A_698 = arith.constant 0 : i32
      %dma_wait3A_699 = arith.constant 0 : i32
      %dma_wait3A_700 = arith.constant 1 : i32
      %dma_wait3A_701 = arith.constant 0 : i32
      %dma_wait3A_702 = arith.constant 0 : i32
      %dma_wait3A_703 = tpu.memref_slice %arg6[%dma_wait3A_700, %dma_wait3A_701, %dma_wait3A_702] : memref<10x128x64xf32, #tpu.memory_space<vmem>> -> memref<1x128x64xf32, #tpu.memory_space<vmem>>
      %dma_wait3A_704 = tpu.memref_squeeze %dma_wait3A_703 : memref<1x128x64xf32, #tpu.memory_space<vmem>> -> memref<128x64xf32, #tpu.memory_space<vmem>>
      %dma_wait3A_705 = arith.constant 0 : i32
      %dma_wait3A_706 = tpu.memref_slice %arg5[%dma_wait3A_698, %dma_wait3A_699, %dma_wait3A_705] : memref<2x20x128xi32, #tpu.memory_space<vmem>> -> memref<1x1x128xi32, #tpu.memory_space<vmem>>
      %dma_wait3A_707 = tpu.memref_squeeze %dma_wait3A_706 : memref<1x1x128xi32, #tpu.memory_space<vmem>> -> memref<128xi32, #tpu.memory_space<vmem>>
      %dma_wait3A_708 = arith.constant 0 : i32
      %dma_wait3A_709 = arith.constant 0 : i32
      %dma_wait3A_710 = tpu.memref_slice %arg3[%dma_wait3A_708, %dma_wait3A_709] : memref<1000000x64xf32, #tpu.memory_space<hbm>> -> memref<1000000x64xf32, #tpu.memory_space<hbm>>
      tpu.wait_indirect_dma semaphore(%arg8 : memref<!tpu.dma_semaphore, #tpu.memory_space<semaphore_mem>>) src(%dma_wait3A_710 : memref<1000000x64xf32, #tpu.memory_space<hbm>>) dst(%dma_wait3A_704 : memref<128x64xf32, #tpu.memory_space<vmem>>)
      %mul3A_711 = arith.constant 128 : i32
      %mul3A_712 = arith.muli %add3A_697, %mul3A_711 : i32
      %add3A_713 = arith.addi %mul3A_4, %mul3A_712 : i32
      %dma_start3A_714 = arith.constant 1 : i32
      %dma_start3A_715 = arith.constant 0 : i32
      %dma_start3A_716 = arith.constant 0 : i32
      %dma_start3A_717 = tpu.memref_slice %arg6[%dma_start3A_714, %dma_start3A_715, %dma_start3A_716] : memref<10x128x64xf32, #tpu.memory_space<vmem>> -> memref<1x128x64xf32, #tpu.memory_space<vmem>>
      %dma_start3A_718 = tpu.memref_squeeze %dma_start3A_717 : memref<1x128x64xf32, #tpu.memory_space<vmem>> -> memref<128x64xf32, #tpu.memory_space<vmem>>
      %dma_start3A_719 = arith.constant 0 : i32
      %dma_start3A_720 = tpu.memref_slice %arg4[%add3A_713, %dma_start3A_719] : memref<819200x128xf32, #tpu.memory_space<hbm>> -> memref<128x64xf32, #tpu.memory_space<hbm>>
      %dma_start3A_721 = arith.constant 0 : i32
      %dma_start3A_722 = tpu.memref_slice %arg4[%add3A_713, %dma_start3A_721] : memref<819200x128xf32, #tpu.memory_space<hbm>> -> memref<128x64xf32, #tpu.memory_space<hbm>>
      %dma_start3A_723 = arith.constant 0 : i32
      %dma_start3A_724 = arith.constant 0 : i32
      %dma_start3A_725 = tpu.memref_slice %arg6[%dma_start3A_714, %dma_start3A_723, %dma_start3A_724] : memref<10x128x64xf32, #tpu.memory_space<vmem>> -> memref<1x128x64xf32, #tpu.memory_space<vmem>>
      %dma_start3A_726 = tpu.memref_squeeze %dma_start3A_725 : memref<1x128x64xf32, #tpu.memory_space<vmem>> -> memref<128x64xf32, #tpu.memory_space<vmem>>
      tpu.enqueue_dma source(%dma_start3A_726 : memref<128x64xf32, #tpu.memory_space<vmem>>) target(%dma_start3A_722 : memref<128x64xf32, #tpu.memory_space<hbm>>) target_semaphore(%arg18 : memref<!tpu.dma_semaphore, #tpu.memory_space<semaphore_mem>>)
      %add3A_727 = arith.constant 7 : i32
      %add3A_728 = arith.addi %add3A_697, %add3A_727 : i32
      %ge3A_729 = arith.constant 10 : i32
      %ge3A_730 = arith.cmpi sge, %add3A_728, %ge3A_729 : i32
      %convert_element_type3A_731 = arith.extui %ge3A_730 : i1 to i32
      %cond3A_732 = arith.constant 0 : i32
      %cond3A_733 = arith.cmpi ne, %convert_element_type3A_731, %cond3A_732 : i32
      scf.if %cond3A_733 {
        %dma_wait3A_1124 = arith.constant 8 : i32
        %dma_wait3A_1125 = arith.constant 0 : i32
        %dma_wait3A_1126 = arith.constant 0 : i32
        %dma_wait3A_1127 = tpu.memref_slice %arg6[%dma_wait3A_1124, %dma_wait3A_1125, %dma_wait3A_1126] : memref<10x128x64xf32, #tpu.memory_space<vmem>> -> memref<1x128x64xf32, #tpu.memory_space<vmem>>
        %dma_wait3A_1128 = tpu.memref_squeeze %dma_wait3A_1127 : memref<1x128x64xf32, #tpu.memory_space<vmem>> -> memref<128x64xf32, #tpu.memory_space<vmem>>
        %dma_wait3A_1129 = arith.constant 0 : i32
        %dma_wait3A_1130 = arith.constant 0 : i32
        %dma_wait3A_1131 = tpu.memref_slice %arg4[%dma_wait3A_1129, %dma_wait3A_1130] : memref<819200x128xf32, #tpu.memory_space<hbm>> -> memref<128x64xf32, #tpu.memory_space<hbm>>
        %dma_wait3A_1132 = arith.constant 0 : i32
        %dma_wait3A_1133 = arith.constant 0 : i32
        %dma_wait3A_1134 = tpu.memref_slice %arg4[%dma_wait3A_1132, %dma_wait3A_1133] : memref<819200x128xf32, #tpu.memory_space<hbm>> -> memref<128x64xf32, #tpu.memory_space<hbm>>
        %dma_wait3A_1135 = arith.constant 0 : i32
        %dma_wait3A_1136 = arith.constant 0 : i32
        %dma_wait3A_1137 = tpu.memref_slice %arg6[%dma_wait3A_1124, %dma_wait3A_1135, %dma_wait3A_1136] : memref<10x128x64xf32, #tpu.memory_space<vmem>> -> memref<1x128x64xf32, #tpu.memory_space<vmem>>
        %dma_wait3A_1138 = tpu.memref_squeeze %dma_wait3A_1137 : memref<1x128x64xf32, #tpu.memory_space<vmem>> -> memref<128x64xf32, #tpu.memory_space<vmem>>
        tpu.wait_dma2 semaphore(%arg25 : memref<!tpu.dma_semaphore, #tpu.memory_space<semaphore_mem>>) src(%dma_wait3A_1138 : memref<128x64xf32, #tpu.memory_space<vmem>>) dst(%dma_wait3A_1134 : memref<128x64xf32, #tpu.memory_space<hbm>>)
      } else {
      }
      %add3A_734 = arith.constant 7 : i32
      %add3A_735 = arith.addi %add3A_697, %add3A_734 : i32
      %lt3A_736 = arith.constant 200 : i32
      %lt3A_737 = arith.cmpi slt, %add3A_735, %lt3A_736 : i32
      %convert_element_type3A_738 = arith.extui %lt3A_737 : i1 to i32
      %cond3A_739 = arith.constant 0 : i32
      %cond3A_740 = arith.cmpi ne, %convert_element_type3A_738, %cond3A_739 : i32
      scf.if %cond3A_740 {
        %dma_start3A_1124 = arith.constant 18 : i32
        %dma_start3A_1125 = arith.constant 8 : i32
        %dma_start3A_1126 = arith.constant 0 : i32
        %dma_start3A_1127 = arith.constant 0 : i32
        %dma_start3A_1128 = tpu.memref_slice %arg6[%dma_start3A_1125, %dma_start3A_1126, %dma_start3A_1127] : memref<10x128x64xf32, #tpu.memory_space<vmem>> -> memref<1x128x64xf32, #tpu.memory_space<vmem>>
        %dma_start3A_1129 = tpu.memref_squeeze %dma_start3A_1128 : memref<1x128x64xf32, #tpu.memory_space<vmem>> -> memref<128x64xf32, #tpu.memory_space<vmem>>
        %dma_start3A_1130 = arith.constant 0 : i32
        %dma_start3A_1131 = tpu.memref_slice %arg5[%select_n3A_154, %dma_start3A_1124, %dma_start3A_1130] : memref<2x20x128xi32, #tpu.memory_space<vmem>> -> memref<1x1x128xi32, #tpu.memory_space<vmem>>
        %dma_start3A_1132 = tpu.memref_squeeze %dma_start3A_1131 : memref<1x1x128xi32, #tpu.memory_space<vmem>> -> memref<128xi32, #tpu.memory_space<vmem>>
        %dma_start3A_1133 = arith.constant 0 : i32
        %dma_start3A_1134 = arith.constant 0 : i32
        %dma_start3A_1135 = tpu.memref_slice %arg3[%dma_start3A_1133, %dma_start3A_1134] : memref<1000000x64xf32, #tpu.memory_space<hbm>> -> memref<1000000x64xf32, #tpu.memory_space<hbm>>
        tpu.enqueue_indirect_dma source(%dma_start3A_1135 : memref<1000000x64xf32, #tpu.memory_space<hbm>>) target(%dma_start3A_1129 : memref<128x64xf32, #tpu.memory_space<vmem>>) offsets(%dma_start3A_1132 : memref<128xi32, #tpu.memory_space<vmem>>) semaphore(%arg15 : memref<!tpu.dma_semaphore, #tpu.memory_space<semaphore_mem>>)
      } else {
      }
      %mul3A_741 = arith.constant 20 : i32
      %mul3A_742 = arith.muli %scan3A_145, %mul3A_741 : i32
      %add3A_743 = arith.constant 12 : i32
      %add3A_744 = arith.addi %mul3A_742, %add3A_743 : i32
      %dma_wait3A_745 = arith.constant 0 : i32
      %dma_wait3A_746 = arith.constant 0 : i32
      %dma_wait3A_747 = arith.constant 2 : i32
      %dma_wait3A_748 = arith.constant 0 : i32
      %dma_wait3A_749 = arith.constant 0 : i32
      %dma_wait3A_750 = tpu.memref_slice %arg6[%dma_wait3A_747, %dma_wait3A_748, %dma_wait3A_749] : memref<10x128x64xf32, #tpu.memory_space<vmem>> -> memref<1x128x64xf32, #tpu.memory_space<vmem>>
      %dma_wait3A_751 = tpu.memref_squeeze %dma_wait3A_750 : memref<1x128x64xf32, #tpu.memory_space<vmem>> -> memref<128x64xf32, #tpu.memory_space<vmem>>
      %dma_wait3A_752 = arith.constant 0 : i32
      %dma_wait3A_753 = tpu.memref_slice %arg5[%dma_wait3A_745, %dma_wait3A_746, %dma_wait3A_752] : memref<2x20x128xi32, #tpu.memory_space<vmem>> -> memref<1x1x128xi32, #tpu.memory_space<vmem>>
      %dma_wait3A_754 = tpu.memref_squeeze %dma_wait3A_753 : memref<1x1x128xi32, #tpu.memory_space<vmem>> -> memref<128xi32, #tpu.memory_space<vmem>>
      %dma_wait3A_755 = arith.constant 0 : i32
      %dma_wait3A_756 = arith.constant 0 : i32
      %dma_wait3A_757 = tpu.memref_slice %arg3[%dma_wait3A_755, %dma_wait3A_756] : memref<1000000x64xf32, #tpu.memory_space<hbm>> -> memref<1000000x64xf32, #tpu.memory_space<hbm>>
      tpu.wait_indirect_dma semaphore(%arg9 : memref<!tpu.dma_semaphore, #tpu.memory_space<semaphore_mem>>) src(%dma_wait3A_757 : memref<1000000x64xf32, #tpu.memory_space<hbm>>) dst(%dma_wait3A_751 : memref<128x64xf32, #tpu.memory_space<vmem>>)
      %mul3A_758 = arith.constant 128 : i32
      %mul3A_759 = arith.muli %add3A_744, %mul3A_758 : i32
      %add3A_760 = arith.addi %mul3A_4, %mul3A_759 : i32
      %dma_start3A_761 = arith.constant 2 : i32
      %dma_start3A_762 = arith.constant 0 : i32
      %dma_start3A_763 = arith.constant 0 : i32
      %dma_start3A_764 = tpu.memref_slice %arg6[%dma_start3A_761, %dma_start3A_762, %dma_start3A_763] : memref<10x128x64xf32, #tpu.memory_space<vmem>> -> memref<1x128x64xf32, #tpu.memory_space<vmem>>
      %dma_start3A_765 = tpu.memref_squeeze %dma_start3A_764 : memref<1x128x64xf32, #tpu.memory_space<vmem>> -> memref<128x64xf32, #tpu.memory_space<vmem>>
      %dma_start3A_766 = arith.constant 0 : i32
      %dma_start3A_767 = tpu.memref_slice %arg4[%add3A_760, %dma_start3A_766] : memref<819200x128xf32, #tpu.memory_space<hbm>> -> memref<128x64xf32, #tpu.memory_space<hbm>>
      %dma_start3A_768 = arith.constant 0 : i32
      %dma_start3A_769 = tpu.memref_slice %arg4[%add3A_760, %dma_start3A_768] : memref<819200x128xf32, #tpu.memory_space<hbm>> -> memref<128x64xf32, #tpu.memory_space<hbm>>
      %dma_start3A_770 = arith.constant 0 : i32
      %dma_start3A_771 = arith.constant 0 : i32
      %dma_start3A_772 = tpu.memref_slice %arg6[%dma_start3A_761, %dma_start3A_770, %dma_start3A_771] : memref<10x128x64xf32, #tpu.memory_space<vmem>> -> memref<1x128x64xf32, #tpu.memory_space<vmem>>
      %dma_start3A_773 = tpu.memref_squeeze %dma_start3A_772 : memref<1x128x64xf32, #tpu.memory_space<vmem>> -> memref<128x64xf32, #tpu.memory_space<vmem>>
      tpu.enqueue_dma source(%dma_start3A_773 : memref<128x64xf32, #tpu.memory_space<vmem>>) target(%dma_start3A_769 : memref<128x64xf32, #tpu.memory_space<hbm>>) target_semaphore(%arg19 : memref<!tpu.dma_semaphore, #tpu.memory_space<semaphore_mem>>)
      %add3A_774 = arith.constant 7 : i32
      %add3A_775 = arith.addi %add3A_744, %add3A_774 : i32
      %ge3A_776 = arith.constant 10 : i32
      %ge3A_777 = arith.cmpi sge, %add3A_775, %ge3A_776 : i32
      %convert_element_type3A_778 = arith.extui %ge3A_777 : i1 to i32
      %cond3A_779 = arith.constant 0 : i32
      %cond3A_780 = arith.cmpi ne, %convert_element_type3A_778, %cond3A_779 : i32
      scf.if %cond3A_780 {
        %dma_wait3A_1124 = arith.constant 9 : i32
        %dma_wait3A_1125 = arith.constant 0 : i32
        %dma_wait3A_1126 = arith.constant 0 : i32
        %dma_wait3A_1127 = tpu.memref_slice %arg6[%dma_wait3A_1124, %dma_wait3A_1125, %dma_wait3A_1126] : memref<10x128x64xf32, #tpu.memory_space<vmem>> -> memref<1x128x64xf32, #tpu.memory_space<vmem>>
        %dma_wait3A_1128 = tpu.memref_squeeze %dma_wait3A_1127 : memref<1x128x64xf32, #tpu.memory_space<vmem>> -> memref<128x64xf32, #tpu.memory_space<vmem>>
        %dma_wait3A_1129 = arith.constant 0 : i32
        %dma_wait3A_1130 = arith.constant 0 : i32
        %dma_wait3A_1131 = tpu.memref_slice %arg4[%dma_wait3A_1129, %dma_wait3A_1130] : memref<819200x128xf32, #tpu.memory_space<hbm>> -> memref<128x64xf32, #tpu.memory_space<hbm>>
        %dma_wait3A_1132 = arith.constant 0 : i32
        %dma_wait3A_1133 = arith.constant 0 : i32
        %dma_wait3A_1134 = tpu.memref_slice %arg4[%dma_wait3A_1132, %dma_wait3A_1133] : memref<819200x128xf32, #tpu.memory_space<hbm>> -> memref<128x64xf32, #tpu.memory_space<hbm>>
        %dma_wait3A_1135 = arith.constant 0 : i32
        %dma_wait3A_1136 = arith.constant 0 : i32
        %dma_wait3A_1137 = tpu.memref_slice %arg6[%dma_wait3A_1124, %dma_wait3A_1135, %dma_wait3A_1136] : memref<10x128x64xf32, #tpu.memory_space<vmem>> -> memref<1x128x64xf32, #tpu.memory_space<vmem>>
        %dma_wait3A_1138 = tpu.memref_squeeze %dma_wait3A_1137 : memref<1x128x64xf32, #tpu.memory_space<vmem>> -> memref<128x64xf32, #tpu.memory_space<vmem>>
        tpu.wait_dma2 semaphore(%arg26 : memref<!tpu.dma_semaphore, #tpu.memory_space<semaphore_mem>>) src(%dma_wait3A_1138 : memref<128x64xf32, #tpu.memory_space<vmem>>) dst(%dma_wait3A_1134 : memref<128x64xf32, #tpu.memory_space<hbm>>)
      } else {
      }
      %add3A_781 = arith.constant 7 : i32
      %add3A_782 = arith.addi %add3A_744, %add3A_781 : i32
      %lt3A_783 = arith.constant 200 : i32
      %lt3A_784 = arith.cmpi slt, %add3A_782, %lt3A_783 : i32
      %convert_element_type3A_785 = arith.extui %lt3A_784 : i1 to i32
      %cond3A_786 = arith.constant 0 : i32
      %cond3A_787 = arith.cmpi ne, %convert_element_type3A_785, %cond3A_786 : i32
      scf.if %cond3A_787 {
        %dma_start3A_1124 = arith.constant 19 : i32
        %dma_start3A_1125 = arith.constant 9 : i32
        %dma_start3A_1126 = arith.constant 0 : i32
        %dma_start3A_1127 = arith.constant 0 : i32
        %dma_start3A_1128 = tpu.memref_slice %arg6[%dma_start3A_1125, %dma_start3A_1126, %dma_start3A_1127] : memref<10x128x64xf32, #tpu.memory_space<vmem>> -> memref<1x128x64xf32, #tpu.memory_space<vmem>>
        %dma_start3A_1129 = tpu.memref_squeeze %dma_start3A_1128 : memref<1x128x64xf32, #tpu.memory_space<vmem>> -> memref<128x64xf32, #tpu.memory_space<vmem>>
        %dma_start3A_1130 = arith.constant 0 : i32
        %dma_start3A_1131 = tpu.memref_slice %arg5[%select_n3A_154, %dma_start3A_1124, %dma_start3A_1130] : memref<2x20x128xi32, #tpu.memory_space<vmem>> -> memref<1x1x128xi32, #tpu.memory_space<vmem>>
        %dma_start3A_1132 = tpu.memref_squeeze %dma_start3A_1131 : memref<1x1x128xi32, #tpu.memory_space<vmem>> -> memref<128xi32, #tpu.memory_space<vmem>>
        %dma_start3A_1133 = arith.constant 0 : i32
        %dma_start3A_1134 = arith.constant 0 : i32
        %dma_start3A_1135 = tpu.memref_slice %arg3[%dma_start3A_1133, %dma_start3A_1134] : memref<1000000x64xf32, #tpu.memory_space<hbm>> -> memref<1000000x64xf32, #tpu.memory_space<hbm>>
        tpu.enqueue_indirect_dma source(%dma_start3A_1135 : memref<1000000x64xf32, #tpu.memory_space<hbm>>) target(%dma_start3A_1129 : memref<128x64xf32, #tpu.memory_space<vmem>>) offsets(%dma_start3A_1132 : memref<128xi32, #tpu.memory_space<vmem>>) semaphore(%arg16 : memref<!tpu.dma_semaphore, #tpu.memory_space<semaphore_mem>>)
      } else {
      }
      %mul3A_788 = arith.constant 20 : i32
      %mul3A_789 = arith.muli %scan3A_145, %mul3A_788 : i32
      %add3A_790 = arith.constant 13 : i32
      %add3A_791 = arith.addi %mul3A_789, %add3A_790 : i32
      %dma_wait3A_792 = arith.constant 0 : i32
      %dma_wait3A_793 = arith.constant 0 : i32
      %dma_wait3A_794 = arith.constant 3 : i32
      %dma_wait3A_795 = arith.constant 0 : i32
      %dma_wait3A_796 = arith.constant 0 : i32
      %dma_wait3A_797 = tpu.memref_slice %arg6[%dma_wait3A_794, %dma_wait3A_795, %dma_wait3A_796] : memref<10x128x64xf32, #tpu.memory_space<vmem>> -> memref<1x128x64xf32, #tpu.memory_space<vmem>>
      %dma_wait3A_798 = tpu.memref_squeeze %dma_wait3A_797 : memref<1x128x64xf32, #tpu.memory_space<vmem>> -> memref<128x64xf32, #tpu.memory_space<vmem>>
      %dma_wait3A_799 = arith.constant 0 : i32
      %dma_wait3A_800 = tpu.memref_slice %arg5[%dma_wait3A_792, %dma_wait3A_793, %dma_wait3A_799] : memref<2x20x128xi32, #tpu.memory_space<vmem>> -> memref<1x1x128xi32, #tpu.memory_space<vmem>>
      %dma_wait3A_801 = tpu.memref_squeeze %dma_wait3A_800 : memref<1x1x128xi32, #tpu.memory_space<vmem>> -> memref<128xi32, #tpu.memory_space<vmem>>
      %dma_wait3A_802 = arith.constant 0 : i32
      %dma_wait3A_803 = arith.constant 0 : i32
      %dma_wait3A_804 = tpu.memref_slice %arg3[%dma_wait3A_802, %dma_wait3A_803] : memref<1000000x64xf32, #tpu.memory_space<hbm>> -> memref<1000000x64xf32, #tpu.memory_space<hbm>>
      tpu.wait_indirect_dma semaphore(%arg10 : memref<!tpu.dma_semaphore, #tpu.memory_space<semaphore_mem>>) src(%dma_wait3A_804 : memref<1000000x64xf32, #tpu.memory_space<hbm>>) dst(%dma_wait3A_798 : memref<128x64xf32, #tpu.memory_space<vmem>>)
      %mul3A_805 = arith.constant 128 : i32
      %mul3A_806 = arith.muli %add3A_791, %mul3A_805 : i32
      %add3A_807 = arith.addi %mul3A_4, %mul3A_806 : i32
      %dma_start3A_808 = arith.constant 3 : i32
      %dma_start3A_809 = arith.constant 0 : i32
      %dma_start3A_810 = arith.constant 0 : i32
      %dma_start3A_811 = tpu.memref_slice %arg6[%dma_start3A_808, %dma_start3A_809, %dma_start3A_810] : memref<10x128x64xf32, #tpu.memory_space<vmem>> -> memref<1x128x64xf32, #tpu.memory_space<vmem>>
      %dma_start3A_812 = tpu.memref_squeeze %dma_start3A_811 : memref<1x128x64xf32, #tpu.memory_space<vmem>> -> memref<128x64xf32, #tpu.memory_space<vmem>>
      %dma_start3A_813 = arith.constant 0 : i32
      %dma_start3A_814 = tpu.memref_slice %arg4[%add3A_807, %dma_start3A_813] : memref<819200x128xf32, #tpu.memory_space<hbm>> -> memref<128x64xf32, #tpu.memory_space<hbm>>
      %dma_start3A_815 = arith.constant 0 : i32
      %dma_start3A_816 = tpu.memref_slice %arg4[%add3A_807, %dma_start3A_815] : memref<819200x128xf32, #tpu.memory_space<hbm>> -> memref<128x64xf32, #tpu.memory_space<hbm>>
      %dma_start3A_817 = arith.constant 0 : i32
      %dma_start3A_818 = arith.constant 0 : i32
      %dma_start3A_819 = tpu.memref_slice %arg6[%dma_start3A_808, %dma_start3A_817, %dma_start3A_818] : memref<10x128x64xf32, #tpu.memory_space<vmem>> -> memref<1x128x64xf32, #tpu.memory_space<vmem>>
      %dma_start3A_820 = tpu.memref_squeeze %dma_start3A_819 : memref<1x128x64xf32, #tpu.memory_space<vmem>> -> memref<128x64xf32, #tpu.memory_space<vmem>>
      tpu.enqueue_dma source(%dma_start3A_820 : memref<128x64xf32, #tpu.memory_space<vmem>>) target(%dma_start3A_816 : memref<128x64xf32, #tpu.memory_space<hbm>>) target_semaphore(%arg20 : memref<!tpu.dma_semaphore, #tpu.memory_space<semaphore_mem>>)
      %add3A_821 = arith.constant 7 : i32
      %add3A_822 = arith.addi %add3A_791, %add3A_821 : i32
      %ge3A_823 = arith.constant 10 : i32
      %ge3A_824 = arith.cmpi sge, %add3A_822, %ge3A_823 : i32
      %convert_element_type3A_825 = arith.extui %ge3A_824 : i1 to i32
      %cond3A_826 = arith.constant 0 : i32
      %cond3A_827 = arith.cmpi ne, %convert_element_type3A_825, %cond3A_826 : i32
      scf.if %cond3A_827 {
        %dma_wait3A_1124 = arith.constant 0 : i32
        %dma_wait3A_1125 = arith.constant 0 : i32
        %dma_wait3A_1126 = arith.constant 0 : i32
        %dma_wait3A_1127 = tpu.memref_slice %arg6[%dma_wait3A_1124, %dma_wait3A_1125, %dma_wait3A_1126] : memref<10x128x64xf32, #tpu.memory_space<vmem>> -> memref<1x128x64xf32, #tpu.memory_space<vmem>>
        %dma_wait3A_1128 = tpu.memref_squeeze %dma_wait3A_1127 : memref<1x128x64xf32, #tpu.memory_space<vmem>> -> memref<128x64xf32, #tpu.memory_space<vmem>>
        %dma_wait3A_1129 = arith.constant 0 : i32
        %dma_wait3A_1130 = arith.constant 0 : i32
        %dma_wait3A_1131 = tpu.memref_slice %arg4[%dma_wait3A_1129, %dma_wait3A_1130] : memref<819200x128xf32, #tpu.memory_space<hbm>> -> memref<128x64xf32, #tpu.memory_space<hbm>>
        %dma_wait3A_1132 = arith.constant 0 : i32
        %dma_wait3A_1133 = arith.constant 0 : i32
        %dma_wait3A_1134 = tpu.memref_slice %arg4[%dma_wait3A_1132, %dma_wait3A_1133] : memref<819200x128xf32, #tpu.memory_space<hbm>> -> memref<128x64xf32, #tpu.memory_space<hbm>>
        %dma_wait3A_1135 = arith.constant 0 : i32
        %dma_wait3A_1136 = arith.constant 0 : i32
        %dma_wait3A_1137 = tpu.memref_slice %arg6[%dma_wait3A_1124, %dma_wait3A_1135, %dma_wait3A_1136] : memref<10x128x64xf32, #tpu.memory_space<vmem>> -> memref<1x128x64xf32, #tpu.memory_space<vmem>>
        %dma_wait3A_1138 = tpu.memref_squeeze %dma_wait3A_1137 : memref<1x128x64xf32, #tpu.memory_space<vmem>> -> memref<128x64xf32, #tpu.memory_space<vmem>>
        tpu.wait_dma2 semaphore(%arg17 : memref<!tpu.dma_semaphore, #tpu.memory_space<semaphore_mem>>) src(%dma_wait3A_1138 : memref<128x64xf32, #tpu.memory_space<vmem>>) dst(%dma_wait3A_1134 : memref<128x64xf32, #tpu.memory_space<hbm>>)
      } else {
      }
      %add3A_828 = arith.constant 1 : i32
      %add3A_829 = arith.addi %scan3A_145, %add3A_828 : i32
      %lt3A_830 = arith.constant 10 : i32
      %lt3A_831 = arith.cmpi slt, %add3A_829, %lt3A_830 : i32
      %convert_element_type3A_832 = arith.extui %lt3A_831 : i1 to i32
      %cond3A_833 = arith.constant 0 : i32
      %cond3A_834 = arith.cmpi ne, %convert_element_type3A_832, %cond3A_833 : i32
      scf.if %cond3A_834 {
        %add3A_1124 = arith.constant 1 : i32
        %add3A_1125 = arith.addi %scan3A_145, %add3A_1124 : i32
        %dma_wait3A_1126 = arith.constant 0 : i32
        %dma_wait3A_1127 = arith.constant 0 : i32
        %dma_wait3A_1128 = tpu.memref_slice %arg5[%select_n3A_172, %dma_wait3A_1126, %dma_wait3A_1127] : memref<2x20x128xi32, #tpu.memory_space<vmem>> -> memref<1x20x128xi32, #tpu.memory_space<vmem>>
        %dma_wait3A_1129 = tpu.memref_squeeze %dma_wait3A_1128 : memref<1x20x128xi32, #tpu.memory_space<vmem>> -> memref<20x128xi32, #tpu.memory_space<vmem>>
        %dma_wait3A_1130 = arith.constant 0 : i32
        %dma_wait3A_1131 = arith.constant 0 : i32
        %dma_wait3A_1132 = tpu.memref_slice %arg2[%add3A, %add3A_1125, %dma_wait3A_1130, %dma_wait3A_1131] : memref<32x10x20x128xi32, #tpu.memory_space<hbm>> -> memref<1x1x20x128xi32, #tpu.memory_space<hbm>>
        %dma_wait3A_1133 = tpu.memref_squeeze %dma_wait3A_1132 : memref<1x1x20x128xi32, #tpu.memory_space<hbm>> -> memref<20x128xi32, #tpu.memory_space<hbm>>
        %dma_wait3A_1134 = arith.constant 0 : i32
        %dma_wait3A_1135 = arith.constant 0 : i32
        %dma_wait3A_1136 = tpu.memref_slice %arg5[%select_n3A_172, %dma_wait3A_1134, %dma_wait3A_1135] : memref<2x20x128xi32, #tpu.memory_space<vmem>> -> memref<1x20x128xi32, #tpu.memory_space<vmem>>
        %dma_wait3A_1137 = tpu.memref_squeeze %dma_wait3A_1136 : memref<1x20x128xi32, #tpu.memory_space<vmem>> -> memref<20x128xi32, #tpu.memory_space<vmem>>
        %dma_wait3A_1138 = arith.constant 0 : i32
        %dma_wait3A_1139 = arith.constant 0 : i32
        %dma_wait3A_1140 = tpu.memref_slice %arg2[%add3A, %add3A_1125, %dma_wait3A_1138, %dma_wait3A_1139] : memref<32x10x20x128xi32, #tpu.memory_space<hbm>> -> memref<1x1x20x128xi32, #tpu.memory_space<hbm>>
        %dma_wait3A_1141 = tpu.memref_squeeze %dma_wait3A_1140 : memref<1x1x20x128xi32, #tpu.memory_space<hbm>> -> memref<20x128xi32, #tpu.memory_space<hbm>>
        tpu.wait_dma2 semaphore(%arg27 : memref<!tpu.dma_semaphore, #tpu.memory_space<semaphore_mem>>) src(%dma_wait3A_1141 : memref<20x128xi32, #tpu.memory_space<hbm>>) dst(%dma_wait3A_1137 : memref<20x128xi32, #tpu.memory_space<vmem>>)
      } else {
      }
      %add3A_835 = arith.constant 7 : i32
      %add3A_836 = arith.addi %add3A_791, %add3A_835 : i32
      %lt3A_837 = arith.constant 200 : i32
      %lt3A_838 = arith.cmpi slt, %add3A_836, %lt3A_837 : i32
      %convert_element_type3A_839 = arith.extui %lt3A_838 : i1 to i32
      %cond3A_840 = arith.constant 0 : i32
      %cond3A_841 = arith.cmpi ne, %convert_element_type3A_839, %cond3A_840 : i32
      scf.if %cond3A_841 {
        %dma_start3A_1124 = arith.constant 0 : i32
        %dma_start3A_1125 = arith.constant 0 : i32
        %dma_start3A_1126 = arith.constant 0 : i32
        %dma_start3A_1127 = arith.constant 0 : i32
        %dma_start3A_1128 = tpu.memref_slice %arg6[%dma_start3A_1125, %dma_start3A_1126, %dma_start3A_1127] : memref<10x128x64xf32, #tpu.memory_space<vmem>> -> memref<1x128x64xf32, #tpu.memory_space<vmem>>
        %dma_start3A_1129 = tpu.memref_squeeze %dma_start3A_1128 : memref<1x128x64xf32, #tpu.memory_space<vmem>> -> memref<128x64xf32, #tpu.memory_space<vmem>>
        %dma_start3A_1130 = arith.constant 0 : i32
        %dma_start3A_1131 = tpu.memref_slice %arg5[%select_n3A_172, %dma_start3A_1124, %dma_start3A_1130] : memref<2x20x128xi32, #tpu.memory_space<vmem>> -> memref<1x1x128xi32, #tpu.memory_space<vmem>>
        %dma_start3A_1132 = tpu.memref_squeeze %dma_start3A_1131 : memref<1x1x128xi32, #tpu.memory_space<vmem>> -> memref<128xi32, #tpu.memory_space<vmem>>
        %dma_start3A_1133 = arith.constant 0 : i32
        %dma_start3A_1134 = arith.constant 0 : i32
        %dma_start3A_1135 = tpu.memref_slice %arg3[%dma_start3A_1133, %dma_start3A_1134] : memref<1000000x64xf32, #tpu.memory_space<hbm>> -> memref<1000000x64xf32, #tpu.memory_space<hbm>>
        tpu.enqueue_indirect_dma source(%dma_start3A_1135 : memref<1000000x64xf32, #tpu.memory_space<hbm>>) target(%dma_start3A_1129 : memref<128x64xf32, #tpu.memory_space<vmem>>) offsets(%dma_start3A_1132 : memref<128xi32, #tpu.memory_space<vmem>>) semaphore(%arg7 : memref<!tpu.dma_semaphore, #tpu.memory_space<semaphore_mem>>)
      } else {
      }
      %mul3A_842 = arith.constant 20 : i32
      %mul3A_843 = arith.muli %scan3A_145, %mul3A_842 : i32
      %add3A_844 = arith.constant 14 : i32
      %add3A_845 = arith.addi %mul3A_843, %add3A_844 : i32
      %dma_wait3A_846 = arith.constant 0 : i32
      %dma_wait3A_847 = arith.constant 0 : i32
      %dma_wait3A_848 = arith.constant 4 : i32
      %dma_wait3A_849 = arith.constant 0 : i32
      %dma_wait3A_850 = arith.constant 0 : i32
      %dma_wait3A_851 = tpu.memref_slice %arg6[%dma_wait3A_848, %dma_wait3A_849, %dma_wait3A_850] : memref<10x128x64xf32, #tpu.memory_space<vmem>> -> memref<1x128x64xf32, #tpu.memory_space<vmem>>
      %dma_wait3A_852 = tpu.memref_squeeze %dma_wait3A_851 : memref<1x128x64xf32, #tpu.memory_space<vmem>> -> memref<128x64xf32, #tpu.memory_space<vmem>>
      %dma_wait3A_853 = arith.constant 0 : i32
      %dma_wait3A_854 = tpu.memref_slice %arg5[%dma_wait3A_846, %dma_wait3A_847, %dma_wait3A_853] : memref<2x20x128xi32, #tpu.memory_space<vmem>> -> memref<1x1x128xi32, #tpu.memory_space<vmem>>
      %dma_wait3A_855 = tpu.memref_squeeze %dma_wait3A_854 : memref<1x1x128xi32, #tpu.memory_space<vmem>> -> memref<128xi32, #tpu.memory_space<vmem>>
      %dma_wait3A_856 = arith.constant 0 : i32
      %dma_wait3A_857 = arith.constant 0 : i32
      %dma_wait3A_858 = tpu.memref_slice %arg3[%dma_wait3A_856, %dma_wait3A_857] : memref<1000000x64xf32, #tpu.memory_space<hbm>> -> memref<1000000x64xf32, #tpu.memory_space<hbm>>
      tpu.wait_indirect_dma semaphore(%arg11 : memref<!tpu.dma_semaphore, #tpu.memory_space<semaphore_mem>>) src(%dma_wait3A_858 : memref<1000000x64xf32, #tpu.memory_space<hbm>>) dst(%dma_wait3A_852 : memref<128x64xf32, #tpu.memory_space<vmem>>)
      %mul3A_859 = arith.constant 128 : i32
      %mul3A_860 = arith.muli %add3A_845, %mul3A_859 : i32
      %add3A_861 = arith.addi %mul3A_4, %mul3A_860 : i32
      %dma_start3A_862 = arith.constant 4 : i32
      %dma_start3A_863 = arith.constant 0 : i32
      %dma_start3A_864 = arith.constant 0 : i32
      %dma_start3A_865 = tpu.memref_slice %arg6[%dma_start3A_862, %dma_start3A_863, %dma_start3A_864] : memref<10x128x64xf32, #tpu.memory_space<vmem>> -> memref<1x128x64xf32, #tpu.memory_space<vmem>>
      %dma_start3A_866 = tpu.memref_squeeze %dma_start3A_865 : memref<1x128x64xf32, #tpu.memory_space<vmem>> -> memref<128x64xf32, #tpu.memory_space<vmem>>
      %dma_start3A_867 = arith.constant 0 : i32
      %dma_start3A_868 = tpu.memref_slice %arg4[%add3A_861, %dma_start3A_867] : memref<819200x128xf32, #tpu.memory_space<hbm>> -> memref<128x64xf32, #tpu.memory_space<hbm>>
      %dma_start3A_869 = arith.constant 0 : i32
      %dma_start3A_870 = tpu.memref_slice %arg4[%add3A_861, %dma_start3A_869] : memref<819200x128xf32, #tpu.memory_space<hbm>> -> memref<128x64xf32, #tpu.memory_space<hbm>>
      %dma_start3A_871 = arith.constant 0 : i32
      %dma_start3A_872 = arith.constant 0 : i32
      %dma_start3A_873 = tpu.memref_slice %arg6[%dma_start3A_862, %dma_start3A_871, %dma_start3A_872] : memref<10x128x64xf32, #tpu.memory_space<vmem>> -> memref<1x128x64xf32, #tpu.memory_space<vmem>>
      %dma_start3A_874 = tpu.memref_squeeze %dma_start3A_873 : memref<1x128x64xf32, #tpu.memory_space<vmem>> -> memref<128x64xf32, #tpu.memory_space<vmem>>
      tpu.enqueue_dma source(%dma_start3A_874 : memref<128x64xf32, #tpu.memory_space<vmem>>) target(%dma_start3A_870 : memref<128x64xf32, #tpu.memory_space<hbm>>) target_semaphore(%arg21 : memref<!tpu.dma_semaphore, #tpu.memory_space<semaphore_mem>>)
      %add3A_875 = arith.constant 7 : i32
      %add3A_876 = arith.addi %add3A_845, %add3A_875 : i32
      %ge3A_877 = arith.constant 10 : i32
      %ge3A_878 = arith.cmpi sge, %add3A_876, %ge3A_877 : i32
      %convert_element_type3A_879 = arith.extui %ge3A_878 : i1 to i32
      %cond3A_880 = arith.constant 0 : i32
      %cond3A_881 = arith.cmpi ne, %convert_element_type3A_879, %cond3A_880 : i32
      scf.if %cond3A_881 {
        %dma_wait3A_1124 = arith.constant 1 : i32
        %dma_wait3A_1125 = arith.constant 0 : i32
        %dma_wait3A_1126 = arith.constant 0 : i32
        %dma_wait3A_1127 = tpu.memref_slice %arg6[%dma_wait3A_1124, %dma_wait3A_1125, %dma_wait3A_1126] : memref<10x128x64xf32, #tpu.memory_space<vmem>> -> memref<1x128x64xf32, #tpu.memory_space<vmem>>
        %dma_wait3A_1128 = tpu.memref_squeeze %dma_wait3A_1127 : memref<1x128x64xf32, #tpu.memory_space<vmem>> -> memref<128x64xf32, #tpu.memory_space<vmem>>
        %dma_wait3A_1129 = arith.constant 0 : i32
        %dma_wait3A_1130 = arith.constant 0 : i32
        %dma_wait3A_1131 = tpu.memref_slice %arg4[%dma_wait3A_1129, %dma_wait3A_1130] : memref<819200x128xf32, #tpu.memory_space<hbm>> -> memref<128x64xf32, #tpu.memory_space<hbm>>
        %dma_wait3A_1132 = arith.constant 0 : i32
        %dma_wait3A_1133 = arith.constant 0 : i32
        %dma_wait3A_1134 = tpu.memref_slice %arg4[%dma_wait3A_1132, %dma_wait3A_1133] : memref<819200x128xf32, #tpu.memory_space<hbm>> -> memref<128x64xf32, #tpu.memory_space<hbm>>
        %dma_wait3A_1135 = arith.constant 0 : i32
        %dma_wait3A_1136 = arith.constant 0 : i32
        %dma_wait3A_1137 = tpu.memref_slice %arg6[%dma_wait3A_1124, %dma_wait3A_1135, %dma_wait3A_1136] : memref<10x128x64xf32, #tpu.memory_space<vmem>> -> memref<1x128x64xf32, #tpu.memory_space<vmem>>
        %dma_wait3A_1138 = tpu.memref_squeeze %dma_wait3A_1137 : memref<1x128x64xf32, #tpu.memory_space<vmem>> -> memref<128x64xf32, #tpu.memory_space<vmem>>
        tpu.wait_dma2 semaphore(%arg18 : memref<!tpu.dma_semaphore, #tpu.memory_space<semaphore_mem>>) src(%dma_wait3A_1138 : memref<128x64xf32, #tpu.memory_space<vmem>>) dst(%dma_wait3A_1134 : memref<128x64xf32, #tpu.memory_space<hbm>>)
      } else {
      }
      %add3A_882 = arith.constant 7 : i32
      %add3A_883 = arith.addi %add3A_845, %add3A_882 : i32
      %lt3A_884 = arith.constant 200 : i32
      %lt3A_885 = arith.cmpi slt, %add3A_883, %lt3A_884 : i32
      %convert_element_type3A_886 = arith.extui %lt3A_885 : i1 to i32
      %cond3A_887 = arith.constant 0 : i32
      %cond3A_888 = arith.cmpi ne, %convert_element_type3A_886, %cond3A_887 : i32
      scf.if %cond3A_888 {
        %dma_start3A_1124 = arith.constant 1 : i32
        %dma_start3A_1125 = arith.constant 1 : i32
        %dma_start3A_1126 = arith.constant 0 : i32
        %dma_start3A_1127 = arith.constant 0 : i32
        %dma_start3A_1128 = tpu.memref_slice %arg6[%dma_start3A_1125, %dma_start3A_1126, %dma_start3A_1127] : memref<10x128x64xf32, #tpu.memory_space<vmem>> -> memref<1x128x64xf32, #tpu.memory_space<vmem>>
        %dma_start3A_1129 = tpu.memref_squeeze %dma_start3A_1128 : memref<1x128x64xf32, #tpu.memory_space<vmem>> -> memref<128x64xf32, #tpu.memory_space<vmem>>
        %dma_start3A_1130 = arith.constant 0 : i32
        %dma_start3A_1131 = tpu.memref_slice %arg5[%select_n3A_172, %dma_start3A_1124, %dma_start3A_1130] : memref<2x20x128xi32, #tpu.memory_space<vmem>> -> memref<1x1x128xi32, #tpu.memory_space<vmem>>
        %dma_start3A_1132 = tpu.memref_squeeze %dma_start3A_1131 : memref<1x1x128xi32, #tpu.memory_space<vmem>> -> memref<128xi32, #tpu.memory_space<vmem>>
        %dma_start3A_1133 = arith.constant 0 : i32
        %dma_start3A_1134 = arith.constant 0 : i32
        %dma_start3A_1135 = tpu.memref_slice %arg3[%dma_start3A_1133, %dma_start3A_1134] : memref<1000000x64xf32, #tpu.memory_space<hbm>> -> memref<1000000x64xf32, #tpu.memory_space<hbm>>
        tpu.enqueue_indirect_dma source(%dma_start3A_1135 : memref<1000000x64xf32, #tpu.memory_space<hbm>>) target(%dma_start3A_1129 : memref<128x64xf32, #tpu.memory_space<vmem>>) offsets(%dma_start3A_1132 : memref<128xi32, #tpu.memory_space<vmem>>) semaphore(%arg8 : memref<!tpu.dma_semaphore, #tpu.memory_space<semaphore_mem>>)
      } else {
      }
      %mul3A_889 = arith.constant 20 : i32
      %mul3A_890 = arith.muli %scan3A_145, %mul3A_889 : i32
      %add3A_891 = arith.constant 15 : i32
      %add3A_892 = arith.addi %mul3A_890, %add3A_891 : i32
      %dma_wait3A_893 = arith.constant 0 : i32
      %dma_wait3A_894 = arith.constant 0 : i32
      %dma_wait3A_895 = arith.constant 5 : i32
      %dma_wait3A_896 = arith.constant 0 : i32
      %dma_wait3A_897 = arith.constant 0 : i32
      %dma_wait3A_898 = tpu.memref_slice %arg6[%dma_wait3A_895, %dma_wait3A_896, %dma_wait3A_897] : memref<10x128x64xf32, #tpu.memory_space<vmem>> -> memref<1x128x64xf32, #tpu.memory_space<vmem>>
      %dma_wait3A_899 = tpu.memref_squeeze %dma_wait3A_898 : memref<1x128x64xf32, #tpu.memory_space<vmem>> -> memref<128x64xf32, #tpu.memory_space<vmem>>
      %dma_wait3A_900 = arith.constant 0 : i32
      %dma_wait3A_901 = tpu.memref_slice %arg5[%dma_wait3A_893, %dma_wait3A_894, %dma_wait3A_900] : memref<2x20x128xi32, #tpu.memory_space<vmem>> -> memref<1x1x128xi32, #tpu.memory_space<vmem>>
      %dma_wait3A_902 = tpu.memref_squeeze %dma_wait3A_901 : memref<1x1x128xi32, #tpu.memory_space<vmem>> -> memref<128xi32, #tpu.memory_space<vmem>>
      %dma_wait3A_903 = arith.constant 0 : i32
      %dma_wait3A_904 = arith.constant 0 : i32
      %dma_wait3A_905 = tpu.memref_slice %arg3[%dma_wait3A_903, %dma_wait3A_904] : memref<1000000x64xf32, #tpu.memory_space<hbm>> -> memref<1000000x64xf32, #tpu.memory_space<hbm>>
      tpu.wait_indirect_dma semaphore(%arg12 : memref<!tpu.dma_semaphore, #tpu.memory_space<semaphore_mem>>) src(%dma_wait3A_905 : memref<1000000x64xf32, #tpu.memory_space<hbm>>) dst(%dma_wait3A_899 : memref<128x64xf32, #tpu.memory_space<vmem>>)
      %mul3A_906 = arith.constant 128 : i32
      %mul3A_907 = arith.muli %add3A_892, %mul3A_906 : i32
      %add3A_908 = arith.addi %mul3A_4, %mul3A_907 : i32
      %dma_start3A_909 = arith.constant 5 : i32
      %dma_start3A_910 = arith.constant 0 : i32
      %dma_start3A_911 = arith.constant 0 : i32
      %dma_start3A_912 = tpu.memref_slice %arg6[%dma_start3A_909, %dma_start3A_910, %dma_start3A_911] : memref<10x128x64xf32, #tpu.memory_space<vmem>> -> memref<1x128x64xf32, #tpu.memory_space<vmem>>
      %dma_start3A_913 = tpu.memref_squeeze %dma_start3A_912 : memref<1x128x64xf32, #tpu.memory_space<vmem>> -> memref<128x64xf32, #tpu.memory_space<vmem>>
      %dma_start3A_914 = arith.constant 0 : i32
      %dma_start3A_915 = tpu.memref_slice %arg4[%add3A_908, %dma_start3A_914] : memref<819200x128xf32, #tpu.memory_space<hbm>> -> memref<128x64xf32, #tpu.memory_space<hbm>>
      %dma_start3A_916 = arith.constant 0 : i32
      %dma_start3A_917 = tpu.memref_slice %arg4[%add3A_908, %dma_start3A_916] : memref<819200x128xf32, #tpu.memory_space<hbm>> -> memref<128x64xf32, #tpu.memory_space<hbm>>
      %dma_start3A_918 = arith.constant 0 : i32
      %dma_start3A_919 = arith.constant 0 : i32
      %dma_start3A_920 = tpu.memref_slice %arg6[%dma_start3A_909, %dma_start3A_918, %dma_start3A_919] : memref<10x128x64xf32, #tpu.memory_space<vmem>> -> memref<1x128x64xf32, #tpu.memory_space<vmem>>
      %dma_start3A_921 = tpu.memref_squeeze %dma_start3A_920 : memref<1x128x64xf32, #tpu.memory_space<vmem>> -> memref<128x64xf32, #tpu.memory_space<vmem>>
      tpu.enqueue_dma source(%dma_start3A_921 : memref<128x64xf32, #tpu.memory_space<vmem>>) target(%dma_start3A_917 : memref<128x64xf32, #tpu.memory_space<hbm>>) target_semaphore(%arg22 : memref<!tpu.dma_semaphore, #tpu.memory_space<semaphore_mem>>)
      %add3A_922 = arith.constant 7 : i32
      %add3A_923 = arith.addi %add3A_892, %add3A_922 : i32
      %ge3A_924 = arith.constant 10 : i32
      %ge3A_925 = arith.cmpi sge, %add3A_923, %ge3A_924 : i32
      %convert_element_type3A_926 = arith.extui %ge3A_925 : i1 to i32
      %cond3A_927 = arith.constant 0 : i32
      %cond3A_928 = arith.cmpi ne, %convert_element_type3A_926, %cond3A_927 : i32
      scf.if %cond3A_928 {
        %dma_wait3A_1124 = arith.constant 2 : i32
        %dma_wait3A_1125 = arith.constant 0 : i32
        %dma_wait3A_1126 = arith.constant 0 : i32
        %dma_wait3A_1127 = tpu.memref_slice %arg6[%dma_wait3A_1124, %dma_wait3A_1125, %dma_wait3A_1126] : memref<10x128x64xf32, #tpu.memory_space<vmem>> -> memref<1x128x64xf32, #tpu.memory_space<vmem>>
        %dma_wait3A_1128 = tpu.memref_squeeze %dma_wait3A_1127 : memref<1x128x64xf32, #tpu.memory_space<vmem>> -> memref<128x64xf32, #tpu.memory_space<vmem>>
        %dma_wait3A_1129 = arith.constant 0 : i32
        %dma_wait3A_1130 = arith.constant 0 : i32
        %dma_wait3A_1131 = tpu.memref_slice %arg4[%dma_wait3A_1129, %dma_wait3A_1130] : memref<819200x128xf32, #tpu.memory_space<hbm>> -> memref<128x64xf32, #tpu.memory_space<hbm>>
        %dma_wait3A_1132 = arith.constant 0 : i32
        %dma_wait3A_1133 = arith.constant 0 : i32
        %dma_wait3A_1134 = tpu.memref_slice %arg4[%dma_wait3A_1132, %dma_wait3A_1133] : memref<819200x128xf32, #tpu.memory_space<hbm>> -> memref<128x64xf32, #tpu.memory_space<hbm>>
        %dma_wait3A_1135 = arith.constant 0 : i32
        %dma_wait3A_1136 = arith.constant 0 : i32
        %dma_wait3A_1137 = tpu.memref_slice %arg6[%dma_wait3A_1124, %dma_wait3A_1135, %dma_wait3A_1136] : memref<10x128x64xf32, #tpu.memory_space<vmem>> -> memref<1x128x64xf32, #tpu.memory_space<vmem>>
        %dma_wait3A_1138 = tpu.memref_squeeze %dma_wait3A_1137 : memref<1x128x64xf32, #tpu.memory_space<vmem>> -> memref<128x64xf32, #tpu.memory_space<vmem>>
        tpu.wait_dma2 semaphore(%arg19 : memref<!tpu.dma_semaphore, #tpu.memory_space<semaphore_mem>>) src(%dma_wait3A_1138 : memref<128x64xf32, #tpu.memory_space<vmem>>) dst(%dma_wait3A_1134 : memref<128x64xf32, #tpu.memory_space<hbm>>)
      } else {
      }
      %add3A_929 = arith.constant 7 : i32
      %add3A_930 = arith.addi %add3A_892, %add3A_929 : i32
      %lt3A_931 = arith.constant 200 : i32
      %lt3A_932 = arith.cmpi slt, %add3A_930, %lt3A_931 : i32
      %convert_element_type3A_933 = arith.extui %lt3A_932 : i1 to i32
      %cond3A_934 = arith.constant 0 : i32
      %cond3A_935 = arith.cmpi ne, %convert_element_type3A_933, %cond3A_934 : i32
      scf.if %cond3A_935 {
        %dma_start3A_1124 = arith.constant 2 : i32
        %dma_start3A_1125 = arith.constant 2 : i32
        %dma_start3A_1126 = arith.constant 0 : i32
        %dma_start3A_1127 = arith.constant 0 : i32
        %dma_start3A_1128 = tpu.memref_slice %arg6[%dma_start3A_1125, %dma_start3A_1126, %dma_start3A_1127] : memref<10x128x64xf32, #tpu.memory_space<vmem>> -> memref<1x128x64xf32, #tpu.memory_space<vmem>>
        %dma_start3A_1129 = tpu.memref_squeeze %dma_start3A_1128 : memref<1x128x64xf32, #tpu.memory_space<vmem>> -> memref<128x64xf32, #tpu.memory_space<vmem>>
        %dma_start3A_1130 = arith.constant 0 : i32
        %dma_start3A_1131 = tpu.memref_slice %arg5[%select_n3A_172, %dma_start3A_1124, %dma_start3A_1130] : memref<2x20x128xi32, #tpu.memory_space<vmem>> -> memref<1x1x128xi32, #tpu.memory_space<vmem>>
        %dma_start3A_1132 = tpu.memref_squeeze %dma_start3A_1131 : memref<1x1x128xi32, #tpu.memory_space<vmem>> -> memref<128xi32, #tpu.memory_space<vmem>>
        %dma_start3A_1133 = arith.constant 0 : i32
        %dma_start3A_1134 = arith.constant 0 : i32
        %dma_start3A_1135 = tpu.memref_slice %arg3[%dma_start3A_1133, %dma_start3A_1134] : memref<1000000x64xf32, #tpu.memory_space<hbm>> -> memref<1000000x64xf32, #tpu.memory_space<hbm>>
        tpu.enqueue_indirect_dma source(%dma_start3A_1135 : memref<1000000x64xf32, #tpu.memory_space<hbm>>) target(%dma_start3A_1129 : memref<128x64xf32, #tpu.memory_space<vmem>>) offsets(%dma_start3A_1132 : memref<128xi32, #tpu.memory_space<vmem>>) semaphore(%arg9 : memref<!tpu.dma_semaphore, #tpu.memory_space<semaphore_mem>>)
      } else {
      }
      %mul3A_936 = arith.constant 20 : i32
      %mul3A_937 = arith.muli %scan3A_145, %mul3A_936 : i32
      %add3A_938 = arith.constant 16 : i32
      %add3A_939 = arith.addi %mul3A_937, %add3A_938 : i32
      %dma_wait3A_940 = arith.constant 0 : i32
      %dma_wait3A_941 = arith.constant 0 : i32
      %dma_wait3A_942 = arith.constant 6 : i32
      %dma_wait3A_943 = arith.constant 0 : i32
      %dma_wait3A_944 = arith.constant 0 : i32
      %dma_wait3A_945 = tpu.memref_slice %arg6[%dma_wait3A_942, %dma_wait3A_943, %dma_wait3A_944] : memref<10x128x64xf32, #tpu.memory_space<vmem>> -> memref<1x128x64xf32, #tpu.memory_space<vmem>>
      %dma_wait3A_946 = tpu.memref_squeeze %dma_wait3A_945 : memref<1x128x64xf32, #tpu.memory_space<vmem>> -> memref<128x64xf32, #tpu.memory_space<vmem>>
      %dma_wait3A_947 = arith.constant 0 : i32
      %dma_wait3A_948 = tpu.memref_slice %arg5[%dma_wait3A_940, %dma_wait3A_941, %dma_wait3A_947] : memref<2x20x128xi32, #tpu.memory_space<vmem>> -> memref<1x1x128xi32, #tpu.memory_space<vmem>>
      %dma_wait3A_949 = tpu.memref_squeeze %dma_wait3A_948 : memref<1x1x128xi32, #tpu.memory_space<vmem>> -> memref<128xi32, #tpu.memory_space<vmem>>
      %dma_wait3A_950 = arith.constant 0 : i32
      %dma_wait3A_951 = arith.constant 0 : i32
      %dma_wait3A_952 = tpu.memref_slice %arg3[%dma_wait3A_950, %dma_wait3A_951] : memref<1000000x64xf32, #tpu.memory_space<hbm>> -> memref<1000000x64xf32, #tpu.memory_space<hbm>>
      tpu.wait_indirect_dma semaphore(%arg13 : memref<!tpu.dma_semaphore, #tpu.memory_space<semaphore_mem>>) src(%dma_wait3A_952 : memref<1000000x64xf32, #tpu.memory_space<hbm>>) dst(%dma_wait3A_946 : memref<128x64xf32, #tpu.memory_space<vmem>>)
      %mul3A_953 = arith.constant 128 : i32
      %mul3A_954 = arith.muli %add3A_939, %mul3A_953 : i32
      %add3A_955 = arith.addi %mul3A_4, %mul3A_954 : i32
      %dma_start3A_956 = arith.constant 6 : i32
      %dma_start3A_957 = arith.constant 0 : i32
      %dma_start3A_958 = arith.constant 0 : i32
      %dma_start3A_959 = tpu.memref_slice %arg6[%dma_start3A_956, %dma_start3A_957, %dma_start3A_958] : memref<10x128x64xf32, #tpu.memory_space<vmem>> -> memref<1x128x64xf32, #tpu.memory_space<vmem>>
      %dma_start3A_960 = tpu.memref_squeeze %dma_start3A_959 : memref<1x128x64xf32, #tpu.memory_space<vmem>> -> memref<128x64xf32, #tpu.memory_space<vmem>>
      %dma_start3A_961 = arith.constant 0 : i32
      %dma_start3A_962 = tpu.memref_slice %arg4[%add3A_955, %dma_start3A_961] : memref<819200x128xf32, #tpu.memory_space<hbm>> -> memref<128x64xf32, #tpu.memory_space<hbm>>
      %dma_start3A_963 = arith.constant 0 : i32
      %dma_start3A_964 = tpu.memref_slice %arg4[%add3A_955, %dma_start3A_963] : memref<819200x128xf32, #tpu.memory_space<hbm>> -> memref<128x64xf32, #tpu.memory_space<hbm>>
      %dma_start3A_965 = arith.constant 0 : i32
      %dma_start3A_966 = arith.constant 0 : i32
      %dma_start3A_967 = tpu.memref_slice %arg6[%dma_start3A_956, %dma_start3A_965, %dma_start3A_966] : memref<10x128x64xf32, #tpu.memory_space<vmem>> -> memref<1x128x64xf32, #tpu.memory_space<vmem>>
      %dma_start3A_968 = tpu.memref_squeeze %dma_start3A_967 : memref<1x128x64xf32, #tpu.memory_space<vmem>> -> memref<128x64xf32, #tpu.memory_space<vmem>>
      tpu.enqueue_dma source(%dma_start3A_968 : memref<128x64xf32, #tpu.memory_space<vmem>>) target(%dma_start3A_964 : memref<128x64xf32, #tpu.memory_space<hbm>>) target_semaphore(%arg23 : memref<!tpu.dma_semaphore, #tpu.memory_space<semaphore_mem>>)
      %add3A_969 = arith.constant 7 : i32
      %add3A_970 = arith.addi %add3A_939, %add3A_969 : i32
      %ge3A_971 = arith.constant 10 : i32
      %ge3A_972 = arith.cmpi sge, %add3A_970, %ge3A_971 : i32
      %convert_element_type3A_973 = arith.extui %ge3A_972 : i1 to i32
      %cond3A_974 = arith.constant 0 : i32
      %cond3A_975 = arith.cmpi ne, %convert_element_type3A_973, %cond3A_974 : i32
      scf.if %cond3A_975 {
        %dma_wait3A_1124 = arith.constant 3 : i32
        %dma_wait3A_1125 = arith.constant 0 : i32
        %dma_wait3A_1126 = arith.constant 0 : i32
        %dma_wait3A_1127 = tpu.memref_slice %arg6[%dma_wait3A_1124, %dma_wait3A_1125, %dma_wait3A_1126] : memref<10x128x64xf32, #tpu.memory_space<vmem>> -> memref<1x128x64xf32, #tpu.memory_space<vmem>>
        %dma_wait3A_1128 = tpu.memref_squeeze %dma_wait3A_1127 : memref<1x128x64xf32, #tpu.memory_space<vmem>> -> memref<128x64xf32, #tpu.memory_space<vmem>>
        %dma_wait3A_1129 = arith.constant 0 : i32
        %dma_wait3A_1130 = arith.constant 0 : i32
        %dma_wait3A_1131 = tpu.memref_slice %arg4[%dma_wait3A_1129, %dma_wait3A_1130] : memref<819200x128xf32, #tpu.memory_space<hbm>> -> memref<128x64xf32, #tpu.memory_space<hbm>>
        %dma_wait3A_1132 = arith.constant 0 : i32
        %dma_wait3A_1133 = arith.constant 0 : i32
        %dma_wait3A_1134 = tpu.memref_slice %arg4[%dma_wait3A_1132, %dma_wait3A_1133] : memref<819200x128xf32, #tpu.memory_space<hbm>> -> memref<128x64xf32, #tpu.memory_space<hbm>>
        %dma_wait3A_1135 = arith.constant 0 : i32
        %dma_wait3A_1136 = arith.constant 0 : i32
        %dma_wait3A_1137 = tpu.memref_slice %arg6[%dma_wait3A_1124, %dma_wait3A_1135, %dma_wait3A_1136] : memref<10x128x64xf32, #tpu.memory_space<vmem>> -> memref<1x128x64xf32, #tpu.memory_space<vmem>>
        %dma_wait3A_1138 = tpu.memref_squeeze %dma_wait3A_1137 : memref<1x128x64xf32, #tpu.memory_space<vmem>> -> memref<128x64xf32, #tpu.memory_space<vmem>>
        tpu.wait_dma2 semaphore(%arg20 : memref<!tpu.dma_semaphore, #tpu.memory_space<semaphore_mem>>) src(%dma_wait3A_1138 : memref<128x64xf32, #tpu.memory_space<vmem>>) dst(%dma_wait3A_1134 : memref<128x64xf32, #tpu.memory_space<hbm>>)
      } else {
      }
      %add3A_976 = arith.constant 7 : i32
      %add3A_977 = arith.addi %add3A_939, %add3A_976 : i32
      %lt3A_978 = arith.constant 200 : i32
      %lt3A_979 = arith.cmpi slt, %add3A_977, %lt3A_978 : i32
      %convert_element_type3A_980 = arith.extui %lt3A_979 : i1 to i32
      %cond3A_981 = arith.constant 0 : i32
      %cond3A_982 = arith.cmpi ne, %convert_element_type3A_980, %cond3A_981 : i32
      scf.if %cond3A_982 {
        %dma_start3A_1124 = arith.constant 3 : i32
        %dma_start3A_1125 = arith.constant 3 : i32
        %dma_start3A_1126 = arith.constant 0 : i32
        %dma_start3A_1127 = arith.constant 0 : i32
        %dma_start3A_1128 = tpu.memref_slice %arg6[%dma_start3A_1125, %dma_start3A_1126, %dma_start3A_1127] : memref<10x128x64xf32, #tpu.memory_space<vmem>> -> memref<1x128x64xf32, #tpu.memory_space<vmem>>
        %dma_start3A_1129 = tpu.memref_squeeze %dma_start3A_1128 : memref<1x128x64xf32, #tpu.memory_space<vmem>> -> memref<128x64xf32, #tpu.memory_space<vmem>>
        %dma_start3A_1130 = arith.constant 0 : i32
        %dma_start3A_1131 = tpu.memref_slice %arg5[%select_n3A_172, %dma_start3A_1124, %dma_start3A_1130] : memref<2x20x128xi32, #tpu.memory_space<vmem>> -> memref<1x1x128xi32, #tpu.memory_space<vmem>>
        %dma_start3A_1132 = tpu.memref_squeeze %dma_start3A_1131 : memref<1x1x128xi32, #tpu.memory_space<vmem>> -> memref<128xi32, #tpu.memory_space<vmem>>
        %dma_start3A_1133 = arith.constant 0 : i32
        %dma_start3A_1134 = arith.constant 0 : i32
        %dma_start3A_1135 = tpu.memref_slice %arg3[%dma_start3A_1133, %dma_start3A_1134] : memref<1000000x64xf32, #tpu.memory_space<hbm>> -> memref<1000000x64xf32, #tpu.memory_space<hbm>>
        tpu.enqueue_indirect_dma source(%dma_start3A_1135 : memref<1000000x64xf32, #tpu.memory_space<hbm>>) target(%dma_start3A_1129 : memref<128x64xf32, #tpu.memory_space<vmem>>) offsets(%dma_start3A_1132 : memref<128xi32, #tpu.memory_space<vmem>>) semaphore(%arg10 : memref<!tpu.dma_semaphore, #tpu.memory_space<semaphore_mem>>)
      } else {
      }
      %mul3A_983 = arith.constant 20 : i32
      %mul3A_984 = arith.muli %scan3A_145, %mul3A_983 : i32
      %add3A_985 = arith.constant 17 : i32
      %add3A_986 = arith.addi %mul3A_984, %add3A_985 : i32
      %dma_wait3A_987 = arith.constant 0 : i32
      %dma_wait3A_988 = arith.constant 0 : i32
      %dma_wait3A_989 = arith.constant 7 : i32
      %dma_wait3A_990 = arith.constant 0 : i32
      %dma_wait3A_991 = arith.constant 0 : i32
      %dma_wait3A_992 = tpu.memref_slice %arg6[%dma_wait3A_989, %dma_wait3A_990, %dma_wait3A_991] : memref<10x128x64xf32, #tpu.memory_space<vmem>> -> memref<1x128x64xf32, #tpu.memory_space<vmem>>
      %dma_wait3A_993 = tpu.memref_squeeze %dma_wait3A_992 : memref<1x128x64xf32, #tpu.memory_space<vmem>> -> memref<128x64xf32, #tpu.memory_space<vmem>>
      %dma_wait3A_994 = arith.constant 0 : i32
      %dma_wait3A_995 = tpu.memref_slice %arg5[%dma_wait3A_987, %dma_wait3A_988, %dma_wait3A_994] : memref<2x20x128xi32, #tpu.memory_space<vmem>> -> memref<1x1x128xi32, #tpu.memory_space<vmem>>
      %dma_wait3A_996 = tpu.memref_squeeze %dma_wait3A_995 : memref<1x1x128xi32, #tpu.memory_space<vmem>> -> memref<128xi32, #tpu.memory_space<vmem>>
      %dma_wait3A_997 = arith.constant 0 : i32
      %dma_wait3A_998 = arith.constant 0 : i32
      %dma_wait3A_999 = tpu.memref_slice %arg3[%dma_wait3A_997, %dma_wait3A_998] : memref<1000000x64xf32, #tpu.memory_space<hbm>> -> memref<1000000x64xf32, #tpu.memory_space<hbm>>
      tpu.wait_indirect_dma semaphore(%arg14 : memref<!tpu.dma_semaphore, #tpu.memory_space<semaphore_mem>>) src(%dma_wait3A_999 : memref<1000000x64xf32, #tpu.memory_space<hbm>>) dst(%dma_wait3A_993 : memref<128x64xf32, #tpu.memory_space<vmem>>)
      %mul3A_1000 = arith.constant 128 : i32
      %mul3A_1001 = arith.muli %add3A_986, %mul3A_1000 : i32
      %add3A_1002 = arith.addi %mul3A_4, %mul3A_1001 : i32
      %dma_start3A_1003 = arith.constant 7 : i32
      %dma_start3A_1004 = arith.constant 0 : i32
      %dma_start3A_1005 = arith.constant 0 : i32
      %dma_start3A_1006 = tpu.memref_slice %arg6[%dma_start3A_1003, %dma_start3A_1004, %dma_start3A_1005] : memref<10x128x64xf32, #tpu.memory_space<vmem>> -> memref<1x128x64xf32, #tpu.memory_space<vmem>>
      %dma_start3A_1007 = tpu.memref_squeeze %dma_start3A_1006 : memref<1x128x64xf32, #tpu.memory_space<vmem>> -> memref<128x64xf32, #tpu.memory_space<vmem>>
      %dma_start3A_1008 = arith.constant 0 : i32
      %dma_start3A_1009 = tpu.memref_slice %arg4[%add3A_1002, %dma_start3A_1008] : memref<819200x128xf32, #tpu.memory_space<hbm>> -> memref<128x64xf32, #tpu.memory_space<hbm>>
      %dma_start3A_1010 = arith.constant 0 : i32
      %dma_start3A_1011 = tpu.memref_slice %arg4[%add3A_1002, %dma_start3A_1010] : memref<819200x128xf32, #tpu.memory_space<hbm>> -> memref<128x64xf32, #tpu.memory_space<hbm>>
      %dma_start3A_1012 = arith.constant 0 : i32
      %dma_start3A_1013 = arith.constant 0 : i32
      %dma_start3A_1014 = tpu.memref_slice %arg6[%dma_start3A_1003, %dma_start3A_1012, %dma_start3A_1013] : memref<10x128x64xf32, #tpu.memory_space<vmem>> -> memref<1x128x64xf32, #tpu.memory_space<vmem>>
      %dma_start3A_1015 = tpu.memref_squeeze %dma_start3A_1014 : memref<1x128x64xf32, #tpu.memory_space<vmem>> -> memref<128x64xf32, #tpu.memory_space<vmem>>
      tpu.enqueue_dma source(%dma_start3A_1015 : memref<128x64xf32, #tpu.memory_space<vmem>>) target(%dma_start3A_1011 : memref<128x64xf32, #tpu.memory_space<hbm>>) target_semaphore(%arg24 : memref<!tpu.dma_semaphore, #tpu.memory_space<semaphore_mem>>)
      %add3A_1016 = arith.constant 7 : i32
      %add3A_1017 = arith.addi %add3A_986, %add3A_1016 : i32
      %ge3A_1018 = arith.constant 10 : i32
      %ge3A_1019 = arith.cmpi sge, %add3A_1017, %ge3A_1018 : i32
      %convert_element_type3A_1020 = arith.extui %ge3A_1019 : i1 to i32
      %cond3A_1021 = arith.constant 0 : i32
      %cond3A_1022 = arith.cmpi ne, %convert_element_type3A_1020, %cond3A_1021 : i32
      scf.if %cond3A_1022 {
        %dma_wait3A_1124 = arith.constant 4 : i32
        %dma_wait3A_1125 = arith.constant 0 : i32
        %dma_wait3A_1126 = arith.constant 0 : i32
        %dma_wait3A_1127 = tpu.memref_slice %arg6[%dma_wait3A_1124, %dma_wait3A_1125, %dma_wait3A_1126] : memref<10x128x64xf32, #tpu.memory_space<vmem>> -> memref<1x128x64xf32, #tpu.memory_space<vmem>>
        %dma_wait3A_1128 = tpu.memref_squeeze %dma_wait3A_1127 : memref<1x128x64xf32, #tpu.memory_space<vmem>> -> memref<128x64xf32, #tpu.memory_space<vmem>>
        %dma_wait3A_1129 = arith.constant 0 : i32
        %dma_wait3A_1130 = arith.constant 0 : i32
        %dma_wait3A_1131 = tpu.memref_slice %arg4[%dma_wait3A_1129, %dma_wait3A_1130] : memref<819200x128xf32, #tpu.memory_space<hbm>> -> memref<128x64xf32, #tpu.memory_space<hbm>>
        %dma_wait3A_1132 = arith.constant 0 : i32
        %dma_wait3A_1133 = arith.constant 0 : i32
        %dma_wait3A_1134 = tpu.memref_slice %arg4[%dma_wait3A_1132, %dma_wait3A_1133] : memref<819200x128xf32, #tpu.memory_space<hbm>> -> memref<128x64xf32, #tpu.memory_space<hbm>>
        %dma_wait3A_1135 = arith.constant 0 : i32
        %dma_wait3A_1136 = arith.constant 0 : i32
        %dma_wait3A_1137 = tpu.memref_slice %arg6[%dma_wait3A_1124, %dma_wait3A_1135, %dma_wait3A_1136] : memref<10x128x64xf32, #tpu.memory_space<vmem>> -> memref<1x128x64xf32, #tpu.memory_space<vmem>>
        %dma_wait3A_1138 = tpu.memref_squeeze %dma_wait3A_1137 : memref<1x128x64xf32, #tpu.memory_space<vmem>> -> memref<128x64xf32, #tpu.memory_space<vmem>>
        tpu.wait_dma2 semaphore(%arg21 : memref<!tpu.dma_semaphore, #tpu.memory_space<semaphore_mem>>) src(%dma_wait3A_1138 : memref<128x64xf32, #tpu.memory_space<vmem>>) dst(%dma_wait3A_1134 : memref<128x64xf32, #tpu.memory_space<hbm>>)
      } else {
      }
      %add3A_1023 = arith.constant 7 : i32
      %add3A_1024 = arith.addi %add3A_986, %add3A_1023 : i32
      %lt3A_1025 = arith.constant 200 : i32
      %lt3A_1026 = arith.cmpi slt, %add3A_1024, %lt3A_1025 : i32
      %convert_element_type3A_1027 = arith.extui %lt3A_1026 : i1 to i32
      %cond3A_1028 = arith.constant 0 : i32
      %cond3A_1029 = arith.cmpi ne, %convert_element_type3A_1027, %cond3A_1028 : i32
      scf.if %cond3A_1029 {
        %dma_start3A_1124 = arith.constant 4 : i32
        %dma_start3A_1125 = arith.constant 4 : i32
        %dma_start3A_1126 = arith.constant 0 : i32
        %dma_start3A_1127 = arith.constant 0 : i32
        %dma_start3A_1128 = tpu.memref_slice %arg6[%dma_start3A_1125, %dma_start3A_1126, %dma_start3A_1127] : memref<10x128x64xf32, #tpu.memory_space<vmem>> -> memref<1x128x64xf32, #tpu.memory_space<vmem>>
        %dma_start3A_1129 = tpu.memref_squeeze %dma_start3A_1128 : memref<1x128x64xf32, #tpu.memory_space<vmem>> -> memref<128x64xf32, #tpu.memory_space<vmem>>
        %dma_start3A_1130 = arith.constant 0 : i32
        %dma_start3A_1131 = tpu.memref_slice %arg5[%select_n3A_172, %dma_start3A_1124, %dma_start3A_1130] : memref<2x20x128xi32, #tpu.memory_space<vmem>> -> memref<1x1x128xi32, #tpu.memory_space<vmem>>
        %dma_start3A_1132 = tpu.memref_squeeze %dma_start3A_1131 : memref<1x1x128xi32, #tpu.memory_space<vmem>> -> memref<128xi32, #tpu.memory_space<vmem>>
        %dma_start3A_1133 = arith.constant 0 : i32
        %dma_start3A_1134 = arith.constant 0 : i32
        %dma_start3A_1135 = tpu.memref_slice %arg3[%dma_start3A_1133, %dma_start3A_1134] : memref<1000000x64xf32, #tpu.memory_space<hbm>> -> memref<1000000x64xf32, #tpu.memory_space<hbm>>
        tpu.enqueue_indirect_dma source(%dma_start3A_1135 : memref<1000000x64xf32, #tpu.memory_space<hbm>>) target(%dma_start3A_1129 : memref<128x64xf32, #tpu.memory_space<vmem>>) offsets(%dma_start3A_1132 : memref<128xi32, #tpu.memory_space<vmem>>) semaphore(%arg11 : memref<!tpu.dma_semaphore, #tpu.memory_space<semaphore_mem>>)
      } else {
      }
      %mul3A_1030 = arith.constant 20 : i32
      %mul3A_1031 = arith.muli %scan3A_145, %mul3A_1030 : i32
      %add3A_1032 = arith.constant 18 : i32
      %add3A_1033 = arith.addi %mul3A_1031, %add3A_1032 : i32
      %dma_wait3A_1034 = arith.constant 0 : i32
      %dma_wait3A_1035 = arith.constant 0 : i32
      %dma_wait3A_1036 = arith.constant 8 : i32
      %dma_wait3A_1037 = arith.constant 0 : i32
      %dma_wait3A_1038 = arith.constant 0 : i32
      %dma_wait3A_1039 = tpu.memref_slice %arg6[%dma_wait3A_1036, %dma_wait3A_1037, %dma_wait3A_1038] : memref<10x128x64xf32, #tpu.memory_space<vmem>> -> memref<1x128x64xf32, #tpu.memory_space<vmem>>
      %dma_wait3A_1040 = tpu.memref_squeeze %dma_wait3A_1039 : memref<1x128x64xf32, #tpu.memory_space<vmem>> -> memref<128x64xf32, #tpu.memory_space<vmem>>
      %dma_wait3A_1041 = arith.constant 0 : i32
      %dma_wait3A_1042 = tpu.memref_slice %arg5[%dma_wait3A_1034, %dma_wait3A_1035, %dma_wait3A_1041] : memref<2x20x128xi32, #tpu.memory_space<vmem>> -> memref<1x1x128xi32, #tpu.memory_space<vmem>>
      %dma_wait3A_1043 = tpu.memref_squeeze %dma_wait3A_1042 : memref<1x1x128xi32, #tpu.memory_space<vmem>> -> memref<128xi32, #tpu.memory_space<vmem>>
      %dma_wait3A_1044 = arith.constant 0 : i32
      %dma_wait3A_1045 = arith.constant 0 : i32
      %dma_wait3A_1046 = tpu.memref_slice %arg3[%dma_wait3A_1044, %dma_wait3A_1045] : memref<1000000x64xf32, #tpu.memory_space<hbm>> -> memref<1000000x64xf32, #tpu.memory_space<hbm>>
      tpu.wait_indirect_dma semaphore(%arg15 : memref<!tpu.dma_semaphore, #tpu.memory_space<semaphore_mem>>) src(%dma_wait3A_1046 : memref<1000000x64xf32, #tpu.memory_space<hbm>>) dst(%dma_wait3A_1040 : memref<128x64xf32, #tpu.memory_space<vmem>>)
      %mul3A_1047 = arith.constant 128 : i32
      %mul3A_1048 = arith.muli %add3A_1033, %mul3A_1047 : i32
      %add3A_1049 = arith.addi %mul3A_4, %mul3A_1048 : i32
      %dma_start3A_1050 = arith.constant 8 : i32
      %dma_start3A_1051 = arith.constant 0 : i32
      %dma_start3A_1052 = arith.constant 0 : i32
      %dma_start3A_1053 = tpu.memref_slice %arg6[%dma_start3A_1050, %dma_start3A_1051, %dma_start3A_1052] : memref<10x128x64xf32, #tpu.memory_space<vmem>> -> memref<1x128x64xf32, #tpu.memory_space<vmem>>
      %dma_start3A_1054 = tpu.memref_squeeze %dma_start3A_1053 : memref<1x128x64xf32, #tpu.memory_space<vmem>> -> memref<128x64xf32, #tpu.memory_space<vmem>>
      %dma_start3A_1055 = arith.constant 0 : i32
      %dma_start3A_1056 = tpu.memref_slice %arg4[%add3A_1049, %dma_start3A_1055] : memref<819200x128xf32, #tpu.memory_space<hbm>> -> memref<128x64xf32, #tpu.memory_space<hbm>>
      %dma_start3A_1057 = arith.constant 0 : i32
      %dma_start3A_1058 = tpu.memref_slice %arg4[%add3A_1049, %dma_start3A_1057] : memref<819200x128xf32, #tpu.memory_space<hbm>> -> memref<128x64xf32, #tpu.memory_space<hbm>>
      %dma_start3A_1059 = arith.constant 0 : i32
      %dma_start3A_1060 = arith.constant 0 : i32
      %dma_start3A_1061 = tpu.memref_slice %arg6[%dma_start3A_1050, %dma_start3A_1059, %dma_start3A_1060] : memref<10x128x64xf32, #tpu.memory_space<vmem>> -> memref<1x128x64xf32, #tpu.memory_space<vmem>>
      %dma_start3A_1062 = tpu.memref_squeeze %dma_start3A_1061 : memref<1x128x64xf32, #tpu.memory_space<vmem>> -> memref<128x64xf32, #tpu.memory_space<vmem>>
      tpu.enqueue_dma source(%dma_start3A_1062 : memref<128x64xf32, #tpu.memory_space<vmem>>) target(%dma_start3A_1058 : memref<128x64xf32, #tpu.memory_space<hbm>>) target_semaphore(%arg25 : memref<!tpu.dma_semaphore, #tpu.memory_space<semaphore_mem>>)
      %add3A_1063 = arith.constant 7 : i32
      %add3A_1064 = arith.addi %add3A_1033, %add3A_1063 : i32
      %ge3A_1065 = arith.constant 10 : i32
      %ge3A_1066 = arith.cmpi sge, %add3A_1064, %ge3A_1065 : i32
      %convert_element_type3A_1067 = arith.extui %ge3A_1066 : i1 to i32
      %cond3A_1068 = arith.constant 0 : i32
      %cond3A_1069 = arith.cmpi ne, %convert_element_type3A_1067, %cond3A_1068 : i32
      scf.if %cond3A_1069 {
        %dma_wait3A_1124 = arith.constant 5 : i32
        %dma_wait3A_1125 = arith.constant 0 : i32
        %dma_wait3A_1126 = arith.constant 0 : i32
        %dma_wait3A_1127 = tpu.memref_slice %arg6[%dma_wait3A_1124, %dma_wait3A_1125, %dma_wait3A_1126] : memref<10x128x64xf32, #tpu.memory_space<vmem>> -> memref<1x128x64xf32, #tpu.memory_space<vmem>>
        %dma_wait3A_1128 = tpu.memref_squeeze %dma_wait3A_1127 : memref<1x128x64xf32, #tpu.memory_space<vmem>> -> memref<128x64xf32, #tpu.memory_space<vmem>>
        %dma_wait3A_1129 = arith.constant 0 : i32
        %dma_wait3A_1130 = arith.constant 0 : i32
        %dma_wait3A_1131 = tpu.memref_slice %arg4[%dma_wait3A_1129, %dma_wait3A_1130] : memref<819200x128xf32, #tpu.memory_space<hbm>> -> memref<128x64xf32, #tpu.memory_space<hbm>>
        %dma_wait3A_1132 = arith.constant 0 : i32
        %dma_wait3A_1133 = arith.constant 0 : i32
        %dma_wait3A_1134 = tpu.memref_slice %arg4[%dma_wait3A_1132, %dma_wait3A_1133] : memref<819200x128xf32, #tpu.memory_space<hbm>> -> memref<128x64xf32, #tpu.memory_space<hbm>>
        %dma_wait3A_1135 = arith.constant 0 : i32
        %dma_wait3A_1136 = arith.constant 0 : i32
        %dma_wait3A_1137 = tpu.memref_slice %arg6[%dma_wait3A_1124, %dma_wait3A_1135, %dma_wait3A_1136] : memref<10x128x64xf32, #tpu.memory_space<vmem>> -> memref<1x128x64xf32, #tpu.memory_space<vmem>>
        %dma_wait3A_1138 = tpu.memref_squeeze %dma_wait3A_1137 : memref<1x128x64xf32, #tpu.memory_space<vmem>> -> memref<128x64xf32, #tpu.memory_space<vmem>>
        tpu.wait_dma2 semaphore(%arg22 : memref<!tpu.dma_semaphore, #tpu.memory_space<semaphore_mem>>) src(%dma_wait3A_1138 : memref<128x64xf32, #tpu.memory_space<vmem>>) dst(%dma_wait3A_1134 : memref<128x64xf32, #tpu.memory_space<hbm>>)
      } else {
      }
      %add3A_1070 = arith.constant 7 : i32
      %add3A_1071 = arith.addi %add3A_1033, %add3A_1070 : i32
      %lt3A_1072 = arith.constant 200 : i32
      %lt3A_1073 = arith.cmpi slt, %add3A_1071, %lt3A_1072 : i32
      %convert_element_type3A_1074 = arith.extui %lt3A_1073 : i1 to i32
      %cond3A_1075 = arith.constant 0 : i32
      %cond3A_1076 = arith.cmpi ne, %convert_element_type3A_1074, %cond3A_1075 : i32
      scf.if %cond3A_1076 {
        %dma_start3A_1124 = arith.constant 5 : i32
        %dma_start3A_1125 = arith.constant 5 : i32
        %dma_start3A_1126 = arith.constant 0 : i32
        %dma_start3A_1127 = arith.constant 0 : i32
        %dma_start3A_1128 = tpu.memref_slice %arg6[%dma_start3A_1125, %dma_start3A_1126, %dma_start3A_1127] : memref<10x128x64xf32, #tpu.memory_space<vmem>> -> memref<1x128x64xf32, #tpu.memory_space<vmem>>
        %dma_start3A_1129 = tpu.memref_squeeze %dma_start3A_1128 : memref<1x128x64xf32, #tpu.memory_space<vmem>> -> memref<128x64xf32, #tpu.memory_space<vmem>>
        %dma_start3A_1130 = arith.constant 0 : i32
        %dma_start3A_1131 = tpu.memref_slice %arg5[%select_n3A_172, %dma_start3A_1124, %dma_start3A_1130] : memref<2x20x128xi32, #tpu.memory_space<vmem>> -> memref<1x1x128xi32, #tpu.memory_space<vmem>>
        %dma_start3A_1132 = tpu.memref_squeeze %dma_start3A_1131 : memref<1x1x128xi32, #tpu.memory_space<vmem>> -> memref<128xi32, #tpu.memory_space<vmem>>
        %dma_start3A_1133 = arith.constant 0 : i32
        %dma_start3A_1134 = arith.constant 0 : i32
        %dma_start3A_1135 = tpu.memref_slice %arg3[%dma_start3A_1133, %dma_start3A_1134] : memref<1000000x64xf32, #tpu.memory_space<hbm>> -> memref<1000000x64xf32, #tpu.memory_space<hbm>>
        tpu.enqueue_indirect_dma source(%dma_start3A_1135 : memref<1000000x64xf32, #tpu.memory_space<hbm>>) target(%dma_start3A_1129 : memref<128x64xf32, #tpu.memory_space<vmem>>) offsets(%dma_start3A_1132 : memref<128xi32, #tpu.memory_space<vmem>>) semaphore(%arg12 : memref<!tpu.dma_semaphore, #tpu.memory_space<semaphore_mem>>)
      } else {
      }
      %mul3A_1077 = arith.constant 20 : i32
      %mul3A_1078 = arith.muli %scan3A_145, %mul3A_1077 : i32
      %add3A_1079 = arith.constant 19 : i32
      %add3A_1080 = arith.addi %mul3A_1078, %add3A_1079 : i32
      %dma_wait3A_1081 = arith.constant 0 : i32
      %dma_wait3A_1082 = arith.constant 0 : i32
      %dma_wait3A_1083 = arith.constant 9 : i32
      %dma_wait3A_1084 = arith.constant 0 : i32
      %dma_wait3A_1085 = arith.constant 0 : i32
      %dma_wait3A_1086 = tpu.memref_slice %arg6[%dma_wait3A_1083, %dma_wait3A_1084, %dma_wait3A_1085] : memref<10x128x64xf32, #tpu.memory_space<vmem>> -> memref<1x128x64xf32, #tpu.memory_space<vmem>>
      %dma_wait3A_1087 = tpu.memref_squeeze %dma_wait3A_1086 : memref<1x128x64xf32, #tpu.memory_space<vmem>> -> memref<128x64xf32, #tpu.memory_space<vmem>>
      %dma_wait3A_1088 = arith.constant 0 : i32
      %dma_wait3A_1089 = tpu.memref_slice %arg5[%dma_wait3A_1081, %dma_wait3A_1082, %dma_wait3A_1088] : memref<2x20x128xi32, #tpu.memory_space<vmem>> -> memref<1x1x128xi32, #tpu.memory_space<vmem>>
      %dma_wait3A_1090 = tpu.memref_squeeze %dma_wait3A_1089 : memref<1x1x128xi32, #tpu.memory_space<vmem>> -> memref<128xi32, #tpu.memory_space<vmem>>
      %dma_wait3A_1091 = arith.constant 0 : i32
      %dma_wait3A_1092 = arith.constant 0 : i32
      %dma_wait3A_1093 = tpu.memref_slice %arg3[%dma_wait3A_1091, %dma_wait3A_1092] : memref<1000000x64xf32, #tpu.memory_space<hbm>> -> memref<1000000x64xf32, #tpu.memory_space<hbm>>
      tpu.wait_indirect_dma semaphore(%arg16 : memref<!tpu.dma_semaphore, #tpu.memory_space<semaphore_mem>>) src(%dma_wait3A_1093 : memref<1000000x64xf32, #tpu.memory_space<hbm>>) dst(%dma_wait3A_1087 : memref<128x64xf32, #tpu.memory_space<vmem>>)
      %mul3A_1094 = arith.constant 128 : i32
      %mul3A_1095 = arith.muli %add3A_1080, %mul3A_1094 : i32
      %add3A_1096 = arith.addi %mul3A_4, %mul3A_1095 : i32
      %dma_start3A_1097 = arith.constant 9 : i32
      %dma_start3A_1098 = arith.constant 0 : i32
      %dma_start3A_1099 = arith.constant 0 : i32
      %dma_start3A_1100 = tpu.memref_slice %arg6[%dma_start3A_1097, %dma_start3A_1098, %dma_start3A_1099] : memref<10x128x64xf32, #tpu.memory_space<vmem>> -> memref<1x128x64xf32, #tpu.memory_space<vmem>>
      %dma_start3A_1101 = tpu.memref_squeeze %dma_start3A_1100 : memref<1x128x64xf32, #tpu.memory_space<vmem>> -> memref<128x64xf32, #tpu.memory_space<vmem>>
      %dma_start3A_1102 = arith.constant 0 : i32
      %dma_start3A_1103 = tpu.memref_slice %arg4[%add3A_1096, %dma_start3A_1102] : memref<819200x128xf32, #tpu.memory_space<hbm>> -> memref<128x64xf32, #tpu.memory_space<hbm>>
      %dma_start3A_1104 = arith.constant 0 : i32
      %dma_start3A_1105 = tpu.memref_slice %arg4[%add3A_1096, %dma_start3A_1104] : memref<819200x128xf32, #tpu.memory_space<hbm>> -> memref<128x64xf32, #tpu.memory_space<hbm>>
      %dma_start3A_1106 = arith.constant 0 : i32
      %dma_start3A_1107 = arith.constant 0 : i32
      %dma_start3A_1108 = tpu.memref_slice %arg6[%dma_start3A_1097, %dma_start3A_1106, %dma_start3A_1107] : memref<10x128x64xf32, #tpu.memory_space<vmem>> -> memref<1x128x64xf32, #tpu.memory_space<vmem>>
      %dma_start3A_1109 = tpu.memref_squeeze %dma_start3A_1108 : memref<1x128x64xf32, #tpu.memory_space<vmem>> -> memref<128x64xf32, #tpu.memory_space<vmem>>
      tpu.enqueue_dma source(%dma_start3A_1109 : memref<128x64xf32, #tpu.memory_space<vmem>>) target(%dma_start3A_1105 : memref<128x64xf32, #tpu.memory_space<hbm>>) target_semaphore(%arg26 : memref<!tpu.dma_semaphore, #tpu.memory_space<semaphore_mem>>)
      %add3A_1110 = arith.constant 7 : i32
      %add3A_1111 = arith.addi %add3A_1080, %add3A_1110 : i32
      %ge3A_1112 = arith.constant 10 : i32
      %ge3A_1113 = arith.cmpi sge, %add3A_1111, %ge3A_1112 : i32
      %convert_element_type3A_1114 = arith.extui %ge3A_1113 : i1 to i32
      %cond3A_1115 = arith.constant 0 : i32
      %cond3A_1116 = arith.cmpi ne, %convert_element_type3A_1114, %cond3A_1115 : i32
      scf.if %cond3A_1116 {
        %dma_wait3A_1124 = arith.constant 6 : i32
        %dma_wait3A_1125 = arith.constant 0 : i32
        %dma_wait3A_1126 = arith.constant 0 : i32
        %dma_wait3A_1127 = tpu.memref_slice %arg6[%dma_wait3A_1124, %dma_wait3A_1125, %dma_wait3A_1126] : memref<10x128x64xf32, #tpu.memory_space<vmem>> -> memref<1x128x64xf32, #tpu.memory_space<vmem>>
        %dma_wait3A_1128 = tpu.memref_squeeze %dma_wait3A_1127 : memref<1x128x64xf32, #tpu.memory_space<vmem>> -> memref<128x64xf32, #tpu.memory_space<vmem>>
        %dma_wait3A_1129 = arith.constant 0 : i32
        %dma_wait3A_1130 = arith.constant 0 : i32
        %dma_wait3A_1131 = tpu.memref_slice %arg4[%dma_wait3A_1129, %dma_wait3A_1130] : memref<819200x128xf32, #tpu.memory_space<hbm>> -> memref<128x64xf32, #tpu.memory_space<hbm>>
        %dma_wait3A_1132 = arith.constant 0 : i32
        %dma_wait3A_1133 = arith.constant 0 : i32
        %dma_wait3A_1134 = tpu.memref_slice %arg4[%dma_wait3A_1132, %dma_wait3A_1133] : memref<819200x128xf32, #tpu.memory_space<hbm>> -> memref<128x64xf32, #tpu.memory_space<hbm>>
        %dma_wait3A_1135 = arith.constant 0 : i32
        %dma_wait3A_1136 = arith.constant 0 : i32
        %dma_wait3A_1137 = tpu.memref_slice %arg6[%dma_wait3A_1124, %dma_wait3A_1135, %dma_wait3A_1136] : memref<10x128x64xf32, #tpu.memory_space<vmem>> -> memref<1x128x64xf32, #tpu.memory_space<vmem>>
        %dma_wait3A_1138 = tpu.memref_squeeze %dma_wait3A_1137 : memref<1x128x64xf32, #tpu.memory_space<vmem>> -> memref<128x64xf32, #tpu.memory_space<vmem>>
        tpu.wait_dma2 semaphore(%arg23 : memref<!tpu.dma_semaphore, #tpu.memory_space<semaphore_mem>>) src(%dma_wait3A_1138 : memref<128x64xf32, #tpu.memory_space<vmem>>) dst(%dma_wait3A_1134 : memref<128x64xf32, #tpu.memory_space<hbm>>)
      } else {
      }
      %add3A_1117 = arith.constant 7 : i32
      %add3A_1118 = arith.addi %add3A_1080, %add3A_1117 : i32
      %lt3A_1119 = arith.constant 200 : i32
      %lt3A_1120 = arith.cmpi slt, %add3A_1118, %lt3A_1119 : i32
      %convert_element_type3A_1121 = arith.extui %lt3A_1120 : i1 to i32
      %cond3A_1122 = arith.constant 0 : i32
      %cond3A_1123 = arith.cmpi ne, %convert_element_type3A_1121, %cond3A_1122 : i32
      scf.if %cond3A_1123 {
        %dma_start3A_1124 = arith.constant 6 : i32
        %dma_start3A_1125 = arith.constant 6 : i32
        %dma_start3A_1126 = arith.constant 0 : i32
        %dma_start3A_1127 = arith.constant 0 : i32
        %dma_start3A_1128 = tpu.memref_slice %arg6[%dma_start3A_1125, %dma_start3A_1126, %dma_start3A_1127] : memref<10x128x64xf32, #tpu.memory_space<vmem>> -> memref<1x128x64xf32, #tpu.memory_space<vmem>>
        %dma_start3A_1129 = tpu.memref_squeeze %dma_start3A_1128 : memref<1x128x64xf32, #tpu.memory_space<vmem>> -> memref<128x64xf32, #tpu.memory_space<vmem>>
        %dma_start3A_1130 = arith.constant 0 : i32
        %dma_start3A_1131 = tpu.memref_slice %arg5[%select_n3A_172, %dma_start3A_1124, %dma_start3A_1130] : memref<2x20x128xi32, #tpu.memory_space<vmem>> -> memref<1x1x128xi32, #tpu.memory_space<vmem>>
        %dma_start3A_1132 = tpu.memref_squeeze %dma_start3A_1131 : memref<1x1x128xi32, #tpu.memory_space<vmem>> -> memref<128xi32, #tpu.memory_space<vmem>>
        %dma_start3A_1133 = arith.constant 0 : i32
        %dma_start3A_1134 = arith.constant 0 : i32
        %dma_start3A_1135 = tpu.memref_slice %arg3[%dma_start3A_1133, %dma_start3A_1134] : memref<1000000x64xf32, #tpu.memory_space<hbm>> -> memref<1000000x64xf32, #tpu.memory_space<hbm>>
        tpu.enqueue_indirect_dma source(%dma_start3A_1135 : memref<1000000x64xf32, #tpu.memory_space<hbm>>) target(%dma_start3A_1129 : memref<128x64xf32, #tpu.memory_space<vmem>>) offsets(%dma_start3A_1132 : memref<128xi32, #tpu.memory_space<vmem>>) semaphore(%arg13 : memref<!tpu.dma_semaphore, #tpu.memory_space<semaphore_mem>>)
      } else {
      }
    }
    %scan3A_100 = arith.constant 10 : i32
    %dma_wait3A = arith.constant 7 : i32
    %dma_wait3A_101 = arith.constant 0 : i32
    %dma_wait3A_102 = arith.constant 0 : i32
    %dma_wait3A_103 = tpu.memref_slice %arg6[%dma_wait3A, %dma_wait3A_101, %dma_wait3A_102] : memref<10x128x64xf32, #tpu.memory_space<vmem>> -> memref<1x128x64xf32, #tpu.memory_space<vmem>>
    %dma_wait3A_104 = tpu.memref_squeeze %dma_wait3A_103 : memref<1x128x64xf32, #tpu.memory_space<vmem>> -> memref<128x64xf32, #tpu.memory_space<vmem>>
    %dma_wait3A_105 = arith.constant 0 : i32
    %dma_wait3A_106 = arith.constant 0 : i32
    %dma_wait3A_107 = tpu.memref_slice %arg4[%dma_wait3A_105, %dma_wait3A_106] : memref<819200x128xf32, #tpu.memory_space<hbm>> -> memref<128x64xf32, #tpu.memory_space<hbm>>
    %dma_wait3A_108 = arith.constant 0 : i32
    %dma_wait3A_109 = arith.constant 0 : i32
    %dma_wait3A_110 = tpu.memref_slice %arg4[%dma_wait3A_108, %dma_wait3A_109] : memref<819200x128xf32, #tpu.memory_space<hbm>> -> memref<128x64xf32, #tpu.memory_space<hbm>>
    %dma_wait3A_111 = arith.constant 0 : i32
    %dma_wait3A_112 = arith.constant 0 : i32
    %dma_wait3A_113 = tpu.memref_slice %arg6[%dma_wait3A, %dma_wait3A_111, %dma_wait3A_112] : memref<10x128x64xf32, #tpu.memory_space<vmem>> -> memref<1x128x64xf32, #tpu.memory_space<vmem>>
    %dma_wait3A_114 = tpu.memref_squeeze %dma_wait3A_113 : memref<1x128x64xf32, #tpu.memory_space<vmem>> -> memref<128x64xf32, #tpu.memory_space<vmem>>
    tpu.wait_dma2 semaphore(%arg24 : memref<!tpu.dma_semaphore, #tpu.memory_space<semaphore_mem>>) src(%dma_wait3A_114 : memref<128x64xf32, #tpu.memory_space<vmem>>) dst(%dma_wait3A_110 : memref<128x64xf32, #tpu.memory_space<hbm>>)
    %dma_wait3A_115 = arith.constant 8 : i32
    %dma_wait3A_116 = arith.constant 0 : i32
    %dma_wait3A_117 = arith.constant 0 : i32
    %dma_wait3A_118 = tpu.memref_slice %arg6[%dma_wait3A_115, %dma_wait3A_116, %dma_wait3A_117] : memref<10x128x64xf32, #tpu.memory_space<vmem>> -> memref<1x128x64xf32, #tpu.memory_space<vmem>>
    %dma_wait3A_119 = tpu.memref_squeeze %dma_wait3A_118 : memref<1x128x64xf32, #tpu.memory_space<vmem>> -> memref<128x64xf32, #tpu.memory_space<vmem>>
    %dma_wait3A_120 = arith.constant 0 : i32
    %dma_wait3A_121 = arith.constant 0 : i32
    %dma_wait3A_122 = tpu.memref_slice %arg4[%dma_wait3A_120, %dma_wait3A_121] : memref<819200x128xf32, #tpu.memory_space<hbm>> -> memref<128x64xf32, #tpu.memory_space<hbm>>
    %dma_wait3A_123 = arith.constant 0 : i32
    %dma_wait3A_124 = arith.constant 0 : i32
    %dma_wait3A_125 = tpu.memref_slice %arg4[%dma_wait3A_123, %dma_wait3A_124] : memref<819200x128xf32, #tpu.memory_space<hbm>> -> memref<128x64xf32, #tpu.memory_space<hbm>>
    %dma_wait3A_126 = arith.constant 0 : i32
    %dma_wait3A_127 = arith.constant 0 : i32
    %dma_wait3A_128 = tpu.memref_slice %arg6[%dma_wait3A_115, %dma_wait3A_126, %dma_wait3A_127] : memref<10x128x64xf32, #tpu.memory_space<vmem>> -> memref<1x128x64xf32, #tpu.memory_space<vmem>>
    %dma_wait3A_129 = tpu.memref_squeeze %dma_wait3A_128 : memref<1x128x64xf32, #tpu.memory_space<vmem>> -> memref<128x64xf32, #tpu.memory_space<vmem>>
    tpu.wait_dma2 semaphore(%arg25 : memref<!tpu.dma_semaphore, #tpu.memory_space<semaphore_mem>>) src(%dma_wait3A_129 : memref<128x64xf32, #tpu.memory_space<vmem>>) dst(%dma_wait3A_125 : memref<128x64xf32, #tpu.memory_space<hbm>>)
    %dma_wait3A_130 = arith.constant 9 : i32
    %dma_wait3A_131 = arith.constant 0 : i32
    %dma_wait3A_132 = arith.constant 0 : i32
    %dma_wait3A_133 = tpu.memref_slice %arg6[%dma_wait3A_130, %dma_wait3A_131, %dma_wait3A_132] : memref<10x128x64xf32, #tpu.memory_space<vmem>> -> memref<1x128x64xf32, #tpu.memory_space<vmem>>
    %dma_wait3A_134 = tpu.memref_squeeze %dma_wait3A_133 : memref<1x128x64xf32, #tpu.memory_space<vmem>> -> memref<128x64xf32, #tpu.memory_space<vmem>>
    %dma_wait3A_135 = arith.constant 0 : i32
    %dma_wait3A_136 = arith.constant 0 : i32
    %dma_wait3A_137 = tpu.memref_slice %arg4[%dma_wait3A_135, %dma_wait3A_136] : memref<819200x128xf32, #tpu.memory_space<hbm>> -> memref<128x64xf32, #tpu.memory_space<hbm>>
    %dma_wait3A_138 = arith.constant 0 : i32
    %dma_wait3A_139 = arith.constant 0 : i32
    %dma_wait3A_140 = tpu.memref_slice %arg4[%dma_wait3A_138, %dma_wait3A_139] : memref<819200x128xf32, #tpu.memory_space<hbm>> -> memref<128x64xf32, #tpu.memory_space<hbm>>
    %dma_wait3A_141 = arith.constant 0 : i32
    %dma_wait3A_142 = arith.constant 0 : i32
    %dma_wait3A_143 = tpu.memref_slice %arg6[%dma_wait3A_130, %dma_wait3A_141, %dma_wait3A_142] : memref<10x128x64xf32, #tpu.memory_space<vmem>> -> memref<1x128x64xf32, #tpu.memory_space<vmem>>
    %dma_wait3A_144 = tpu.memref_squeeze %dma_wait3A_143 : memref<1x128x64xf32, #tpu.memory_space<vmem>> -> memref<128x64xf32, #tpu.memory_space<vmem>>
    tpu.wait_dma2 semaphore(%arg26 : memref<!tpu.dma_semaphore, #tpu.memory_space<semaphore_mem>>) src(%dma_wait3A_144 : memref<128x64xf32, #tpu.memory_space<vmem>>) dst(%dma_wait3A_140 : memref<128x64xf32, #tpu.memory_space<hbm>>)
    return
  }
}

</mosaic_0001>

<sc_bundles>
// kernel: _gather_call.3.cloned.1.call-start
scs
__scs_entry_jumppad:
0x0: {  	(pc) =	sbr.rel $0x88, $3  }
0x1: {  	(tag) =	ssettag $0x0;
	lr =	simm.s32 $0x1  }
0x2: {  	[smem:$0x3F9F] =	sst lr;
	_ =	strace $0xD0000000  }
0x3: {  	_ = 	snop  }
0x4: {  	_ = 	snop  }
0x5: {  	_ = 	snop  }
0x6: {  	_ = 	snop  }
0x7: {  	_ = 	snop  }
__scs_overlays_trampoline_lowered:
0x8: {  	[smem:$0x3FAE] =	sst s0  }
0x9: {  	[smem:$0x3FAF] =	sst s1  }
0xa: {  	[smem:$0x3FB0] =	sst s2  }
0xb: {  	[smem:$0x3FB1] =	sst s3  }
0xc: {  	[smem:$0x3FB2] =	sst s4  }
0xd: {  	[smem:$0x3FB3] =	sst s5  }
0xe: {  	[smem:$0x3FB4] =	sst s6  }
0xf: {  	[smem:$0x3FB5] =	sst s7  }
0x10: {  	[smem:$0x3FB6] =	sst s8  }
0x11: {  	[smem:$0x3FB7] =	sst s9;
	s0 =	simm.s32 @!p0 $0x0  }
0x12: {  	s1 =	sld [smem:$0x3F9D];
	s0 =	simm.s32 @p0 $0x1  }
0x13: {  	[smem:$0x3FB8] =	sst s0;
	s0 =	simm.s32 @!p1 $0x0  }
0x14: {  	s2 =	sld [smem:$0x3F9C];
	s0 =	simm.s32 @p1 $0x1  }
0x15: {  	[smem:$0x3FB9] =	sst s0;
	s0 =	simm.s32 @!p2 $0x0  }
0x16: {  	s3 =	sld [smem:$0x3FDB];
	s0 =	simm.s32 @p2 $0x1  }
0x17: {  	s4 =	simm.s32 $0x1BF5;
	[smem:$0x3FBB] =	sst s0  }
0x18: {  	s0 =	sld [smem:$0x3F9E];
	_ =	swait.ge [sflag:s4], $0x0  }
0x19: {  	s7 =	sld [smem:$0x3F9F]  }
0x1a: {  	s8 =	sadd.s32 $0xFFFFE003, lr  }
0x1b: {  	s9 =	sadd.s32 $0xFFFFFEF7, lr;
	s5 =	simm.s32 $0xFFFFFFFF;
	p2 =	slt.u32 s8, $0xFFFFF086  }
0x1c: {  	p1 =	slt.u32 s9, $0xF7A;
	s5 =	simm.s32 @!p2 $0x0  }
0x1d: {  	s5 =	simm.s32 @p1 $0x1;
	p0 =	seq.s32 s7, s2  }
0x1e: {  	s7 =	smul.u32 @!p0 $0xF7A, s2;
	p2 =	seq.s32 @!p0 s5, $0x0  }
0x1f: {  	s9 =	smul.u32 $0xF7A, s1;
	s8 =	simm.s32 @!p0 $0x1BF5;
	p2 =	por !p2, p0  }
0x20: {  	[sflag:s8] =	ssyncset.s32 @!p0 $0xFFFFF086;
	s6 =	sadd.s32 @!p0 s3, s7;
	s7 =	simm.s32 @!p0 $0x108  }
0x21: {  	s3 =	sadd.s32 s3, s9;
	s6 =	sadd.s32 @!p0 $0x88, s6;
	s7 =	simm.s32 @p2 $0x1082  }
0x22: {  	[simem:s7], [sflag:s8] =	dma.local @!p0 [hbm:s6], $0xF7A  }
0x23: {  	s9 =	sor.u32 $0xD0000000, s2;
	s6 =	simm.s32 $0x108;
	_ =	swait.ge @!p0 [sflag:s8], $0x0  }
0x24: {  	s3 =	sadd.s32 $0x88, s3;
	s6 =	simm.s32 @!p1 $0x1082;
	[sflag:s4] =	ssyncset.s32 $0xFFFFF086  }
0x25: {  	[simem:s6], [sflag:s4] =	dma.local [hbm:s3], $0xF7A  }
0x26: {  	[smem:$0x3F9F] =	sst s1;
	(tag) =	ssettag s2;
	_ =	strace s9  }
0x27: {  	s1 =	sld [smem:$0x3FAF]  }
0x28: {  	s2 =	sld [smem:$0x3FB0]  }
0x29: {  	s4 =	sld [smem:$0x3FB2]  }
0x2a: {  	p0 =	seq.s32 s5, $0x0;
	s5 =	sld [smem:$0x3FB3]  }
0x2b: {  	s6 =	sld [smem:$0x3FB4]  }
0x2c: {  	s7 =	sld [smem:$0x3FB5]  }
0x2d: {  	s3 =	simm.s32 $0x108;
	s8 =	sld [smem:$0x3FB6]  }
0x2e: {  	s3 =	simm.s32 @!p0 $0x1082;
	s9 =	sld [smem:$0x3FB7]  }
0x2f: {  	lr =	sadd.s32 s0, s3;
	s0 =	sld [smem:$0x3FAE]  }
0x30: {  	s3 =	sld [smem:$0x3FB1]  }
0x31: {  	[smem:$0x3FBA] =	sst s10  }
0x32: {  	s10 =	sld [smem:$0x3FB8];
	_ =	sdelay $0x3  }
0x33: {  	p0 =	seq.s32 s10, $0x1;
	s10 =	sld [smem:$0x3FBA];
	_ =	sdelay $0x3  }
0x34: {  	[smem:$0x3FBA] =	sst s10  }
0x35: {  	s10 =	sld [smem:$0x3FB9];
	_ =	sdelay $0x3  }
0x36: {  	p1 =	seq.s32 s10, $0x1;
	s10 =	sld [smem:$0x3FBA];
	_ =	sdelay $0x3  }
0x37: {  	[smem:$0x3FBA] =	sst s10  }
0x38: {  	s10 =	sld [smem:$0x3FBB]  }
0x39: {  	_ = 	snop;
	(pc) =	sbr.ind lr, $3  }
0x3a: {  	_ = 	snop  }
0x3b: {  	_ = 	snop  }
0x3c: {  	p2 =	seq.s32 s10, $0x1;
	s10 =	sld [smem:$0x3FBA]  }
0x3d: {  	_ =	shalt  }
0x3e: {  	_ =	shalt  }
0x3f: {  	_ =	shalt  }
0x40: {  	_ =	shalt  }
0x41: {  	_ =	shalt  }
0x42: {  	_ =	shalt  }
0x43: {  	_ =	shalt  }
0x44: {  	_ =	shalt  }
0x45: {  	_ =	shalt  }
0x46: {  	_ =	shalt  }
0x47: {  	_ =	shalt  }
0x48: {  	_ =	shalt  }
0x49: {  	_ =	shalt  }
0x4a: {  	_ =	shalt  }
0x4b: {  	_ =	shalt  }
0x4c: {  	_ =	shalt  }
0x4d: {  	_ =	shalt  }
0x4e: {  	_ =	shalt  }
0x4f: {  	_ =	shalt  }
0x50: {  	_ =	shalt  }
0x51: {  	_ =	shalt  }
0x52: {  	_ =	shalt  }
0x53: {  	_ =	shalt  }
0x54: {  	_ =	shalt  }
0x55: {  	_ =	shalt  }
0x56: {  	_ =	shalt  }
0x57: {  	_ =	shalt  }
0x58: {  	_ =	shalt  }
0x59: {  	_ =	shalt  }
0x5a: {  	_ =	shalt  }
0x5b: {  	_ =	shalt  }
0x5c: {  	_ =	shalt  }
0x5d: {  	_ =	shalt  }
0x5e: {  	_ =	shalt  }
0x5f: {  	_ =	shalt  }
0x60: {  	_ =	shalt  }
0x61: {  	_ =	shalt  }
0x62: {  	_ =	shalt  }
0x63: {  	_ =	shalt  }
0x64: {  	_ =	shalt  }
0x65: {  	_ =	shalt  }
0x66: {  	_ =	shalt  }
0x67: {  	_ =	shalt  }
0x68: {  	_ =	shalt  }
0x69: {  	_ =	shalt  }
0x6a: {  	_ =	shalt  }
0x6b: {  	_ =	shalt  }
0x6c: {  	_ =	shalt  }
0x6d: {  	_ =	shalt  }
0x6e: {  	_ =	shalt  }
0x6f: {  	_ =	shalt  }
0x70: {  	_ =	shalt  }
0x71: {  	_ =	shalt  }
0x72: {  	_ =	shalt  }
0x73: {  	_ =	shalt  }
0x74: {  	_ =	shalt  }
0x75: {  	_ =	shalt  }
0x76: {  	_ =	shalt  }
0x77: {  	_ =	shalt  }
0x78: {  	_ =	shalt  }
0x79: {  	_ =	shalt  }
0x7a: {  	_ =	shalt  }
0x7b: {  	_ =	shalt  }
0x7c: {  	_ =	shalt  }
0x7d: {  	_ =	shalt  }
0x7e: {  	_ =	shalt  }
0x7f: {  	_ =	shalt  }
0x80: {  	_ =	shalt  }
0x81: {  	_ =	shalt  }
0x82: {  	_ =	shalt  }
0x83: {  	_ =	shalt  }
0x84: {  	_ =	shalt  }
0x85: {  	_ =	shalt  }
0x86: {  	_ =	shalt  }
0x87: {  	_ =	shalt  }
.Lfunc_end0:
.L_simem_size_0:
called_computation_lowered:
.L_overlay_start_0:
0x88: {  	s2 =	sld [smem:$0x3FD9]  }
0x89: {  	s3 =	sld [smem:$0x3FFE];
	_ =	sdelay $0x1  }
0x8a: {  	s1 =	srdreg.scid  }
0x8b: {  	s0 =	sand.u32 $0x1, s1  }
0x8c: {  	s17 =	sshll.u32 s0, $0xA;
	s2 =	sadd.s32 s3, s2  }
0x8d: {  	s2 =	sadd.s32 s2, s17  }
0x8e: {  	[smem:$0x3FC6] =	sst s2  }
0x8f: {  	_ = 	snop  }
0x90: {  	s2 =	sld [smem:$0x3FD0];
	(tm) =	ssettm $0x1  }
0x91: {  	s18 =	sld [smem:$0x3FFB];
	_ =	sdelay $0x3  }
0x92: {  	_ =	strace s18  }
0x93: {  	s3 =	sld [smem:$0x3FFC];
	_ =	sdelay $0x3  }
0x94: {  	_ =	strace s3  }
0x95: {  	s3 =	sld [smem:$0x3FFD];
	_ =	sdelay $0x3  }
0x96: {  	_ =	strace s3  }
0x97: {  	_ =	strace $0x8FFFFFFF  }
0x98: {  	s19 =	sld [smem:$0x3FDB];
	_ =	sdelay $0x1  }
0x99: {  	s4 =	simm.s32 $_scs_section_size  }
0x9a: {  	s5 =	simm.s32 $_size__tile_overlayer_lowered;
	s6 =	simm.s32 $_tile_overlayer_lowered  }
0x9b: {  	s22 =	simm.s32 $0x1BFF;
	s21 =	sshll.u32 s6, $0x1;
	s3 =	sadd.s32 s4, s19  }
0x9c: {  	s7 =	simm.s32 $0x0;
	s20 =	sshll.u32 s5, $0x1;
	s5 =	sadd.s32 s21, s3  }
0x9d: {  	[timem:s7], [sflag:s22] =	dma.local [hbm:s5], s20  }
0x9e: {  	_ =	swait.ge [sflag:s22], s20  }
0x9f: {  	s4 =	ssub.s32 $0x0, s20;
	[sflag:s22] =	ssyncset.done $0x0  }
0xa0: {  	[sflag:s22] =	ssyncadd.s32 s4;
	_ =	sdelay $0x1  }
0xa1: {  	s23 =	simm.s32 $0x1B8B  }
0xa2: {  	_ =	swait.ge [sflag:s23], $0x1  }
0xa3: {  	[sflag:s23] =	ssyncset.done $0x0  }
0xa4: {  	s25 =	simm.s32 $0x1B8E;
	s24 =	sld [smem:$0x3FFE];
	[sflag:s23] =	ssyncadd.s32 $0xFFFFFFFF  }
0xa5: {  	s26 =	simm.s32 $execute0_lowered;
	[smem:$0x3FD2] =	sst s25  }
0xa6: {  	s5 =	sshll.u32 s26, $0x1;
	_ =	strace $0x80000046;
	[dreg:$0x1] =	wrdreg $0xFFFFFFFF  }
0xa7: {  	s28 =	simm.s32 $_size_execute0_lowered;
	s3 =	sadd.s32 s3, s5;
	[dreg:$0x0] =	wrdreg $0x0  }
0xa8: {  	s5 =	sshll.u32 s28, $0x1;
	[dreg:$0x2] =	wrdreg s3  }
0xa9: {  	[dreg:$0x3] =	wrdreg s5  }
0xaa: {  	[dreg:$0x4] =	wrdreg $0xC0  }
0xab: {  	_ =	task [dreg:s7], $0x5FFFF  }
0xac: {  	[dreg:$0x1] =	wrdreg $0xFFFFFFFF  }
0xad: {  	[dreg:$0x0] =	wrdreg $0x60  }
0xae: {  	[dreg:$0x2] =	wrdreg s24  }
0xaf: {  	[dreg:$0x3] =	wrdreg s2  }
0xb0: {  	[dreg:$0x4] =	wrdreg $0x9  }
0xb1: {  	_ =	task.clear_ibuf [dreg:s7], $0x5FFFF;
	_ =	strace $0x90000046  }
0xb2: {  	s29 =	simm.s32 $0x9;
	_ =	strace $0x80000048  }
0xb3: {  	_ =	swait.ge [sflag:s29], $0x1  }
0xb4: {  	[sflag:s29] =	ssyncadd.s32 $0xFFFFFFFF  }
0xb5: {  	_ =	strace $0x90000048  }
0xb6: {  	_ =	sfence  }
0xb7: {  	s30 =	sld [smem:$0x0];
	_ =	sdelay $0x2  }
0xb8: {  	s31 =	sshll.u32 s1, $0xD;
	s1 =	sshrl.u32 s1, $0x2  }
0xb9: {  	s3 =	sand.u32 $0x4000, s31;
	s1 =	sadd.s32 s1, s30  }
0xba: {  	s0 =	sor.u32 s3, s0;
	s1 =	sshll.u32 s1, $0x11  }
0xbb: {  	s0 =	sor.u32 s1, s0  }
0xbc: {  	s0 =	sadd.s32 $0x8F2B, s0  }
0xbd: {  	[sflag:s0] =	ssyncadd.remote.s32 $0x1  }
0xbe: {  	_ =	sfence.sel $0xFFFF  }
0xbf: {  	[dreg:$0x0] =	wrdreg $0xFFFFFFFF;
	(pc) =	sbr.abs _section_cstart, $3  }
0xc0: {  	[dreg:$0x1] =	wrdreg $0xFFFFFFFF  }
0xc1: {  	_ =	task.clear_ibuf [dreg:s7], $0x2FFFF;
	_ =	strace $0x9FFFFFFF  }
0xc2: {  	(tm) =	ssettm $0x7FFFFFFF  }
0xc3: {  	_ =	shalt  }
tec
execute0_lowered:
.L_overlay_start_1:
0x0: {  	(tag) =	ssettag $0x1  }
0x1: {  	s1 =	rddreg [dreg:$0x0]  }
0x2: {  	s0 =	rddreg [dreg:$0x1]  }
0x3: {  	s2 =	srdreg.scid;
	s8 =	stileid.u32  }
0x4: {  	s4 =	simm.s32 $0x0;
	s30 =	simm.s32 $0x80;
	s6 =	smul.u32 $0xC800, s8  }
0x5: {  	s28 =	simm.s32 $0x9400;
	s29 =	simm.s32 $0x1;
	s14 =	smul.u32 $0x640000, s8  }
0x6: {  	s2 =	sand.u32 $0x1, s2;
	s3 =	sshll.u32 s8, $0x1;
	s17 =	smul.u32 $0xC8000, s8  }
0x7: {  	[smem:$0x7FF] =	sst s4;
	s11 =	sadd.s32 $0x600, s1;
	s7 =	smul.u32 $0x6400, s2  }
0x8: {  	s4 =	sadd.s32 $0xF42A00, s1;
	s3 =	sor.u32 s2, s3;
	s15 =	smul.u32 $0x320000, s2  }
0x9: {  	_ =	strace $0x80000047;
	s5 =	ssub.s32 $0x2, s2;
	s2 =	smul.u32 $0x64000, s2  }
0xa: {  	[dreg:$0x1a] =	wrdreg s11;
	s3 =	smul.u32 $0x6400, s3;
	s13 =	sshrl.u32 s5, $0x1  }
0xb: {  	s19 =	sadd.s32 s17, s0;
	s1 =	ssub.s32 s5, s13;
	s5 =	sadd.s32 s15, s14  }
0xc: {  	s31 =	sadd.s32 s2, s19;
	s3 =	sshrl.u32 s3, $0x3;
	s1 =	smax.u32 s1, $0x1  }
0xd: {  	s20 =	sadd.s32 $0x4C000, s5;
	s23 =	sadd.s32 $0x48000, s5;
	s24 =	sadd.s32 $0x44000, s5  }
0xe: {  	s25 =	sadd.s32 $0x40000, s5;
	s8 =	sadd.s32 $0x38000, s5;
	s9 =	sadd.s32 $0x34000, s5  }
0xf: {  	s13 =	sadd.s32 $0x30000, s5;
	s14 =	sadd.s32 $0x2C000, s5;
	s15 =	sadd.s32 $0x28000, s5  }
0x10: {  	s19 =	sadd.s32 $0x20000, s5;
	[dreg:$0x1b] =	wrdreg s31;
	s3 =	sadd.s32 s11, s3  }
0x11: {  	[dreg:$0x4] =	wrdreg s1;
	s22 =	sshrl.u32 s20, $0x3;
	s12 =	sshrl.u32 s9, $0x3  }
0x12: {  	s17 =	sshrl.u32 s15, $0x3;
	s9 =	simm.s32 $0x0;
	s15 =	simm.s32 $0xB  }
0x13: {  	[dreg:$0x3] =	wrdreg s3;
	s3 =	sadd.s32 s7, s6;
	s2 =	sadd.s32 s22, s0  }
0x14: {  	s6 =	sshrl.u32 s24, $0x3;
	s7 =	sadd.s32 $0x3C000, s5;
	s16 =	sshll.u32 s3, $0x4  }
0x15: {  	[dreg:$0x7] =	wrdreg s2;
	s2 =	sshrl.u32 s23, $0x3;
	s26 =	sadd.s32 s6, s0  }
0x16: {  	s6 =	sshrl.u32 s25, $0x3;
	s2 =	sadd.s32 s2, s0;
	[dreg:$0x9] =	wrdreg s26  }
0x17: {  	s1 =	sadd.s32 s16, s0;
	s26 =	sadd.s32 $0xA00, s3;
	[dreg:$0x8] =	wrdreg s2  }
0x18: {  	s3 =	simm.s32 $0x40;
	s18 =	sadd.s32 $0x3000, s1;
	[dreg:$0x18] =	wrdreg s26  }
0x19: {  	s21 =	sadd.s32 $0x2800, s1;
	s2 =	sadd.s32 s6, s0;
	[dreg:$0x5] =	wrdreg s18  }
0x1a: {  	s6 =	sshrl.u32 s8, $0x3;
	s22 =	sadd.s32 $0x2000, s1;
	[dreg:$0x6] =	wrdreg s21  }
0x1b: {  	s23 =	sadd.s32 $0x1800, s1;
	s24 =	sadd.s32 $0x1000, s1;
	[dreg:$0xa] =	wrdreg s2  }
0x1c: {  	s25 =	sadd.s32 $0x800, s1;
	s8 =	simm.s32 $0x2;
	[dreg:$0x14] =	wrdreg s22  }
0x1d: {  	s2 =	sshrl.u32 s7, $0x3;
	s10 =	sadd.s32 s6, s0;
	[dreg:$0x15] =	wrdreg s23  }
0x1e: {  	s6 =	sshrl.u32 s14, $0x3;
	s18 =	sadd.s32 $0x24000, s5;
	[dreg:$0x16] =	wrdreg s24  }
0x1f: {  	s5 =	sor.u32 $0x1C000, s5;
	[dreg:$0x17] =	wrdreg s25;
	s7 =	simm.s32 $0x7400  }
0x20: {  	s25 =	simm.s32 $0x5400;
	s2 =	sadd.s32 s2, s0;
	[dreg:$0xc] =	wrdreg s10  }
0x21: {  	s16 =	sadd.s32 s6, s0;
	s6 =	sshrl.u32 s19, $0x3;
	s21 =	sshrl.u32 s5, $0x3  }
0x22: {  	s5 =	simm.s32 $0x3400;
	s10 =	simm.s32 $0x3;
	[dreg:$0xb] =	wrdreg s2  }
0x23: {  	s19 =	simm.s32 $0xD;
	s2 =	sadd.s32 s12, s0;
	[dreg:$0xf] =	wrdreg s16  }
0x24: {  	s20 =	sadd.s32 s6, s0;
	[dreg:$0xd] =	wrdreg s2;
	s2 =	sshrl.u32 s13, $0x3  }
0x25: {  	s6 =	simm.s32 $0x5400;
	[dreg:$0x12] =	wrdreg s20;
	s2 =	sadd.s32 s2, s0  }
0x26: {  	s12 =	simm.s32 $0x4;
	[dreg:$0xe] =	wrdreg s2;
	s2 =	sadd.s32 s17, s0  }
0x27: {  	s16 =	simm.s32 $0x5;
	[dreg:$0x10] =	wrdreg s2;
	s2 =	sshrl.u32 s18, $0x3  }
0x28: {  	s20 =	simm.s32 $0x7;
	s17 =	simm.s32 $0xC;
	s2 =	sadd.s32 s2, s0  }
0x29: {  	s18 =	simm.s32 $0x6;
	s0 =	sadd.s32 s21, s0;
	[dreg:$0x11] =	wrdreg s2  }
0x2a: {  	s21 =	simm.s32 $0xE;
	[dreg:$0x13] =	wrdreg s0;
	s2 =	simm.s32 $0x1400  }
.LBB2_1:
0x2b: {  	[dreg:$0x19] =	wrdreg s9  }
0x2c: {  	s1 =	simm.s32 $0x0;
	s0 =	rddreg [dreg:$0x3];
	s9 =	simm.s32 $0x16  }
0x2d: {  	[tilespmem:s1], [sflag:$0x16] =	stream.linear.gather [hbm4b:s0+s1], $0xA00, $0x38;
	[tilespmem:$0x15400] =	vst v63  }
0x2e: {  	_ =	swait.ge [sflag:s9], $0xA00  }
0x2f: {  	[sflag:s9] =	ssyncset.done $0x0  }
0x30: {  	[sflag:s9] =	ssyncadd.s32 $0xFFFFF600  }
0x31: {  	[tilespmem:s2], [sflag:$0x1] =	stream.indirect.gather [hbm4b:s4+s30], $0x40, s1, s30, $0xb8;
	[tilespmem:$0x15400] =	vst v63  }
0x32: {  	_ = 	snop  }
0x33: {  	[tilespmem:s5], [sflag:$0x2] =	stream.indirect.gather [hbm4b:s4+s30], $0x40, s30, s30, $0xb8;
	[tilespmem:$0x15400] =	vst v63  }
0x34: {  	s13 =	simm.s32 $0x100  }
0x35: {  	[tilespmem:s6], [sflag:$0x3] =	stream.indirect.gather [hbm4b:s4+s30], $0x40, s13, s30, $0xb8;
	[tilespmem:$0x15400] =	vst v63  }
0x36: {  	s14 =	simm.s32 $0x180  }
0x37: {  	[tilespmem:s7], [sflag:$0x4] =	stream.indirect.gather [hbm4b:s4+s30], $0x40, s14, s30, $0xb8;
	[tilespmem:$0x15400] =	vst v63  }
0x38: {  	s22 =	simm.s32 $0x200;
	s23 =	simm.s32 $0x280  }
0x39: {  	[tilespmem:s28], [sflag:$0x5] =	stream.indirect.gather [hbm4b:s4+s30], $0x40, s22, s30, $0xb8;
	[tilespmem:$0x15400] =	vst v63  }
0x3a: {  	s24 =	simm.s32 $0xB400;
	s26 =	simm.s32 $0x300;
	s1 =	simm.s32 $0x1  }
0x3b: {  	[tilespmem:s24], [sflag:$0x6] =	stream.indirect.gather [hbm4b:s4+s30], $0x40, s23, s30, $0xb8;
	[tilespmem:$0x15400] =	vst v63  }
0x3c: {  	s2 =	rddreg [dreg:$0x18];
	s5 =	simm.s32 $0x0;
	s28 =	simm.s32 $0xD400  }
0x3d: {  	[tilespmem:s28], [sflag:$0x7] =	stream.indirect.gather [hbm4b:s4+s30], $0x40, s26, s30, $0xb8;
	[tilespmem:$0x15400] =	vst v63  }
.LBB2_2:
0x3e: {  	s6 =	sand.u32 $0x1, s1;
	p0 =	seq.s32 s5, $0x5A000  }
0x3f: {  	s6 =	smul.u32 @!p0 $0x2800, s6  }
0x40: {  	s28 =	sshrl.u32 @!p0 s2, $0x3  }
0x41: {  	s26 =	simm.s32 @!p0 $0x0;
	s28 =	sadd.s32 @!p0 s11, s28;
	s6 =	sshrl.u32 @!p0 s6, $0x2  }
0x42: {  	[tilespmem:s6], [sflag:$0x15] =	stream.linear.gather @!p0 [hbm4b:s28+s26], $0xA00, $0x38;
	[tilespmem:$0x15400] =	vst v63  }
0x43: {  	s0 =	sadd.s32 s5, s31;
	s23 =	simm.s32 $0x1400;
	_ =	swait.ge [sflag:s29], $0x2000  }
0x44: {  	s7 =	sadd.s32 $0xFFFFFFFF, s1;
	p1 =	seq.s32 s5, $0x0;
	[sflag:s29] =	ssyncset.done $0x0  }
0x45: {  	s31 =	simm.s32 @!p1 $0x12;
	s26 =	sand.u32 $0x1, s7;
	[sflag:s29] =	ssyncadd.s32 $0xFFFFE000  }
0x46: {  	[hbm4b:s0+s3] =	stream.strided.scatter [tilespmem:s23], [sflag:$0xB], $0x2000, s30, s3, $0x38;
	[tilespmem:$0x15400] =	vst v63  }
0x47: {  	s28 =	simm.s32 $0xA00;
	p2 =	seq.s32 s26, $0x1;
	_ =	swait.ge @!p1 [sflag:s31], $0x2000  }
0x48: {  	s28 =	simm.s32 @!p2 $0x0;
	[sflag:s31] =	ssyncset.done @!p1 $0x0  }
0x49: {  	s7 =	simm.s32 $0xF400;
	s9 =	sadd.s32 $0x380, s28;
	[sflag:s31] =	ssyncadd.s32 @!p1 $0xFFFFE000  }
0x4a: {  	[tilespmem:s7], [sflag:$0x8] =	stream.indirect.gather [hbm4b:s4+s30], $0x40, s9, s30, $0xb8;
	[tilespmem:$0x15400] =	vst v63  }
0x4b: {  	_ =	swait.ge [sflag:s8], $0x2000  }
0x4c: {  	s26 =	simm.s32 @!p1 $0x13;
	[sflag:s8] =	ssyncset.done $0x0;
	s9 =	rddreg [dreg:$0x17]  }
0x4d: {  	s31 =	simm.s32 $0x3400;
	[sflag:s8] =	ssyncadd.s32 $0xFFFFE000;
	s11 =	sadd.s32 s5, s9  }
0x4e: {  	[hbm4b:s11+s3] =	stream.strided.scatter [tilespmem:s31], [sflag:$0xC], $0x2000, s30, s3, $0x38;
	[tilespmem:$0x15400] =	vst v63  }
0x4f: {  	_ =	swait.ge @!p1 [sflag:s26], $0x2000  }
0x50: {  	[sflag:s26] =	ssyncset.done @!p1 $0x0  }
0x51: {  	s13 =	sadd.s32 $0x400, s28;
	s0 =	simm.s32 $0x11400;
	[sflag:s26] =	ssyncadd.s32 @!p1 $0xFFFFE000  }
0x52: {  	[tilespmem:s0], [sflag:$0x9] =	stream.indirect.gather [hbm4b:s4+s30], $0x40, s13, s30, $0xb8;
	[tilespmem:$0x15400] =	vst v63  }
0x53: {  	_ =	swait.ge [sflag:s10], $0x2000  }
0x54: {  	[sflag:s10] =	ssyncset.done $0x0;
	s8 =	rddreg [dreg:$0x16]  }
0x55: {  	s26 =	simm.s32 @!p1 $0x14;
	[sflag:s10] =	ssyncadd.s32 $0xFFFFE000;
	s10 =	sadd.s32 s5, s8  }
0x56: {  	[hbm4b:s10+s3] =	stream.strided.scatter [tilespmem:s25], [sflag:$0xD], $0x2000, s30, s3, $0x38;
	[tilespmem:$0x15400] =	vst v63  }
0x57: {  	_ =	swait.ge @!p1 [sflag:s26], $0x2000  }
0x58: {  	[sflag:s26] =	ssyncset.done @!p1 $0x0  }
0x59: {  	s11 =	sadd.s32 $0x480, s28;
	s13 =	simm.s32 $0x13400;
	[sflag:s26] =	ssyncadd.s32 @!p1 $0xFFFFE000  }
0x5a: {  	[tilespmem:s13], [sflag:$0xA] =	stream.indirect.gather [hbm4b:s4+s30], $0x40, s11, s30, $0xb8;
	[tilespmem:$0x15400] =	vst v63  }
0x5b: {  	_ =	swait.ge [sflag:s12], $0x2000  }
0x5c: {  	[sflag:s12] =	ssyncset.done $0x0;
	s0 =	rddreg [dreg:$0x15]  }
0x5d: {  	s29 =	simm.s32 $0x7400;
	[sflag:s12] =	ssyncadd.s32 $0xFFFFE000;
	s7 =	sadd.s32 s5, s0  }
0x5e: {  	[hbm4b:s7+s3] =	stream.strided.scatter [tilespmem:s29], [sflag:$0xE], $0x2000, s30, s3, $0x38;
	[tilespmem:$0x15400] =	vst v63  }
0x5f: {  	_ =	swait.ge [sflag:s15], $0x2000  }
0x60: {  	[sflag:s15] =	ssyncset.done $0x0  }
0x61: {  	s9 =	sadd.s32 $0x500, s28;
	[sflag:s15] =	ssyncadd.s32 $0xFFFFE000  }
0x62: {  	[tilespmem:s23], [sflag:$0x1] =	stream.indirect.gather [hbm4b:s4+s30], $0x40, s9, s30, $0xb8;
	[tilespmem:$0x15400] =	vst v63  }
0x63: {  	_ =	swait.ge [sflag:s16], $0x2000  }
0x64: {  	[sflag:s16] =	ssyncset.done $0x0;
	s10 =	rddreg [dreg:$0x14]  }
0x65: {  	s0 =	simm.s32 $0x9400;
	[sflag:s16] =	ssyncadd.s32 $0xFFFFE000;
	s11 =	sadd.s32 s5, s10  }
0x66: {  	[hbm4b:s11+s3] =	stream.strided.scatter [tilespmem:s0], [sflag:$0xF], $0x2000, s30, s3, $0x38;
	[tilespmem:$0x15400] =	vst v63  }
0x67: {  	_ =	swait.ge [sflag:s17], $0x2000  }
0x68: {  	[sflag:s17] =	ssyncset.done $0x0  }
0x69: {  	s13 =	sadd.s32 $0x580, s28;
	[sflag:s17] =	ssyncadd.s32 $0xFFFFE000  }
0x6a: {  	[tilespmem:s31], [sflag:$0x2] =	stream.indirect.gather [hbm4b:s4+s30], $0x40, s13, s30, $0xb8;
	[tilespmem:$0x15400] =	vst v63  }
0x6b: {  	_ =	swait.ge [sflag:s18], $0x2000  }
0x6c: {  	[sflag:s18] =	ssyncset.done $0x0;
	s0 =	rddreg [dreg:$0x6]  }
0x6d: {  	s9 =	simm.s32 $0xB400;
	[sflag:s18] =	ssyncadd.s32 $0xFFFFE000;
	s7 =	sadd.s32 s5, s0  }
0x6e: {  	[hbm4b:s7+s3] =	stream.strided.scatter [tilespmem:s9], [sflag:$0x10], $0x2000, s30, s3, $0x38;
	[tilespmem:$0x15400] =	vst v63  }
0x6f: {  	_ =	swait.ge [sflag:s19], $0x2000  }
0x70: {  	[sflag:s19] =	ssyncset.done $0x0  }
0x71: {  	s11 =	sadd.s32 $0x600, s28;
	[sflag:s19] =	ssyncadd.s32 $0xFFFFE000  }
0x72: {  	[tilespmem:s25], [sflag:$0x3] =	stream.indirect.gather [hbm4b:s4+s30], $0x40, s11, s30, $0xb8;
	[tilespmem:$0x15400] =	vst v63  }
0x73: {  	_ =	swait.ge [sflag:s20], $0x2000  }
0x74: {  	[sflag:s20] =	ssyncset.done $0x0;
	s26 =	rddreg [dreg:$0x5]  }
0x75: {  	s7 =	simm.s32 $0xD400;
	[sflag:s20] =	ssyncadd.s32 $0xFFFFE000;
	s0 =	sadd.s32 s5, s26  }
0x76: {  	[hbm4b:s0+s3] =	stream.strided.scatter [tilespmem:s7], [sflag:$0x11], $0x2000, s30, s3, $0x38;
	[tilespmem:$0x15400] =	vst v63  }
0x77: {  	_ =	swait.ge [sflag:s21], $0x2000  }
0x78: {  	[sflag:s21] =	ssyncset.done $0x0  }
0x79: {  	s9 =	sadd.s32 $0x680, s28;
	s7 =	simm.s32 $0x8;
	[sflag:s21] =	ssyncadd.s32 $0xFFFFE000  }
0x7a: {  	[tilespmem:s29], [sflag:$0x4] =	stream.indirect.gather [hbm4b:s4+s30], $0x40, s9, s30, $0xb8;
	[tilespmem:$0x15400] =	vst v63  }
0x7b: {  	_ =	swait.ge [sflag:s7], $0x2000  }
0x7c: {  	s22 =	simm.s32 $0xF;
	[sflag:s7] =	ssyncset.done $0x0;
	s0 =	rddreg [dreg:$0x13]  }
0x7d: {  	[sflag:s7] =	ssyncadd.s32 $0xFFFFE000;
	s26 =	sadd.s32 s5, s0;
	s0 =	simm.s32 $0xF400  }
0x7e: {  	[hbm4b:s26+s3] =	stream.strided.scatter [tilespmem:s0], [sflag:$0x12], $0x2000, s30, s3, $0x38;
	[tilespmem:$0x15400] =	vst v63  }
0x7f: {  	_ =	swait.ge [sflag:s22], $0x2000  }
0x80: {  	s10 =	simm.s32 $0x9400;
	[sflag:s22] =	ssyncset.done $0x0  }
0x81: {  	s9 =	sadd.s32 $0x700, s28;
	[sflag:s22] =	ssyncadd.s32 $0xFFFFE000;
	s22 =	simm.s32 $0x9  }
0x82: {  	[tilespmem:s10], [sflag:$0x5] =	stream.indirect.gather [hbm4b:s4+s30], $0x40, s9, s30, $0xb8;
	[tilespmem:$0x15400] =	vst v63  }
0x83: {  	_ =	swait.ge [sflag:s22], $0x2000  }
0x84: {  	s24 =	simm.s32 $0x10;
	[sflag:s22] =	ssyncset.done $0x0;
	s10 =	rddreg [dreg:$0x12]  }
0x85: {  	[sflag:s22] =	ssyncadd.s32 $0xFFFFE000;
	s26 =	sadd.s32 s5, s10;
	s10 =	simm.s32 $0x11400  }
0x86: {  	[hbm4b:s26+s3] =	stream.strided.scatter [tilespmem:s10], [sflag:$0x13], $0x2000, s30, s3, $0x38;
	[tilespmem:$0x15400] =	vst v63  }
0x87: {  	_ =	swait.ge [sflag:s24], $0x2000  }
0x88: {  	s13 =	simm.s32 $0xB400;
	[sflag:s24] =	ssyncset.done $0x0  }
0x89: {  	s9 =	sadd.s32 $0x780, s28;
	[sflag:s24] =	ssyncadd.s32 $0xFFFFE000;
	s24 =	simm.s32 $0xA  }
0x8a: {  	[tilespmem:s13], [sflag:$0x6] =	stream.indirect.gather [hbm4b:s4+s30], $0x40, s9, s30, $0xb8;
	[tilespmem:$0x15400] =	vst v63  }
0x8b: {  	_ =	swait.ge [sflag:s24], $0x2000  }
0x8c: {  	s14 =	simm.s32 $0x11;
	[sflag:s24] =	ssyncset.done $0x0;
	s13 =	rddreg [dreg:$0x11]  }
0x8d: {  	s9 =	simm.s32 $0x13400;
	[sflag:s24] =	ssyncadd.s32 $0xFFFFE000;
	s26 =	sadd.s32 s5, s13  }
0x8e: {  	[hbm4b:s26+s3] =	stream.strided.scatter [tilespmem:s9], [sflag:$0x14], $0x2000, s30, s3, $0x38;
	[tilespmem:$0x15400] =	vst v63  }
0x8f: {  	_ =	swait.ge [sflag:s14], $0x2000  }
0x90: {  	s8 =	simm.s32 $0x1;
	[sflag:s14] =	ssyncset.done $0x0  }
0x91: {  	s11 =	simm.s32 $0xD400;
	[sflag:s14] =	ssyncadd.s32 $0xFFFFE000;
	s14 =	sadd.s32 $0x800, s28  }
0x92: {  	[tilespmem:s11], [sflag:$0x7] =	stream.indirect.gather [hbm4b:s4+s30], $0x40, s14, s30, $0xb8;
	[tilespmem:$0x15400] =	vst v63  }
0x93: {  	_ =	swait.ge [sflag:s8], $0x2000  }
0x94: {  	[sflag:s8] =	ssyncset.done $0x0;
	s11 =	rddreg [dreg:$0x10]  }
0x95: {  	s13 =	simm.s32 $0x12;
	[sflag:s8] =	ssyncadd.s32 $0xFFFFE000;
	s26 =	sadd.s32 s5, s11  }
0x96: {  	[hbm4b:s26+s3] =	stream.strided.scatter [tilespmem:s23], [sflag:$0xB], $0x2000, s30, s3, $0x38;
	[tilespmem:$0x15400] =	vst v63  }
0x97: {  	_ =	swait.ge [sflag:s13], $0x2000  }
0x98: {  	[sflag:s13] =	ssyncset.done $0x0  }
0x99: {  	s8 =	simm.s32 $0x2;
	s23 =	sadd.s32 $0x880, s28;
	[sflag:s13] =	ssyncadd.s32 $0xFFFFE000  }
0x9a: {  	[tilespmem:s0], [sflag:$0x8] =	stream.indirect.gather [hbm4b:s4+s30], $0x40, s23, s30, $0xb8;
	[tilespmem:$0x15400] =	vst v63  }
0x9b: {  	_ =	swait.ge [sflag:s8], $0x2000  }
0x9c: {  	[sflag:s8] =	ssyncset.done $0x0;
	s26 =	rddreg [dreg:$0xf]  }
0x9d: {  	s13 =	simm.s32 $0x13;
	[sflag:s8] =	ssyncadd.s32 $0xFFFFE000;
	s0 =	sadd.s32 s5, s26  }
0x9e: {  	[hbm4b:s0+s3] =	stream.strided.scatter [tilespmem:s31], [sflag:$0xC], $0x2000, s30, s3, $0x38;
	[tilespmem:$0x15400] =	vst v63  }
0x9f: {  	_ =	swait.ge [sflag:s13], $0x2000  }
0xa0: {  	[sflag:s13] =	ssyncset.done $0x0  }
0xa1: {  	s12 =	simm.s32 $0x3;
	s23 =	sadd.s32 $0x900, s28;
	[sflag:s13] =	ssyncadd.s32 $0xFFFFE000  }
0xa2: {  	[tilespmem:s10], [sflag:$0x9] =	stream.indirect.gather [hbm4b:s4+s30], $0x40, s23, s30, $0xb8;
	[tilespmem:$0x15400] =	vst v63  }
0xa3: {  	_ =	swait.ge [sflag:s12], $0x2000  }
0xa4: {  	[sflag:s12] =	ssyncset.done $0x0;
	s26 =	rddreg [dreg:$0xe]  }
0xa5: {  	s13 =	simm.s32 $0x14;
	[sflag:s12] =	ssyncadd.s32 $0xFFFFE000;
	s10 =	sadd.s32 s5, s26  }
0xa6: {  	[hbm4b:s10+s3] =	stream.strided.scatter [tilespmem:s25], [sflag:$0xD], $0x2000, s30, s3, $0x38;
	[tilespmem:$0x15400] =	vst v63  }
0xa7: {  	_ =	swait.ge [sflag:s13], $0x2000  }
0xa8: {  	[sflag:s13] =	ssyncset.done $0x0  }
0xa9: {  	s0 =	sadd.s32 $0x980, s28;
	s12 =	simm.s32 $0x4;
	[sflag:s13] =	ssyncadd.s32 $0xFFFFE000  }
0xaa: {  	[tilespmem:s9], [sflag:$0xA] =	stream.indirect.gather [hbm4b:s4+s30], $0x40, s0, s30, $0xb8;
	[tilespmem:$0x15400] =	vst v63  }
0xab: {  	_ =	swait.ge [sflag:s12], $0x2000  }
0xac: {  	[sflag:s12] =	ssyncset.done $0x0;
	s9 =	rddreg [dreg:$0xd]  }
0xad: {  	[sflag:s12] =	ssyncadd.s32 $0xFFFFE000;
	s10 =	sadd.s32 s5, s9  }
0xae: {  	[hbm4b:s10+s3] =	stream.strided.scatter [tilespmem:s29], [sflag:$0xE], $0x2000, s30, s3, $0x38;
	[tilespmem:$0x15400] =	vst v63  }
0xaf: {  	_ =	swait.ge [sflag:s15], $0x2000  }
0xb0: {  	[sflag:s15] =	ssyncset.done $0x0  }
0xb1: {  	s26 =	simm.s32 @!p0 $0x15;
	[sflag:s15] =	ssyncadd.s32 $0xFFFFE000  }
0xb2: {  	_ =	swait.ge @!p0 [sflag:s26], $0xA00  }
0xb3: {  	[sflag:s26] =	ssyncset.done @!p0 $0x0  }
0xb4: {  	s28 =	simm.s32 @!p0 $0x80;
	[sflag:s26] =	ssyncadd.s32 @!p0 $0xFFFFF600;
	s26 =	simm.s32 @!p0 $0x1400  }
0xb5: {  	[tilespmem:s26], [sflag:$0x1] =	stream.indirect.gather @!p0 [hbm4b:s4+s28], $0x40, s6, s28, $0xb8;
	[tilespmem:$0x15400] =	vst v63  }
0xb6: {  	_ =	swait.ge [sflag:s16], $0x2000  }
0xb7: {  	[sflag:s16] =	ssyncset.done $0x0;
	s26 =	rddreg [dreg:$0xc]  }
0xb8: {  	s10 =	simm.s32 $0x9400;
	[sflag:s16] =	ssyncadd.s32 $0xFFFFE000;
	s9 =	sadd.s32 s5, s26  }
0xb9: {  	[hbm4b:s9+s3] =	stream.strided.scatter [tilespmem:s10], [sflag:$0xF], $0x2000, s30, s3, $0x38;
	[tilespmem:$0x15400] =	vst v63  }
0xba: {  	_ =	swait.ge [sflag:s17], $0x2000  }
0xbb: {  	[sflag:s17] =	ssyncset.done $0x0  }
0xbc: {  	s31 =	simm.s32 @!p0 $0x3400;
	s26 =	sor.u32 @!p0 $0x80, s6;
	[sflag:s17] =	ssyncadd.s32 $0xFFFFE000  }
0xbd: {  	[tilespmem:s31], [sflag:$0x2] =	stream.indirect.gather @!p0 [hbm4b:s4+s28], $0x40, s26, s28, $0xb8;
	[tilespmem:$0x15400] =	vst v63  }
0xbe: {  	_ =	swait.ge [sflag:s18], $0x2000  }
0xbf: {  	[sflag:s18] =	ssyncset.done $0x0;
	s26 =	rddreg [dreg:$0xb]  }
0xc0: {  	s9 =	simm.s32 $0xB400;
	[sflag:s18] =	ssyncadd.s32 $0xFFFFE000;
	s0 =	sadd.s32 s5, s26  }
0xc1: {  	[hbm4b:s0+s3] =	stream.strided.scatter [tilespmem:s9], [sflag:$0x10], $0x2000, s30, s3, $0x38;
	[tilespmem:$0x15400] =	vst v63  }
0xc2: {  	_ =	swait.ge [sflag:s19], $0x2000  }
0xc3: {  	[sflag:s19] =	ssyncset.done $0x0  }
0xc4: {  	s31 =	simm.s32 @!p0 $0x5400;
	s26 =	sor.u32 @!p0 $0x100, s6;
	[sflag:s19] =	ssyncadd.s32 $0xFFFFE000  }
0xc5: {  	[tilespmem:s31], [sflag:$0x3] =	stream.indirect.gather @!p0 [hbm4b:s4+s28], $0x40, s26, s28, $0xb8;
	[tilespmem:$0x15400] =	vst v63  }
0xc6: {  	_ =	swait.ge [sflag:s20], $0x2000  }
0xc7: {  	[sflag:s20] =	ssyncset.done $0x0;
	s26 =	rddreg [dreg:$0xa]  }
0xc8: {  	s14 =	simm.s32 $0xD400;
	[sflag:s20] =	ssyncadd.s32 $0xFFFFE000;
	s0 =	sadd.s32 s5, s26  }
0xc9: {  	[hbm4b:s0+s3] =	stream.strided.scatter [tilespmem:s14], [sflag:$0x11], $0x2000, s30, s3, $0x38;
	[tilespmem:$0x15400] =	vst v63  }
0xca: {  	_ =	swait.ge [sflag:s21], $0x2000  }
0xcb: {  	[sflag:s21] =	ssyncset.done $0x0  }
0xcc: {  	s31 =	simm.s32 @!p0 $0x7400;
	s26 =	sor.u32 @!p0 $0x180, s6;
	[sflag:s21] =	ssyncadd.s32 $0xFFFFE000  }
0xcd: {  	[tilespmem:s31], [sflag:$0x4] =	stream.indirect.gather @!p0 [hbm4b:s4+s28], $0x40, s26, s28, $0xb8;
	[tilespmem:$0x15400] =	vst v63  }
0xce: {  	_ =	swait.ge [sflag:s7], $0x2000  }
0xcf: {  	[sflag:s7] =	ssyncset.done $0x0  }
0xd0: {  	[sflag:s7] =	ssyncadd.s32 $0xFFFFE000;
	s7 =	rddreg [dreg:$0x9]  }
0xd1: {  	s11 =	simm.s32 $0xF400;
	s9 =	sadd.s32 s5, s7  }
0xd2: {  	[hbm4b:s9+s3] =	stream.strided.scatter [tilespmem:s11], [sflag:$0x12], $0x2000, s30, s3, $0x38;
	[tilespmem:$0x15400] =	vst v63  }
0xd3: {  	s11 =	simm.s32 $0xF  }
0xd4: {  	_ =	swait.ge [sflag:s11], $0x2000  }
0xd5: {  	[sflag:s11] =	ssyncset.done $0x0  }
0xd6: {  	s26 =	sadd.s32 @!p0 $0x200, s6;
	s31 =	simm.s32 @!p0 $0x9400;
	[sflag:s11] =	ssyncadd.s32 $0xFFFFE000  }
0xd7: {  	[tilespmem:s31], [sflag:$0x5] =	stream.indirect.gather @!p0 [hbm4b:s4+s28], $0x40, s26, s28, $0xb8;
	[tilespmem:$0x15400] =	vst v63  }
0xd8: {  	_ =	swait.ge [sflag:s22], $0x2000  }
0xd9: {  	s23 =	simm.s32 $0x11400;
	[sflag:s22] =	ssyncset.done $0x0;
	s14 =	rddreg [dreg:$0x8]  }
0xda: {  	s7 =	simm.s32 $0x10;
	[sflag:s22] =	ssyncadd.s32 $0xFFFFE000;
	s22 =	sadd.s32 s5, s14  }
0xdb: {  	[hbm4b:s22+s3] =	stream.strided.scatter [tilespmem:s23], [sflag:$0x13], $0x2000, s30, s3, $0x38;
	[tilespmem:$0x15400] =	vst v63  }
0xdc: {  	_ =	swait.ge [sflag:s7], $0x2000  }
0xdd: {  	[sflag:s7] =	ssyncset.done $0x0  }
0xde: {  	s26 =	sadd.s32 @!p0 $0x280, s6;
	s31 =	simm.s32 @!p0 $0xB400;
	[sflag:s7] =	ssyncadd.s32 $0xFFFFE000  }
0xdf: {  	[tilespmem:s31], [sflag:$0x6] =	stream.indirect.gather @!p0 [hbm4b:s4+s28], $0x40, s26, s28, $0xb8;
	[tilespmem:$0x15400] =	vst v63  }
0xe0: {  	s31 =	rddreg [dreg:$0x1b];
	_ =	swait.ge [sflag:s24], $0x2000  }
0xe1: {  	s13 =	simm.s32 $0x13400;
	[sflag:s24] =	ssyncset.done $0x0;
	s23 =	rddreg [dreg:$0x7]  }
0xe2: {  	[sflag:s24] =	ssyncadd.s32 $0xFFFFE000;
	s24 =	sadd.s32 s5, s23;
	s5 =	sadd.s32 @!p0 $0xA000, s5  }
0xe3: {  	[hbm4b:s24+s3] =	stream.strided.scatter [tilespmem:s13], [sflag:$0x14], $0x2000, s30, s3, $0x38;
	[tilespmem:$0x15400] =	vst v63  }
0xe4: {  	p1 =	sne.s32 @!p0 s5, $0x64000  }
0xe5: {  	p1 =	por p0, !p1  }
.Ltmp0:
0xe6: {  	s2 =	sadd.s32 @!p0 $0xA00, s2;
	s9 =	simm.s32 $0x11;
	(pc) =	sbr.rel @!p1 .LBB2_2-.Ltmp0, $4  }
0xe7: {  	s1 =	sadd.s32 @!p0 $0x1, s1;
	s29 =	simm.s32 $0x1;
	_ =	swait.ge [sflag:s9], $0x2000  }
0xe8: {  	s10 =	simm.s32 $0x3;
	s6 =	sadd.s32 @!p0 $0x300, s6;
	[sflag:s9] =	ssyncset.done $0x0  }
0xe9: {  	s26 =	simm.s32 @!p0 $0xD400;
	s11 =	rddreg [dreg:$0x1a];
	[sflag:s9] =	ssyncadd.s32 $0xFFFFE000  }
0xea: {  	[tilespmem:s26], [sflag:$0x7] =	stream.indirect.gather @!p0 [hbm4b:s4+s28], $0x40, s6, s28, $0xb8;
	[tilespmem:$0x15400] =	vst v63  }
0xeb: {  	s0 =	simm.s32 $0x12  }
0xec: {  	_ =	swait.ge [sflag:s0], $0x2000  }
0xed: {  	[sflag:s0] =	ssyncset.done $0x0  }
0xee: {  	s24 =	simm.s32 $0x13;
	[sflag:s0] =	ssyncadd.s32 $0xFFFFE000  }
0xef: {  	_ =	swait.ge [sflag:s24], $0x2000  }
0xf0: {  	[sflag:s24] =	ssyncset.done $0x0  }
0xf1: {  	s1 =	simm.s32 $0x14;
	[sflag:s24] =	ssyncadd.s32 $0xFFFFE000  }
0xf2: {  	_ =	swait.ge [sflag:s1], $0x2000  }
0xf3: {  	s9 =	rddreg [dreg:$0x19]  }
0xf4: {  	s26 =	rddreg [dreg:$0x4];
	s9 =	sadd.s32 $0x1, s9  }
0xf5: {  	p0 =	sne.s32 s9, s26  }
.Ltmp1:
0xf6: {  	_ = 	snop;
	(pc) =	sbr.rel @p0 .LBB2_1-.Ltmp1, $4  }
0xf7: {  	_ = 	snop  }
0xf8: {  	s2 =	simm.s32 $0x1400  }
0xf9: {  	s5 =	simm.s32 $0x3400;
	s6 =	simm.s32 $0x5400;
	[sflag:s1] =	ssyncset.done $0x0  }
0xfa: {  	s7 =	simm.s32 $0x7400;
	s28 =	simm.s32 $0x9400;
	[sflag:s1] =	ssyncadd.s32 $0xFFFFE000  }
0xfb: {  	_ =	sfence.sel $0x180000  }
0xfc: {  	[bflag:$0x0] =	sbarrier.arrive $0xFFFF  }
0xfd: {  	_ =	strace $0x90000047  }
0xfe: {  	s0 =	stileid.u32;
	[bflag:$0x2] =	sbarrier.arrive $0xFFFF  }
0xff: {  	p0 =	sne.s32 s0, $0x0;
	s0 =	rddreg [dreg:$0x2]  }
0x100: {  	s0 =	sadd.s32 @!p0 $0x100000, s0  }
0x101: {  	[sflag:s0] =	ssyncadd.tile.s32 @!p0 $0x1;
	_ =	shalt  }
.Lfunc_end2:
_tile_overlayer_lowered:
.L_overlay_start_2:
0x102: {  	(tag) =	ssettag $0x2  }
0x103: {  	s0 =	rddreg [dreg:$0x0];
	s2 =	stileid.u32  }
0x104: {  	s1 =	rddreg [dreg:$0x1];
	p0 =	sne.s32 s2, $0x0  }
0x105: {  	s3 =	rddreg [dreg:$0x2];
	[bflag:$0x3] =	sbarrier.arrive $0xFFFF;
	s2 =	simm.s32 @!p0 $0x1C16  }
0x106: {  	[timem:s3], [sflag:s2] =	dma.local @!p0 [hbm:s0], s1  }
0x107: {  	s0 =	simm.s32 @!p0 $0x16  }
0x108: {  	_ =	swait.ge @!p0 [sflag:s0], s1  }
0x109: {  	s1 =	ssub.s32 @!p0 $0x0, s1;
	[sflag:s0] =	ssyncset.done @!p0 $0x0  }
0x10a: {  	[sflag:s0] =	ssyncadd.s32 @!p0 s1  }
0x10b: {  	[bflag:$0x3] =	sbarrier.arrive $0xFFFF  }
0x10c: {  	_ =	shalt  }

</sc_bundles>
